<compile_context>
chip_gen: v7x
topology: tpu7x:2x2x1
jax: 0.10.2.dev20260603
libtpu: 0.0.44.dev20260713+nightly
codegen_flags: <defaults>
</compile_context>

<pallas_src>
import functools

import jax
import jax.numpy as jnp
from jax import lax
from jax.experimental import pallas as pl
from jax.experimental.pallas import tpu as pltpu
from jax.experimental.pallas import tpu_sc as plsc

_B, _C, _N, _K = 16, 768, 2048, 128
_R = _B * _C
_NW = 32
_ROWS_PER_W = _R // _NW
_VPC = _K // 16
_IL = 2


def _sc_sort16(v, descending):
  return plsc.sort_key_val(v, v, descending=descending)[0]


def _bitonic_clean(vs, sortfn, descending):
  vs = list(vs)
  m = len(vs)
  s = m // 2
  while s >= 1:
    nxt = list(vs)
    for blk in range(0, m, 2 * s):
      for i in range(blk, blk + s):
        a, b = vs[i], vs[i + s]
        if descending:
          nxt[i] = jnp.maximum(a, b)
          nxt[i + s] = jnp.minimum(a, b)
        else:
          nxt[i] = jnp.minimum(a, b)
          nxt[i + s] = jnp.maximum(a, b)
    vs = nxt
    s //= 2
  return [sortfn(v, descending) for v in vs]


def _merge_keep_all(run_a, run_b, sortfn, descending):
  m = len(run_a)
  if descending:
    hi = [jnp.maximum(run_a[i], run_b[i]) for i in range(m)]
    lo = [jnp.minimum(run_a[i], run_b[i]) for i in range(m)]
  else:
    hi = [jnp.minimum(run_a[i], run_b[i]) for i in range(m)]
    lo = [jnp.maximum(run_a[i], run_b[i]) for i in range(m)]
  return (_bitonic_clean(hi, sortfn, descending)
          + _bitonic_clean(lo, sortfn, descending))


def _merge_keep_top(run_a, run_b, sortfn):
  m = len(run_a)
  hi = [jnp.maximum(run_a[i], run_b[i]) for i in range(m)]
  return _bitonic_clean(hi, sortfn, True)


def _build_sorted_run(vs, sortfn, descending):
  if len(vs) == 1:
    return [sortfn(vs[0], descending)]
  h = len(vs) // 2
  run_a = _build_sorted_run(vs[:h], sortfn, descending)
  run_b = _build_sorted_run(vs[h:], sortfn, not descending)
  return _merge_keep_all(run_a, run_b, sortfn, descending)


@functools.lru_cache(maxsize=1)
def _make_sc_topk():
  mesh = plsc.VectorSubcoreMesh(
      core_axis_name="c", subcore_axis_name="s", num_cores=2, num_subcores=16)

  @functools.partial(
      pl.kernel,
      out_type=jax.ShapeDtypeStruct((_R, _K), jnp.float32),
      mesh=mesh,
      scratch_types=[
          pltpu.VMEM((_IL, _N), jnp.float32),
          pltpu.VMEM((_IL, _N), jnp.float32),
          pltpu.VMEM((_IL, _K), jnp.float32),
          pltpu.VMEM((_IL, _K), jnp.float32),
          pltpu.SemaphoreType.DMA,
          pltpu.SemaphoreType.DMA,
          pltpu.SemaphoreType.DMA,
          pltpu.SemaphoreType.DMA,
      ],
      compiler_params=pltpu.CompilerParams(needs_layout_passes=False),
  )
  def topk_rows(x_hbm, out_hbm, in_a, in_b, o0, o1,
                sem_a, sem_b, sem_o0, sem_o1):
    wid = lax.axis_index("s") * 2 + lax.axis_index("c")
    base = wid * _ROWS_PER_W

    def compute_il(buf, out_buf):
      runs = []
      for k in range(_IL):
        first = [buf[k, pl.ds(16 * i, 16)] for i in range(_VPC)]
        runs.append(tuple(_build_sorted_run(first, _sc_sort16, True)))

      def chunk_body(ci, carry):
        outs = []
        for k in range(_IL):
          rk = list(carry[k * _VPC:(k + 1) * _VPC])
          vs = [buf[k, pl.ds(ci * _K + 16 * i, 16)] for i in range(_VPC)]
          nr = _build_sorted_run(vs, _sc_sort16, False)
          outs.extend(_merge_keep_top(rk, nr, _sc_sort16))
        return tuple(outs)

      carry = lax.fori_loop(1, _N // _K, chunk_body, sum(runs, ()))
      for k in range(_IL):
        for i in range(_VPC):
          out_buf[k, pl.ds(16 * i, 16)] = carry[k * _VPC + i]

    pltpu.sync_copy(x_hbm.at[pl.ds(base, _IL)], in_a)

    def body(q, carry):
      r0 = base + 2 * _IL * q
      dma_b = pltpu.async_copy(x_hbm.at[pl.ds(r0 + _IL, _IL)], in_b, sem_b)

      @pl.when(q > 0)
      def _wait_o0():
        pltpu.make_async_copy(o0, out_hbm.at[pl.ds(r0, _IL)], sem_o0).wait()

      compute_il(in_a, o0)
      pltpu.async_copy(o0, out_hbm.at[pl.ds(r0, _IL)], sem_o0)
      dma_b.wait()

      nxt = jnp.minimum(r0 + 2 * _IL, _R - _IL)
      dma_a = pltpu.async_copy(x_hbm.at[pl.ds(nxt, _IL)], in_a, sem_a)

      @pl.when(q > 0)
      def _wait_o1():
        pltpu.make_async_copy(o1, out_hbm.at[pl.ds(r0, _IL)], sem_o1).wait()

      compute_il(in_b, o1)
      pltpu.async_copy(o1, out_hbm.at[pl.ds(r0 + _IL, _IL)], sem_o1)
      dma_a.wait()
      return carry

    lax.fori_loop(0, _ROWS_PER_W // (2 * _IL), body, 0)
    pltpu.make_async_copy(o0, out_hbm.at[pl.ds(base, _IL)], sem_o0).wait()
    pltpu.make_async_copy(o1, out_hbm.at[pl.ds(base, _IL)], sem_o1).wait()

  return topk_rows


def kernel(x):
  rows = x.reshape(_R, _N)
  out = _make_sc_topk()(rows)
  return out.reshape(_B, _C, _K)

# --- scband reference (transcript-rebuilt; emitter-appended) ---
"""Pipeline reference for scband-kmax-pool-82119774699775 (READ-ONLY COPY).

The authoritative reference and input builder live on the scoring server;
editing this copy changes nothing except your own understanding.
"""

import jax, jax.numpy as jnp
import numpy as np

K = 128

def setup_inputs(seed: int = 0) -> dict:
    key = jax.random.key(seed)
    x = jax.random.normal(key, (16, 768, 2048), dtype=jnp.float32)
    return {"x": x}

def reference(x):
    # KMaxPool: top-k over the last dimension, values only.
    # torch's sorted=False only affects ordering; the set of values is identical.
    vals, _ = jax.lax.top_k(x, K)
    return vals

if __name__ == "__main__":
    import jax
    _d = setup_inputs()
    print(jax.jit(kernel)(*tuple(_d.values())))

</pallas_src>

<mosaic_0001>
#map = affine_map<(d0, d1) -> (0, 0)>
module attributes {stable_mosaic.version = 14 : i64} {
  func.func @topk_rows(%arg0: i32, %arg1: i32, %arg2: memref<12288x2048xf32, #tpu.memory_space<hbm>>, %arg3: memref<12288x128xf32, #tpu.memory_space<hbm>>, %arg4: memref<2x2048xf32, #tpu.memory_space<vmem>>, %arg5: memref<2x2048xf32, #tpu.memory_space<vmem>>, %arg6: memref<2x128xf32, #tpu.memory_space<vmem>>, %arg7: memref<2x128xf32, #tpu.memory_space<vmem>>, %arg8: memref<!tpu.dma_semaphore, #tpu.memory_space<semaphore_mem>>, %arg9: memref<!tpu.dma_semaphore, #tpu.memory_space<semaphore_mem>>, %arg10: memref<!tpu.dma_semaphore, #tpu.memory_space<semaphore_mem>>, %arg11: memref<!tpu.dma_semaphore, #tpu.memory_space<semaphore_mem>>) attributes {dimension_semantics = [#tpu.dimension_semantics<core_parallel>, #tpu.dimension_semantics<subcore_parallel>], iteration_bounds = array<i64: 2, 16>, scalar_prefetch = 0 : i64, scratch_operands = 8 : i64, tpu.core_type = #tpu.core_type<sc_vector_subcore>, window_params = [{transform_indices = #map}, {transform_indices = #map}]} {
    %mul3A = arith.constant 2 : i32
    %mul3A_0 = arith.muli %arg1, %mul3A : i32
    %add3A = arith.addi %mul3A_0, %arg0 : i32
    %mul3A_1 = arith.constant 384 : i32
    %mul3A_2 = arith.muli %add3A, %mul3A_1 : i32
    "tpu.region"() ({
      %run_scoped3A = tpu.sem_alloc : memref<!tpu.dma_semaphore, #tpu.memory_space<semaphore_mem>>
      %dma_start3A = arith.constant 0 : i32
      %dma_start3A_15 = tpu.memref_slice %arg2[%mul3A_2, %dma_start3A] : memref<12288x2048xf32, #tpu.memory_space<hbm>> -> memref<2x2048xf32, #tpu.memory_space<hbm>>
      %dma_start3A_16 = arith.constant 0 : i32
      %dma_start3A_17 = tpu.memref_slice %arg2[%mul3A_2, %dma_start3A_16] : memref<12288x2048xf32, #tpu.memory_space<hbm>> -> memref<2x2048xf32, #tpu.memory_space<hbm>>
      tpu.enqueue_dma source(%dma_start3A_17 : memref<2x2048xf32, #tpu.memory_space<hbm>>) target(%arg4 : memref<2x2048xf32, #tpu.memory_space<vmem>>) target_semaphore(%run_scoped3A : memref<!tpu.dma_semaphore, #tpu.memory_space<semaphore_mem>>)
      %dma_wait3A_18 = arith.constant 0 : i32
      %dma_wait3A_19 = tpu.memref_slice %arg2[%mul3A_2, %dma_wait3A_18] : memref<12288x2048xf32, #tpu.memory_space<hbm>> -> memref<2x2048xf32, #tpu.memory_space<hbm>>
      %dma_wait3A_20 = arith.constant 0 : i32
      %dma_wait3A_21 = tpu.memref_slice %arg2[%mul3A_2, %dma_wait3A_20] : memref<12288x2048xf32, #tpu.memory_space<hbm>> -> memref<2x2048xf32, #tpu.memory_space<hbm>>
      tpu.wait_dma2 semaphore(%run_scoped3A : memref<!tpu.dma_semaphore, #tpu.memory_space<semaphore_mem>>) src(%dma_wait3A_21 : memref<2x2048xf32, #tpu.memory_space<hbm>>) dst(%arg4 : memref<2x2048xf32, #tpu.memory_space<vmem>>)
      tpu.yield
    }) : () -> ()
    %scan3A = arith.constant 0 : i32
    %scan3A_3 = arith.constant 0 : i32
    %scan3A_4 = arith.constant 96 : i32
    %scan3A_5 = arith.addi %scan3A_3, %scan3A_4 : i32
    %scan3A_6 = arith.constant 1 : i32
    scf.for %scan3A_15 = %scan3A_3 to %scan3A_5 step %scan3A_6  : i32 {
      %mul3A_16 = arith.constant 4 : i32
      %mul3A_17 = arith.muli %mul3A_16, %scan3A_15 : i32
      %add3A_18 = arith.addi %mul3A_2, %mul3A_17 : i32
      %add3A_19 = arith.constant 2 : i32
      %add3A_20 = arith.addi %add3A_18, %add3A_19 : i32
      %dma_start3A = arith.constant 0 : i32
      %dma_start3A_21 = tpu.memref_slice %arg2[%add3A_20, %dma_start3A] : memref<12288x2048xf32, #tpu.memory_space<hbm>> -> memref<2x2048xf32, #tpu.memory_space<hbm>>
      %dma_start3A_22 = arith.constant 0 : i32
      %dma_start3A_23 = tpu.memref_slice %arg2[%add3A_20, %dma_start3A_22] : memref<12288x2048xf32, #tpu.memory_space<hbm>> -> memref<2x2048xf32, #tpu.memory_space<hbm>>
      tpu.enqueue_dma source(%dma_start3A_23 : memref<2x2048xf32, #tpu.memory_space<hbm>>) target(%arg5 : memref<2x2048xf32, #tpu.memory_space<vmem>>) target_semaphore(%arg9 : memref<!tpu.dma_semaphore, #tpu.memory_space<semaphore_mem>>)
      %gt3A = arith.constant 0 : i32
      %gt3A_24 = arith.cmpi sgt, %scan3A_15, %gt3A : i32
      %convert_element_type3A = arith.extui %gt3A_24 : i1 to i32
      %cond3A = arith.constant 0 : i32
      %cond3A_25 = arith.cmpi ne, %convert_element_type3A, %cond3A : i32
      scf.if %cond3A_25 {
        %dma_wait3A_1024 = arith.constant 0 : i32
        %dma_wait3A_1025 = tpu.memref_slice %arg3[%add3A_18, %dma_wait3A_1024] : memref<12288x128xf32, #tpu.memory_space<hbm>> -> memref<2x128xf32, #tpu.memory_space<hbm>>
        %dma_wait3A_1026 = arith.constant 0 : i32
        %dma_wait3A_1027 = tpu.memref_slice %arg3[%add3A_18, %dma_wait3A_1026] : memref<12288x128xf32, #tpu.memory_space<hbm>> -> memref<2x128xf32, #tpu.memory_space<hbm>>
        tpu.wait_dma2 semaphore(%arg10 : memref<!tpu.dma_semaphore, #tpu.memory_space<semaphore_mem>>) src(%arg6 : memref<2x128xf32, #tpu.memory_space<vmem>>) dst(%dma_wait3A_1027 : memref<2x128xf32, #tpu.memory_space<hbm>>)
      } else {
      }
      %get3A = arith.constant 0 : i32
      %get3A_26 = arith.index_cast %get3A : i32 to index
      %get3A_27 = arith.constant 0 : index
      %get3A_28 = tpu.vector_load %arg4[%get3A_26, %get3A_27] {strides = array<i32>} : memref<2x2048xf32, #tpu.memory_space<vmem>>, vector<16xf32>,
      %get3A_29 = arith.constant 0 : i32
      %get3A_30 = arith.index_cast %get3A_29 : i32 to index
      %get3A_31 = arith.constant 16 : index
      %get3A_32 = tpu.vector_load %arg4[%get3A_30, %get3A_31] {strides = array<i32>} : memref<2x2048xf32, #tpu.memory_space<vmem>>, vector<16xf32>,
      %get3A_33 = arith.constant 0 : i32
      %get3A_34 = arith.index_cast %get3A_33 : i32 to index
      %get3A_35 = arith.constant 32 : index
      %get3A_36 = tpu.vector_load %arg4[%get3A_34, %get3A_35] {strides = array<i32>} : memref<2x2048xf32, #tpu.memory_space<vmem>>, vector<16xf32>,
      %get3A_37 = arith.constant 0 : i32
      %get3A_38 = arith.index_cast %get3A_37 : i32 to index
      %get3A_39 = arith.constant 48 : index
      %get3A_40 = tpu.vector_load %arg4[%get3A_38, %get3A_39] {strides = array<i32>} : memref<2x2048xf32, #tpu.memory_space<vmem>>, vector<16xf32>,
      %get3A_41 = arith.constant 0 : i32
      %get3A_42 = arith.index_cast %get3A_41 : i32 to index
      %get3A_43 = arith.constant 64 : index
      %get3A_44 = tpu.vector_load %arg4[%get3A_42, %get3A_43] {strides = array<i32>} : memref<2x2048xf32, #tpu.memory_space<vmem>>, vector<16xf32>,
      %get3A_45 = arith.constant 0 : i32
      %get3A_46 = arith.index_cast %get3A_45 : i32 to index
      %get3A_47 = arith.constant 80 : index
      %get3A_48 = tpu.vector_load %arg4[%get3A_46, %get3A_47] {strides = array<i32>} : memref<2x2048xf32, #tpu.memory_space<vmem>>, vector<16xf32>,
      %get3A_49 = arith.constant 0 : i32
      %get3A_50 = arith.index_cast %get3A_49 : i32 to index
      %get3A_51 = arith.constant 96 : index
      %get3A_52 = tpu.vector_load %arg4[%get3A_50, %get3A_51] {strides = array<i32>} : memref<2x2048xf32, #tpu.memory_space<vmem>>, vector<16xf32>,
      %get3A_53 = arith.constant 0 : i32
      %get3A_54 = arith.index_cast %get3A_53 : i32 to index
      %get3A_55 = arith.constant 112 : index
      %get3A_56 = tpu.vector_load %arg4[%get3A_54, %get3A_55] {strides = array<i32>} : memref<2x2048xf32, #tpu.memory_space<vmem>>, vector<16xf32>,
      %masked_sort3A = arith.constant dense<true> : vector<16xi1>
      %masked_sort3A_57, %masked_sort3A_58, %masked_sort3A_59 = tpu.sort %get3A_28, %get3A_28 masked %masked_sort3A {descending = true} : (vector<16xf32>, vector<16xf32>, vector<16xi1>) -> (vector<16xi1>, vector<16xf32>, vector<16xf32>)
      %masked_sort3A_60 = arith.constant dense<true> : vector<16xi1>
      %masked_sort3A_61, %masked_sort3A_62, %masked_sort3A_63 = tpu.sort %get3A_32, %get3A_32 masked %masked_sort3A_60 : (vector<16xf32>, vector<16xf32>, vector<16xi1>) -> (vector<16xi1>, vector<16xf32>, vector<16xf32>)
      %max3A = arith.maximumf %masked_sort3A_58, %masked_sort3A_62 : vector<16xf32>
      %min3A = arith.minimumf %masked_sort3A_58, %masked_sort3A_62 : vector<16xf32>
      %masked_sort3A_64 = arith.constant dense<true> : vector<16xi1>
      %masked_sort3A_65, %masked_sort3A_66, %masked_sort3A_67 = tpu.sort %max3A, %max3A masked %masked_sort3A_64 {descending = true} : (vector<16xf32>, vector<16xf32>, vector<16xi1>) -> (vector<16xi1>, vector<16xf32>, vector<16xf32>)
      %masked_sort3A_68 = arith.constant dense<true> : vector<16xi1>
      %masked_sort3A_69, %masked_sort3A_70, %masked_sort3A_71 = tpu.sort %min3A, %min3A masked %masked_sort3A_68 {descending = true} : (vector<16xf32>, vector<16xf32>, vector<16xi1>) -> (vector<16xi1>, vector<16xf32>, vector<16xf32>)
      %masked_sort3A_72 = arith.constant dense<true> : vector<16xi1>
      %masked_sort3A_73, %masked_sort3A_74, %masked_sort3A_75 = tpu.sort %get3A_36, %get3A_36 masked %masked_sort3A_72 : (vector<16xf32>, vector<16xf32>, vector<16xi1>) -> (vector<16xi1>, vector<16xf32>, vector<16xf32>)
      %masked_sort3A_76 = arith.constant dense<true> : vector<16xi1>
      %masked_sort3A_77, %masked_sort3A_78, %masked_sort3A_79 = tpu.sort %get3A_40, %get3A_40 masked %masked_sort3A_76 {descending = true} : (vector<16xf32>, vector<16xf32>, vector<16xi1>) -> (vector<16xi1>, vector<16xf32>, vector<16xf32>)
      %min3A_80 = arith.minimumf %masked_sort3A_74, %masked_sort3A_78 : vector<16xf32>
      %max3A_81 = arith.maximumf %masked_sort3A_74, %masked_sort3A_78 : vector<16xf32>
      %masked_sort3A_82 = arith.constant dense<true> : vector<16xi1>
      %masked_sort3A_83, %masked_sort3A_84, %masked_sort3A_85 = tpu.sort %min3A_80, %min3A_80 masked %masked_sort3A_82 : (vector<16xf32>, vector<16xf32>, vector<16xi1>) -> (vector<16xi1>, vector<16xf32>, vector<16xf32>)
      %masked_sort3A_86 = arith.constant dense<true> : vector<16xi1>
      %masked_sort3A_87, %masked_sort3A_88, %masked_sort3A_89 = tpu.sort %max3A_81, %max3A_81 masked %masked_sort3A_86 : (vector<16xf32>, vector<16xf32>, vector<16xi1>) -> (vector<16xi1>, vector<16xf32>, vector<16xf32>)
      %max3A_90 = arith.maximumf %masked_sort3A_66, %masked_sort3A_84 : vector<16xf32>
      %max3A_91 = arith.maximumf %masked_sort3A_70, %masked_sort3A_88 : vector<16xf32>
      %min3A_92 = arith.minimumf %masked_sort3A_66, %masked_sort3A_84 : vector<16xf32>
      %min3A_93 = arith.minimumf %masked_sort3A_70, %masked_sort3A_88 : vector<16xf32>
      %max3A_94 = arith.maximumf %max3A_90, %max3A_91 : vector<16xf32>
      %min3A_95 = arith.minimumf %max3A_90, %max3A_91 : vector<16xf32>
      %masked_sort3A_96 = arith.constant dense<true> : vector<16xi1>
      %masked_sort3A_97, %masked_sort3A_98, %masked_sort3A_99 = tpu.sort %max3A_94, %max3A_94 masked %masked_sort3A_96 {descending = true} : (vector<16xf32>, vector<16xf32>, vector<16xi1>) -> (vector<16xi1>, vector<16xf32>, vector<16xf32>)
      %masked_sort3A_100 = arith.constant dense<true> : vector<16xi1>
      %masked_sort3A_101, %masked_sort3A_102, %masked_sort3A_103 = tpu.sort %min3A_95, %min3A_95 masked %masked_sort3A_100 {descending = true} : (vector<16xf32>, vector<16xf32>, vector<16xi1>) -> (vector<16xi1>, vector<16xf32>, vector<16xf32>)
      %max3A_104 = arith.maximumf %min3A_92, %min3A_93 : vector<16xf32>
      %min3A_105 = arith.minimumf %min3A_92, %min3A_93 : vector<16xf32>
      %masked_sort3A_106 = arith.constant dense<true> : vector<16xi1>
      %masked_sort3A_107, %masked_sort3A_108, %masked_sort3A_109 = tpu.sort %max3A_104, %max3A_104 masked %masked_sort3A_106 {descending = true} : (vector<16xf32>, vector<16xf32>, vector<16xi1>) -> (vector<16xi1>, vector<16xf32>, vector<16xf32>)
      %masked_sort3A_110 = arith.constant dense<true> : vector<16xi1>
      %masked_sort3A_111, %masked_sort3A_112, %masked_sort3A_113 = tpu.sort %min3A_105, %min3A_105 masked %masked_sort3A_110 {descending = true} : (vector<16xf32>, vector<16xf32>, vector<16xi1>) -> (vector<16xi1>, vector<16xf32>, vector<16xf32>)
      %masked_sort3A_114 = arith.constant dense<true> : vector<16xi1>
      %masked_sort3A_115, %masked_sort3A_116, %masked_sort3A_117 = tpu.sort %get3A_44, %get3A_44 masked %masked_sort3A_114 : (vector<16xf32>, vector<16xf32>, vector<16xi1>) -> (vector<16xi1>, vector<16xf32>, vector<16xf32>)
      %masked_sort3A_118 = arith.constant dense<true> : vector<16xi1>
      %masked_sort3A_119, %masked_sort3A_120, %masked_sort3A_121 = tpu.sort %get3A_48, %get3A_48 masked %masked_sort3A_118 {descending = true} : (vector<16xf32>, vector<16xf32>, vector<16xi1>) -> (vector<16xi1>, vector<16xf32>, vector<16xf32>)
      %min3A_122 = arith.minimumf %masked_sort3A_116, %masked_sort3A_120 : vector<16xf32>
      %max3A_123 = arith.maximumf %masked_sort3A_116, %masked_sort3A_120 : vector<16xf32>
      %masked_sort3A_124 = arith.constant dense<true> : vector<16xi1>
      %masked_sort3A_125, %masked_sort3A_126, %masked_sort3A_127 = tpu.sort %min3A_122, %min3A_122 masked %masked_sort3A_124 : (vector<16xf32>, vector<16xf32>, vector<16xi1>) -> (vector<16xi1>, vector<16xf32>, vector<16xf32>)
      %masked_sort3A_128 = arith.constant dense<true> : vector<16xi1>
      %masked_sort3A_129, %masked_sort3A_130, %masked_sort3A_131 = tpu.sort %max3A_123, %max3A_123 masked %masked_sort3A_128 : (vector<16xf32>, vector<16xf32>, vector<16xi1>) -> (vector<16xi1>, vector<16xf32>, vector<16xf32>)
      %masked_sort3A_132 = arith.constant dense<true> : vector<16xi1>
      %masked_sort3A_133, %masked_sort3A_134, %masked_sort3A_135 = tpu.sort %get3A_52, %get3A_52 masked %masked_sort3A_132 {descending = true} : (vector<16xf32>, vector<16xf32>, vector<16xi1>) -> (vector<16xi1>, vector<16xf32>, vector<16xf32>)
      %masked_sort3A_136 = arith.constant dense<true> : vector<16xi1>
      %masked_sort3A_137, %masked_sort3A_138, %masked_sort3A_139 = tpu.sort %get3A_56, %get3A_56 masked %masked_sort3A_136 : (vector<16xf32>, vector<16xf32>, vector<16xi1>) -> (vector<16xi1>, vector<16xf32>, vector<16xf32>)
      %max3A_140 = arith.maximumf %masked_sort3A_134, %masked_sort3A_138 : vector<16xf32>
      %min3A_141 = arith.minimumf %masked_sort3A_134, %masked_sort3A_138 : vector<16xf32>
      %masked_sort3A_142 = arith.constant dense<true> : vector<16xi1>
      %masked_sort3A_143, %masked_sort3A_144, %masked_sort3A_145 = tpu.sort %max3A_140, %max3A_140 masked %masked_sort3A_142 {descending = true} : (vector<16xf32>, vector<16xf32>, vector<16xi1>) -> (vector<16xi1>, vector<16xf32>, vector<16xf32>)
      %masked_sort3A_146 = arith.constant dense<true> : vector<16xi1>
      %masked_sort3A_147, %masked_sort3A_148, %masked_sort3A_149 = tpu.sort %min3A_141, %min3A_141 masked %masked_sort3A_146 {descending = true} : (vector<16xf32>, vector<16xf32>, vector<16xi1>) -> (vector<16xi1>, vector<16xf32>, vector<16xf32>)
      %min3A_150 = arith.minimumf %masked_sort3A_126, %masked_sort3A_144 : vector<16xf32>
      %min3A_151 = arith.minimumf %masked_sort3A_130, %masked_sort3A_148 : vector<16xf32>
      %max3A_152 = arith.maximumf %masked_sort3A_126, %masked_sort3A_144 : vector<16xf32>
      %max3A_153 = arith.maximumf %masked_sort3A_130, %masked_sort3A_148 : vector<16xf32>
      %min3A_154 = arith.minimumf %min3A_150, %min3A_151 : vector<16xf32>
      %max3A_155 = arith.maximumf %min3A_150, %min3A_151 : vector<16xf32>
      %masked_sort3A_156 = arith.constant dense<true> : vector<16xi1>
      %masked_sort3A_157, %masked_sort3A_158, %masked_sort3A_159 = tpu.sort %min3A_154, %min3A_154 masked %masked_sort3A_156 : (vector<16xf32>, vector<16xf32>, vector<16xi1>) -> (vector<16xi1>, vector<16xf32>, vector<16xf32>)
      %masked_sort3A_160 = arith.constant dense<true> : vector<16xi1>
      %masked_sort3A_161, %masked_sort3A_162, %masked_sort3A_163 = tpu.sort %max3A_155, %max3A_155 masked %masked_sort3A_160 : (vector<16xf32>, vector<16xf32>, vector<16xi1>) -> (vector<16xi1>, vector<16xf32>, vector<16xf32>)
      %min3A_164 = arith.minimumf %max3A_152, %max3A_153 : vector<16xf32>
      %max3A_165 = arith.maximumf %max3A_152, %max3A_153 : vector<16xf32>
      %masked_sort3A_166 = arith.constant dense<true> : vector<16xi1>
      %masked_sort3A_167, %masked_sort3A_168, %masked_sort3A_169 = tpu.sort %min3A_164, %min3A_164 masked %masked_sort3A_166 : (vector<16xf32>, vector<16xf32>, vector<16xi1>) -> (vector<16xi1>, vector<16xf32>, vector<16xf32>)
      %masked_sort3A_170 = arith.constant dense<true> : vector<16xi1>
      %masked_sort3A_171, %masked_sort3A_172, %masked_sort3A_173 = tpu.sort %max3A_165, %max3A_165 masked %masked_sort3A_170 : (vector<16xf32>, vector<16xf32>, vector<16xi1>) -> (vector<16xi1>, vector<16xf32>, vector<16xf32>)
      %max3A_174 = arith.maximumf %masked_sort3A_98, %masked_sort3A_158 : vector<16xf32>
      %max3A_175 = arith.maximumf %masked_sort3A_102, %masked_sort3A_162 : vector<16xf32>
      %max3A_176 = arith.maximumf %masked_sort3A_108, %masked_sort3A_168 : vector<16xf32>
      %max3A_177 = arith.maximumf %masked_sort3A_112, %masked_sort3A_172 : vector<16xf32>
      %min3A_178 = arith.minimumf %masked_sort3A_98, %masked_sort3A_158 : vector<16xf32>
      %min3A_179 = arith.minimumf %masked_sort3A_102, %masked_sort3A_162 : vector<16xf32>
      %min3A_180 = arith.minimumf %masked_sort3A_108, %masked_sort3A_168 : vector<16xf32>
      %min3A_181 = arith.minimumf %masked_sort3A_112, %masked_sort3A_172 : vector<16xf32>
      %max3A_182 = arith.maximumf %max3A_174, %max3A_176 : vector<16xf32>
      %min3A_183 = arith.minimumf %max3A_174, %max3A_176 : vector<16xf32>
      %max3A_184 = arith.maximumf %max3A_175, %max3A_177 : vector<16xf32>
      %min3A_185 = arith.minimumf %max3A_175, %max3A_177 : vector<16xf32>
      %max3A_186 = arith.maximumf %max3A_182, %max3A_184 : vector<16xf32>
      %min3A_187 = arith.minimumf %max3A_182, %max3A_184 : vector<16xf32>
      %max3A_188 = arith.maximumf %min3A_183, %min3A_185 : vector<16xf32>
      %min3A_189 = arith.minimumf %min3A_183, %min3A_185 : vector<16xf32>
      %masked_sort3A_190 = arith.constant dense<true> : vector<16xi1>
      %masked_sort3A_191, %masked_sort3A_192, %masked_sort3A_193 = tpu.sort %max3A_186, %max3A_186 masked %masked_sort3A_190 {descending = true} : (vector<16xf32>, vector<16xf32>, vector<16xi1>) -> (vector<16xi1>, vector<16xf32>, vector<16xf32>)
      %masked_sort3A_194 = arith.constant dense<true> : vector<16xi1>
      %masked_sort3A_195, %masked_sort3A_196, %masked_sort3A_197 = tpu.sort %min3A_187, %min3A_187 masked %masked_sort3A_194 {descending = true} : (vector<16xf32>, vector<16xf32>, vector<16xi1>) -> (vector<16xi1>, vector<16xf32>, vector<16xf32>)
      %masked_sort3A_198 = arith.constant dense<true> : vector<16xi1>
      %masked_sort3A_199, %masked_sort3A_200, %masked_sort3A_201 = tpu.sort %max3A_188, %max3A_188 masked %masked_sort3A_198 {descending = true} : (vector<16xf32>, vector<16xf32>, vector<16xi1>) -> (vector<16xi1>, vector<16xf32>, vector<16xf32>)
      %masked_sort3A_202 = arith.constant dense<true> : vector<16xi1>
      %masked_sort3A_203, %masked_sort3A_204, %masked_sort3A_205 = tpu.sort %min3A_189, %min3A_189 masked %masked_sort3A_202 {descending = true} : (vector<16xf32>, vector<16xf32>, vector<16xi1>) -> (vector<16xi1>, vector<16xf32>, vector<16xf32>)
      %max3A_206 = arith.maximumf %min3A_178, %min3A_180 : vector<16xf32>
      %min3A_207 = arith.minimumf %min3A_178, %min3A_180 : vector<16xf32>
      %max3A_208 = arith.maximumf %min3A_179, %min3A_181 : vector<16xf32>
      %min3A_209 = arith.minimumf %min3A_179, %min3A_181 : vector<16xf32>
      %max3A_210 = arith.maximumf %max3A_206, %max3A_208 : vector<16xf32>
      %min3A_211 = arith.minimumf %max3A_206, %max3A_208 : vector<16xf32>
      %max3A_212 = arith.maximumf %min3A_207, %min3A_209 : vector<16xf32>
      %min3A_213 = arith.minimumf %min3A_207, %min3A_209 : vector<16xf32>
      %masked_sort3A_214 = arith.constant dense<true> : vector<16xi1>
      %masked_sort3A_215, %masked_sort3A_216, %masked_sort3A_217 = tpu.sort %max3A_210, %max3A_210 masked %masked_sort3A_214 {descending = true} : (vector<16xf32>, vector<16xf32>, vector<16xi1>) -> (vector<16xi1>, vector<16xf32>, vector<16xf32>)
      %masked_sort3A_218 = arith.constant dense<true> : vector<16xi1>
      %masked_sort3A_219, %masked_sort3A_220, %masked_sort3A_221 = tpu.sort %min3A_211, %min3A_211 masked %masked_sort3A_218 {descending = true} : (vector<16xf32>, vector<16xf32>, vector<16xi1>) -> (vector<16xi1>, vector<16xf32>, vector<16xf32>)
      %masked_sort3A_222 = arith.constant dense<true> : vector<16xi1>
      %masked_sort3A_223, %masked_sort3A_224, %masked_sort3A_225 = tpu.sort %max3A_212, %max3A_212 masked %masked_sort3A_222 {descending = true} : (vector<16xf32>, vector<16xf32>, vector<16xi1>) -> (vector<16xi1>, vector<16xf32>, vector<16xf32>)
      %masked_sort3A_226 = arith.constant dense<true> : vector<16xi1>
      %masked_sort3A_227, %masked_sort3A_228, %masked_sort3A_229 = tpu.sort %min3A_213, %min3A_213 masked %masked_sort3A_226 {descending = true} : (vector<16xf32>, vector<16xf32>, vector<16xi1>) -> (vector<16xi1>, vector<16xf32>, vector<16xf32>)
      %get3A_230 = arith.constant 1 : i32
      %get3A_231 = arith.index_cast %get3A_230 : i32 to index
      %get3A_232 = arith.constant 0 : index
      %get3A_233 = tpu.vector_load %arg4[%get3A_231, %get3A_232] {strides = array<i32>} : memref<2x2048xf32, #tpu.memory_space<vmem>>, vector<16xf32>,
      %get3A_234 = arith.constant 1 : i32
      %get3A_235 = arith.index_cast %get3A_234 : i32 to index
      %get3A_236 = arith.constant 16 : index
      %get3A_237 = tpu.vector_load %arg4[%get3A_235, %get3A_236] {strides = array<i32>} : memref<2x2048xf32, #tpu.memory_space<vmem>>, vector<16xf32>,
      %get3A_238 = arith.constant 1 : i32
      %get3A_239 = arith.index_cast %get3A_238 : i32 to index
      %get3A_240 = arith.constant 32 : index
      %get3A_241 = tpu.vector_load %arg4[%get3A_239, %get3A_240] {strides = array<i32>} : memref<2x2048xf32, #tpu.memory_space<vmem>>, vector<16xf32>,
      %get3A_242 = arith.constant 1 : i32
      %get3A_243 = arith.index_cast %get3A_242 : i32 to index
      %get3A_244 = arith.constant 48 : index
      %get3A_245 = tpu.vector_load %arg4[%get3A_243, %get3A_244] {strides = array<i32>} : memref<2x2048xf32, #tpu.memory_space<vmem>>, vector<16xf32>,
      %get3A_246 = arith.constant 1 : i32
      %get3A_247 = arith.index_cast %get3A_246 : i32 to index
      %get3A_248 = arith.constant 64 : index
      %get3A_249 = tpu.vector_load %arg4[%get3A_247, %get3A_248] {strides = array<i32>} : memref<2x2048xf32, #tpu.memory_space<vmem>>, vector<16xf32>,
      %get3A_250 = arith.constant 1 : i32
      %get3A_251 = arith.index_cast %get3A_250 : i32 to index
      %get3A_252 = arith.constant 80 : index
      %get3A_253 = tpu.vector_load %arg4[%get3A_251, %get3A_252] {strides = array<i32>} : memref<2x2048xf32, #tpu.memory_space<vmem>>, vector<16xf32>,
      %get3A_254 = arith.constant 1 : i32
      %get3A_255 = arith.index_cast %get3A_254 : i32 to index
      %get3A_256 = arith.constant 96 : index
      %get3A_257 = tpu.vector_load %arg4[%get3A_255, %get3A_256] {strides = array<i32>} : memref<2x2048xf32, #tpu.memory_space<vmem>>, vector<16xf32>,
      %get3A_258 = arith.constant 1 : i32
      %get3A_259 = arith.index_cast %get3A_258 : i32 to index
      %get3A_260 = arith.constant 112 : index
      %get3A_261 = tpu.vector_load %arg4[%get3A_259, %get3A_260] {strides = array<i32>} : memref<2x2048xf32, #tpu.memory_space<vmem>>, vector<16xf32>,
      %masked_sort3A_262 = arith.constant dense<true> : vector<16xi1>
      %masked_sort3A_263, %masked_sort3A_264, %masked_sort3A_265 = tpu.sort %get3A_233, %get3A_233 masked %masked_sort3A_262 {descending = true} : (vector<16xf32>, vector<16xf32>, vector<16xi1>) -> (vector<16xi1>, vector<16xf32>, vector<16xf32>)
      %masked_sort3A_266 = arith.constant dense<true> : vector<16xi1>
      %masked_sort3A_267, %masked_sort3A_268, %masked_sort3A_269 = tpu.sort %get3A_237, %get3A_237 masked %masked_sort3A_266 : (vector<16xf32>, vector<16xf32>, vector<16xi1>) -> (vector<16xi1>, vector<16xf32>, vector<16xf32>)
      %max3A_270 = arith.maximumf %masked_sort3A_264, %masked_sort3A_268 : vector<16xf32>
      %min3A_271 = arith.minimumf %masked_sort3A_264, %masked_sort3A_268 : vector<16xf32>
      %masked_sort3A_272 = arith.constant dense<true> : vector<16xi1>
      %masked_sort3A_273, %masked_sort3A_274, %masked_sort3A_275 = tpu.sort %max3A_270, %max3A_270 masked %masked_sort3A_272 {descending = true} : (vector<16xf32>, vector<16xf32>, vector<16xi1>) -> (vector<16xi1>, vector<16xf32>, vector<16xf32>)
      %masked_sort3A_276 = arith.constant dense<true> : vector<16xi1>
      %masked_sort3A_277, %masked_sort3A_278, %masked_sort3A_279 = tpu.sort %min3A_271, %min3A_271 masked %masked_sort3A_276 {descending = true} : (vector<16xf32>, vector<16xf32>, vector<16xi1>) -> (vector<16xi1>, vector<16xf32>, vector<16xf32>)
      %masked_sort3A_280 = arith.constant dense<true> : vector<16xi1>
      %masked_sort3A_281, %masked_sort3A_282, %masked_sort3A_283 = tpu.sort %get3A_241, %get3A_241 masked %masked_sort3A_280 : (vector<16xf32>, vector<16xf32>, vector<16xi1>) -> (vector<16xi1>, vector<16xf32>, vector<16xf32>)
      %masked_sort3A_284 = arith.constant dense<true> : vector<16xi1>
      %masked_sort3A_285, %masked_sort3A_286, %masked_sort3A_287 = tpu.sort %get3A_245, %get3A_245 masked %masked_sort3A_284 {descending = true} : (vector<16xf32>, vector<16xf32>, vector<16xi1>) -> (vector<16xi1>, vector<16xf32>, vector<16xf32>)
      %min3A_288 = arith.minimumf %masked_sort3A_282, %masked_sort3A_286 : vector<16xf32>
      %max3A_289 = arith.maximumf %masked_sort3A_282, %masked_sort3A_286 : vector<16xf32>
      %masked_sort3A_290 = arith.constant dense<true> : vector<16xi1>
      %masked_sort3A_291, %masked_sort3A_292, %masked_sort3A_293 = tpu.sort %min3A_288, %min3A_288 masked %masked_sort3A_290 : (vector<16xf32>, vector<16xf32>, vector<16xi1>) -> (vector<16xi1>, vector<16xf32>, vector<16xf32>)
      %masked_sort3A_294 = arith.constant dense<true> : vector<16xi1>
      %masked_sort3A_295, %masked_sort3A_296, %masked_sort3A_297 = tpu.sort %max3A_289, %max3A_289 masked %masked_sort3A_294 : (vector<16xf32>, vector<16xf32>, vector<16xi1>) -> (vector<16xi1>, vector<16xf32>, vector<16xf32>)
      %max3A_298 = arith.maximumf %masked_sort3A_274, %masked_sort3A_292 : vector<16xf32>
      %max3A_299 = arith.maximumf %masked_sort3A_278, %masked_sort3A_296 : vector<16xf32>
      %min3A_300 = arith.minimumf %masked_sort3A_274, %masked_sort3A_292 : vector<16xf32>
      %min3A_301 = arith.minimumf %masked_sort3A_278, %masked_sort3A_296 : vector<16xf32>
      %max3A_302 = arith.maximumf %max3A_298, %max3A_299 : vector<16xf32>
      %min3A_303 = arith.minimumf %max3A_298, %max3A_299 : vector<16xf32>
      %masked_sort3A_304 = arith.constant dense<true> : vector<16xi1>
      %masked_sort3A_305, %masked_sort3A_306, %masked_sort3A_307 = tpu.sort %max3A_302, %max3A_302 masked %masked_sort3A_304 {descending = true} : (vector<16xf32>, vector<16xf32>, vector<16xi1>) -> (vector<16xi1>, vector<16xf32>, vector<16xf32>)
      %masked_sort3A_308 = arith.constant dense<true> : vector<16xi1>
      %masked_sort3A_309, %masked_sort3A_310, %masked_sort3A_311 = tpu.sort %min3A_303, %min3A_303 masked %masked_sort3A_308 {descending = true} : (vector<16xf32>, vector<16xf32>, vector<16xi1>) -> (vector<16xi1>, vector<16xf32>, vector<16xf32>)
      %max3A_312 = arith.maximumf %min3A_300, %min3A_301 : vector<16xf32>
      %min3A_313 = arith.minimumf %min3A_300, %min3A_301 : vector<16xf32>
      %masked_sort3A_314 = arith.constant dense<true> : vector<16xi1>
      %masked_sort3A_315, %masked_sort3A_316, %masked_sort3A_317 = tpu.sort %max3A_312, %max3A_312 masked %masked_sort3A_314 {descending = true} : (vector<16xf32>, vector<16xf32>, vector<16xi1>) -> (vector<16xi1>, vector<16xf32>, vector<16xf32>)
      %masked_sort3A_318 = arith.constant dense<true> : vector<16xi1>
      %masked_sort3A_319, %masked_sort3A_320, %masked_sort3A_321 = tpu.sort %min3A_313, %min3A_313 masked %masked_sort3A_318 {descending = true} : (vector<16xf32>, vector<16xf32>, vector<16xi1>) -> (vector<16xi1>, vector<16xf32>, vector<16xf32>)
      %masked_sort3A_322 = arith.constant dense<true> : vector<16xi1>
      %masked_sort3A_323, %masked_sort3A_324, %masked_sort3A_325 = tpu.sort %get3A_249, %get3A_249 masked %masked_sort3A_322 : (vector<16xf32>, vector<16xf32>, vector<16xi1>) -> (vector<16xi1>, vector<16xf32>, vector<16xf32>)
      %masked_sort3A_326 = arith.constant dense<true> : vector<16xi1>
      %masked_sort3A_327, %masked_sort3A_328, %masked_sort3A_329 = tpu.sort %get3A_253, %get3A_253 masked %masked_sort3A_326 {descending = true} : (vector<16xf32>, vector<16xf32>, vector<16xi1>) -> (vector<16xi1>, vector<16xf32>, vector<16xf32>)
      %min3A_330 = arith.minimumf %masked_sort3A_324, %masked_sort3A_328 : vector<16xf32>
      %max3A_331 = arith.maximumf %masked_sort3A_324, %masked_sort3A_328 : vector<16xf32>
      %masked_sort3A_332 = arith.constant dense<true> : vector<16xi1>
      %masked_sort3A_333, %masked_sort3A_334, %masked_sort3A_335 = tpu.sort %min3A_330, %min3A_330 masked %masked_sort3A_332 : (vector<16xf32>, vector<16xf32>, vector<16xi1>) -> (vector<16xi1>, vector<16xf32>, vector<16xf32>)
      %masked_sort3A_336 = arith.constant dense<true> : vector<16xi1>
      %masked_sort3A_337, %masked_sort3A_338, %masked_sort3A_339 = tpu.sort %max3A_331, %max3A_331 masked %masked_sort3A_336 : (vector<16xf32>, vector<16xf32>, vector<16xi1>) -> (vector<16xi1>, vector<16xf32>, vector<16xf32>)
      %masked_sort3A_340 = arith.constant dense<true> : vector<16xi1>
      %masked_sort3A_341, %masked_sort3A_342, %masked_sort3A_343 = tpu.sort %get3A_257, %get3A_257 masked %masked_sort3A_340 {descending = true} : (vector<16xf32>, vector<16xf32>, vector<16xi1>) -> (vector<16xi1>, vector<16xf32>, vector<16xf32>)
      %masked_sort3A_344 = arith.constant dense<true> : vector<16xi1>
      %masked_sort3A_345, %masked_sort3A_346, %masked_sort3A_347 = tpu.sort %get3A_261, %get3A_261 masked %masked_sort3A_344 : (vector<16xf32>, vector<16xf32>, vector<16xi1>) -> (vector<16xi1>, vector<16xf32>, vector<16xf32>)
      %max3A_348 = arith.maximumf %masked_sort3A_342, %masked_sort3A_346 : vector<16xf32>
      %min3A_349 = arith.minimumf %masked_sort3A_342, %masked_sort3A_346 : vector<16xf32>
      %masked_sort3A_350 = arith.constant dense<true> : vector<16xi1>
      %masked_sort3A_351, %masked_sort3A_352, %masked_sort3A_353 = tpu.sort %max3A_348, %max3A_348 masked %masked_sort3A_350 {descending = true} : (vector<16xf32>, vector<16xf32>, vector<16xi1>) -> (vector<16xi1>, vector<16xf32>, vector<16xf32>)
      %masked_sort3A_354 = arith.constant dense<true> : vector<16xi1>
      %masked_sort3A_355, %masked_sort3A_356, %masked_sort3A_357 = tpu.sort %min3A_349, %min3A_349 masked %masked_sort3A_354 {descending = true} : (vector<16xf32>, vector<16xf32>, vector<16xi1>) -> (vector<16xi1>, vector<16xf32>, vector<16xf32>)
      %min3A_358 = arith.minimumf %masked_sort3A_334, %masked_sort3A_352 : vector<16xf32>
      %min3A_359 = arith.minimumf %masked_sort3A_338, %masked_sort3A_356 : vector<16xf32>
      %max3A_360 = arith.maximumf %masked_sort3A_334, %masked_sort3A_352 : vector<16xf32>
      %max3A_361 = arith.maximumf %masked_sort3A_338, %masked_sort3A_356 : vector<16xf32>
      %min3A_362 = arith.minimumf %min3A_358, %min3A_359 : vector<16xf32>
      %max3A_363 = arith.maximumf %min3A_358, %min3A_359 : vector<16xf32>
      %masked_sort3A_364 = arith.constant dense<true> : vector<16xi1>
      %masked_sort3A_365, %masked_sort3A_366, %masked_sort3A_367 = tpu.sort %min3A_362, %min3A_362 masked %masked_sort3A_364 : (vector<16xf32>, vector<16xf32>, vector<16xi1>) -> (vector<16xi1>, vector<16xf32>, vector<16xf32>)
      %masked_sort3A_368 = arith.constant dense<true> : vector<16xi1>
      %masked_sort3A_369, %masked_sort3A_370, %masked_sort3A_371 = tpu.sort %max3A_363, %max3A_363 masked %masked_sort3A_368 : (vector<16xf32>, vector<16xf32>, vector<16xi1>) -> (vector<16xi1>, vector<16xf32>, vector<16xf32>)
      %min3A_372 = arith.minimumf %max3A_360, %max3A_361 : vector<16xf32>
      %max3A_373 = arith.maximumf %max3A_360, %max3A_361 : vector<16xf32>
      %masked_sort3A_374 = arith.constant dense<true> : vector<16xi1>
      %masked_sort3A_375, %masked_sort3A_376, %masked_sort3A_377 = tpu.sort %min3A_372, %min3A_372 masked %masked_sort3A_374 : (vector<16xf32>, vector<16xf32>, vector<16xi1>) -> (vector<16xi1>, vector<16xf32>, vector<16xf32>)
      %masked_sort3A_378 = arith.constant dense<true> : vector<16xi1>
      %masked_sort3A_379, %masked_sort3A_380, %masked_sort3A_381 = tpu.sort %max3A_373, %max3A_373 masked %masked_sort3A_378 : (vector<16xf32>, vector<16xf32>, vector<16xi1>) -> (vector<16xi1>, vector<16xf32>, vector<16xf32>)
      %max3A_382 = arith.maximumf %masked_sort3A_306, %masked_sort3A_366 : vector<16xf32>
      %max3A_383 = arith.maximumf %masked_sort3A_310, %masked_sort3A_370 : vector<16xf32>
      %max3A_384 = arith.maximumf %masked_sort3A_316, %masked_sort3A_376 : vector<16xf32>
      %max3A_385 = arith.maximumf %masked_sort3A_320, %masked_sort3A_380 : vector<16xf32>
      %min3A_386 = arith.minimumf %masked_sort3A_306, %masked_sort3A_366 : vector<16xf32>
      %min3A_387 = arith.minimumf %masked_sort3A_310, %masked_sort3A_370 : vector<16xf32>
      %min3A_388 = arith.minimumf %masked_sort3A_316, %masked_sort3A_376 : vector<16xf32>
      %min3A_389 = arith.minimumf %masked_sort3A_320, %masked_sort3A_380 : vector<16xf32>
      %max3A_390 = arith.maximumf %max3A_382, %max3A_384 : vector<16xf32>
      %min3A_391 = arith.minimumf %max3A_382, %max3A_384 : vector<16xf32>
      %max3A_392 = arith.maximumf %max3A_383, %max3A_385 : vector<16xf32>
      %min3A_393 = arith.minimumf %max3A_383, %max3A_385 : vector<16xf32>
      %max3A_394 = arith.maximumf %max3A_390, %max3A_392 : vector<16xf32>
      %min3A_395 = arith.minimumf %max3A_390, %max3A_392 : vector<16xf32>
      %max3A_396 = arith.maximumf %min3A_391, %min3A_393 : vector<16xf32>
      %min3A_397 = arith.minimumf %min3A_391, %min3A_393 : vector<16xf32>
      %masked_sort3A_398 = arith.constant dense<true> : vector<16xi1>
      %masked_sort3A_399, %masked_sort3A_400, %masked_sort3A_401 = tpu.sort %max3A_394, %max3A_394 masked %masked_sort3A_398 {descending = true} : (vector<16xf32>, vector<16xf32>, vector<16xi1>) -> (vector<16xi1>, vector<16xf32>, vector<16xf32>)
      %masked_sort3A_402 = arith.constant dense<true> : vector<16xi1>
      %masked_sort3A_403, %masked_sort3A_404, %masked_sort3A_405 = tpu.sort %min3A_395, %min3A_395 masked %masked_sort3A_402 {descending = true} : (vector<16xf32>, vector<16xf32>, vector<16xi1>) -> (vector<16xi1>, vector<16xf32>, vector<16xf32>)
      %masked_sort3A_406 = arith.constant dense<true> : vector<16xi1>
      %masked_sort3A_407, %masked_sort3A_408, %masked_sort3A_409 = tpu.sort %max3A_396, %max3A_396 masked %masked_sort3A_406 {descending = true} : (vector<16xf32>, vector<16xf32>, vector<16xi1>) -> (vector<16xi1>, vector<16xf32>, vector<16xf32>)
      %masked_sort3A_410 = arith.constant dense<true> : vector<16xi1>
      %masked_sort3A_411, %masked_sort3A_412, %masked_sort3A_413 = tpu.sort %min3A_397, %min3A_397 masked %masked_sort3A_410 {descending = true} : (vector<16xf32>, vector<16xf32>, vector<16xi1>) -> (vector<16xi1>, vector<16xf32>, vector<16xf32>)
      %max3A_414 = arith.maximumf %min3A_386, %min3A_388 : vector<16xf32>
      %min3A_415 = arith.minimumf %min3A_386, %min3A_388 : vector<16xf32>
      %max3A_416 = arith.maximumf %min3A_387, %min3A_389 : vector<16xf32>
      %min3A_417 = arith.minimumf %min3A_387, %min3A_389 : vector<16xf32>
      %max3A_418 = arith.maximumf %max3A_414, %max3A_416 : vector<16xf32>
      %min3A_419 = arith.minimumf %max3A_414, %max3A_416 : vector<16xf32>
      %max3A_420 = arith.maximumf %min3A_415, %min3A_417 : vector<16xf32>
      %min3A_421 = arith.minimumf %min3A_415, %min3A_417 : vector<16xf32>
      %masked_sort3A_422 = arith.constant dense<true> : vector<16xi1>
      %masked_sort3A_423, %masked_sort3A_424, %masked_sort3A_425 = tpu.sort %max3A_418, %max3A_418 masked %masked_sort3A_422 {descending = true} : (vector<16xf32>, vector<16xf32>, vector<16xi1>) -> (vector<16xi1>, vector<16xf32>, vector<16xf32>)
      %masked_sort3A_426 = arith.constant dense<true> : vector<16xi1>
      %masked_sort3A_427, %masked_sort3A_428, %masked_sort3A_429 = tpu.sort %min3A_419, %min3A_419 masked %masked_sort3A_426 {descending = true} : (vector<16xf32>, vector<16xf32>, vector<16xi1>) -> (vector<16xi1>, vector<16xf32>, vector<16xf32>)
      %masked_sort3A_430 = arith.constant dense<true> : vector<16xi1>
      %masked_sort3A_431, %masked_sort3A_432, %masked_sort3A_433 = tpu.sort %max3A_420, %max3A_420 masked %masked_sort3A_430 {descending = true} : (vector<16xf32>, vector<16xf32>, vector<16xi1>) -> (vector<16xi1>, vector<16xf32>, vector<16xf32>)
      %masked_sort3A_434 = arith.constant dense<true> : vector<16xi1>
      %masked_sort3A_435, %masked_sort3A_436, %masked_sort3A_437 = tpu.sort %min3A_421, %min3A_421 masked %masked_sort3A_434 {descending = true} : (vector<16xf32>, vector<16xf32>, vector<16xi1>) -> (vector<16xi1>, vector<16xf32>, vector<16xf32>)
      %scan3A_438 = arith.constant 1 : i32
      %scan3A_439 = arith.constant 15 : i32
      %scan3A_440 = arith.addi %scan3A_438, %scan3A_439 : i32
      %scan3A_441 = arith.constant 1 : i32
      %scan3A_442:16 = scf.for %scan3A_1024 = %scan3A_438 to %scan3A_440 step %scan3A_441 iter_args(%scan3A_1025 = %masked_sort3A_192, %scan3A_1026 = %masked_sort3A_196, %scan3A_1027 = %masked_sort3A_200, %scan3A_1028 = %masked_sort3A_204, %scan3A_1029 = %masked_sort3A_216, %scan3A_1030 = %masked_sort3A_220, %scan3A_1031 = %masked_sort3A_224, %scan3A_1032 = %masked_sort3A_228, %scan3A_1033 = %masked_sort3A_400, %scan3A_1034 = %masked_sort3A_404, %scan3A_1035 = %masked_sort3A_408, %scan3A_1036 = %masked_sort3A_412, %scan3A_1037 = %masked_sort3A_424, %scan3A_1038 = %masked_sort3A_428, %scan3A_1039 = %masked_sort3A_432, %scan3A_1040 = %masked_sort3A_436) -> (vector<16xf32>, vector<16xf32>, vector<16xf32>, vector<16xf32>, vector<16xf32>, vector<16xf32>, vector<16xf32>, vector<16xf32>, vector<16xf32>, vector<16xf32>, vector<16xf32>, vector<16xf32>, vector<16xf32>, vector<16xf32>, vector<16xf32>, vector<16xf32>)  : i32 {
        %mul3A_1041 = arith.constant 128 : i32
        %mul3A_1042 = arith.muli %scan3A_1024, %mul3A_1041 : i32
        %add3A_1043 = arith.constant 0 : i32
        %add3A_1044 = arith.addi %mul3A_1042, %add3A_1043 : i32
        %get3A_1045 = arith.constant 0 : i32
        %get3A_1046 = arith.index_cast %get3A_1045 : i32 to index
        %get3A_1047 = arith.index_cast %add3A_1044 : i32 to index
        %get3A_1048 = tpu.vector_load %arg4[%get3A_1046, %get3A_1047] {strides = array<i32>} : memref<2x2048xf32, #tpu.memory_space<vmem>>, vector<16xf32>,
        %mul3A_1049 = arith.constant 128 : i32
        %mul3A_1050 = arith.muli %scan3A_1024, %mul3A_1049 : i32
        %add3A_1051 = arith.constant 16 : i32
        %add3A_1052 = arith.addi %mul3A_1050, %add3A_1051 : i32
        %get3A_1053 = arith.constant 0 : i32
        %get3A_1054 = arith.index_cast %get3A_1053 : i32 to index
        %get3A_1055 = arith.index_cast %add3A_1052 : i32 to index
        %get3A_1056 = tpu.vector_load %arg4[%get3A_1054, %get3A_1055] {strides = array<i32>} : memref<2x2048xf32, #tpu.memory_space<vmem>>, vector<16xf32>,
        %mul3A_1057 = arith.constant 128 : i32
        %mul3A_1058 = arith.muli %scan3A_1024, %mul3A_1057 : i32
        %add3A_1059 = arith.constant 32 : i32
        %add3A_1060 = arith.addi %mul3A_1058, %add3A_1059 : i32
        %get3A_1061 = arith.constant 0 : i32
        %get3A_1062 = arith.index_cast %get3A_1061 : i32 to index
        %get3A_1063 = arith.index_cast %add3A_1060 : i32 to index
        %get3A_1064 = tpu.vector_load %arg4[%get3A_1062, %get3A_1063] {strides = array<i32>} : memref<2x2048xf32, #tpu.memory_space<vmem>>, vector<16xf32>,
        %mul3A_1065 = arith.constant 128 : i32
        %mul3A_1066 = arith.muli %scan3A_1024, %mul3A_1065 : i32
        %add3A_1067 = arith.constant 48 : i32
        %add3A_1068 = arith.addi %mul3A_1066, %add3A_1067 : i32
        %get3A_1069 = arith.constant 0 : i32
        %get3A_1070 = arith.index_cast %get3A_1069 : i32 to index
        %get3A_1071 = arith.index_cast %add3A_1068 : i32 to index
        %get3A_1072 = tpu.vector_load %arg4[%get3A_1070, %get3A_1071] {strides = array<i32>} : memref<2x2048xf32, #tpu.memory_space<vmem>>, vector<16xf32>,
        %mul3A_1073 = arith.constant 128 : i32
        %mul3A_1074 = arith.muli %scan3A_1024, %mul3A_1073 : i32
        %add3A_1075 = arith.constant 64 : i32
        %add3A_1076 = arith.addi %mul3A_1074, %add3A_1075 : i32
        %get3A_1077 = arith.constant 0 : i32
        %get3A_1078 = arith.index_cast %get3A_1077 : i32 to index
        %get3A_1079 = arith.index_cast %add3A_1076 : i32 to index
        %get3A_1080 = tpu.vector_load %arg4[%get3A_1078, %get3A_1079] {strides = array<i32>} : memref<2x2048xf32, #tpu.memory_space<vmem>>, vector<16xf32>,
        %mul3A_1081 = arith.constant 128 : i32
        %mul3A_1082 = arith.muli %scan3A_1024, %mul3A_1081 : i32
        %add3A_1083 = arith.constant 80 : i32
        %add3A_1084 = arith.addi %mul3A_1082, %add3A_1083 : i32
        %get3A_1085 = arith.constant 0 : i32
        %get3A_1086 = arith.index_cast %get3A_1085 : i32 to index
        %get3A_1087 = arith.index_cast %add3A_1084 : i32 to index
        %get3A_1088 = tpu.vector_load %arg4[%get3A_1086, %get3A_1087] {strides = array<i32>} : memref<2x2048xf32, #tpu.memory_space<vmem>>, vector<16xf32>,
        %mul3A_1089 = arith.constant 128 : i32
        %mul3A_1090 = arith.muli %scan3A_1024, %mul3A_1089 : i32
        %add3A_1091 = arith.constant 96 : i32
        %add3A_1092 = arith.addi %mul3A_1090, %add3A_1091 : i32
        %get3A_1093 = arith.constant 0 : i32
        %get3A_1094 = arith.index_cast %get3A_1093 : i32 to index
        %get3A_1095 = arith.index_cast %add3A_1092 : i32 to index
        %get3A_1096 = tpu.vector_load %arg4[%get3A_1094, %get3A_1095] {strides = array<i32>} : memref<2x2048xf32, #tpu.memory_space<vmem>>, vector<16xf32>,
        %mul3A_1097 = arith.constant 128 : i32
        %mul3A_1098 = arith.muli %scan3A_1024, %mul3A_1097 : i32
        %add3A_1099 = arith.constant 112 : i32
        %add3A_1100 = arith.addi %mul3A_1098, %add3A_1099 : i32
        %get3A_1101 = arith.constant 0 : i32
        %get3A_1102 = arith.index_cast %get3A_1101 : i32 to index
        %get3A_1103 = arith.index_cast %add3A_1100 : i32 to index
        %get3A_1104 = tpu.vector_load %arg4[%get3A_1102, %get3A_1103] {strides = array<i32>} : memref<2x2048xf32, #tpu.memory_space<vmem>>, vector<16xf32>,
        %masked_sort3A_1105 = arith.constant dense<true> : vector<16xi1>
        %masked_sort3A_1106, %masked_sort3A_1107, %masked_sort3A_1108 = tpu.sort %get3A_1048, %get3A_1048 masked %masked_sort3A_1105 : (vector<16xf32>, vector<16xf32>, vector<16xi1>) -> (vector<16xi1>, vector<16xf32>, vector<16xf32>)
        %masked_sort3A_1109 = arith.constant dense<true> : vector<16xi1>
        %masked_sort3A_1110, %masked_sort3A_1111, %masked_sort3A_1112 = tpu.sort %get3A_1056, %get3A_1056 masked %masked_sort3A_1109 {descending = true} : (vector<16xf32>, vector<16xf32>, vector<16xi1>) -> (vector<16xi1>, vector<16xf32>, vector<16xf32>)
        %min3A_1113 = arith.minimumf %masked_sort3A_1107, %masked_sort3A_1111 : vector<16xf32>
        %max3A_1114 = arith.maximumf %masked_sort3A_1107, %masked_sort3A_1111 : vector<16xf32>
        %masked_sort3A_1115 = arith.constant dense<true> : vector<16xi1>
        %masked_sort3A_1116, %masked_sort3A_1117, %masked_sort3A_1118 = tpu.sort %min3A_1113, %min3A_1113 masked %masked_sort3A_1115 : (vector<16xf32>, vector<16xf32>, vector<16xi1>) -> (vector<16xi1>, vector<16xf32>, vector<16xf32>)
        %masked_sort3A_1119 = arith.constant dense<true> : vector<16xi1>
        %masked_sort3A_1120, %masked_sort3A_1121, %masked_sort3A_1122 = tpu.sort %max3A_1114, %max3A_1114 masked %masked_sort3A_1119 : (vector<16xf32>, vector<16xf32>, vector<16xi1>) -> (vector<16xi1>, vector<16xf32>, vector<16xf32>)
        %masked_sort3A_1123 = arith.constant dense<true> : vector<16xi1>
        %masked_sort3A_1124, %masked_sort3A_1125, %masked_sort3A_1126 = tpu.sort %get3A_1064, %get3A_1064 masked %masked_sort3A_1123 {descending = true} : (vector<16xf32>, vector<16xf32>, vector<16xi1>) -> (vector<16xi1>, vector<16xf32>, vector<16xf32>)
        %masked_sort3A_1127 = arith.constant dense<true> : vector<16xi1>
        %masked_sort3A_1128, %masked_sort3A_1129, %masked_sort3A_1130 = tpu.sort %get3A_1072, %get3A_1072 masked %masked_sort3A_1127 : (vector<16xf32>, vector<16xf32>, vector<16xi1>) -> (vector<16xi1>, vector<16xf32>, vector<16xf32>)
        %max3A_1131 = arith.maximumf %masked_sort3A_1125, %masked_sort3A_1129 : vector<16xf32>
        %min3A_1132 = arith.minimumf %masked_sort3A_1125, %masked_sort3A_1129 : vector<16xf32>
        %masked_sort3A_1133 = arith.constant dense<true> : vector<16xi1>
        %masked_sort3A_1134, %masked_sort3A_1135, %masked_sort3A_1136 = tpu.sort %max3A_1131, %max3A_1131 masked %masked_sort3A_1133 {descending = true} : (vector<16xf32>, vector<16xf32>, vector<16xi1>) -> (vector<16xi1>, vector<16xf32>, vector<16xf32>)
        %masked_sort3A_1137 = arith.constant dense<true> : vector<16xi1>
        %masked_sort3A_1138, %masked_sort3A_1139, %masked_sort3A_1140 = tpu.sort %min3A_1132, %min3A_1132 masked %masked_sort3A_1137 {descending = true} : (vector<16xf32>, vector<16xf32>, vector<16xi1>) -> (vector<16xi1>, vector<16xf32>, vector<16xf32>)
        %min3A_1141 = arith.minimumf %masked_sort3A_1117, %masked_sort3A_1135 : vector<16xf32>
        %min3A_1142 = arith.minimumf %masked_sort3A_1121, %masked_sort3A_1139 : vector<16xf32>
        %max3A_1143 = arith.maximumf %masked_sort3A_1117, %masked_sort3A_1135 : vector<16xf32>
        %max3A_1144 = arith.maximumf %masked_sort3A_1121, %masked_sort3A_1139 : vector<16xf32>
        %min3A_1145 = arith.minimumf %min3A_1141, %min3A_1142 : vector<16xf32>
        %max3A_1146 = arith.maximumf %min3A_1141, %min3A_1142 : vector<16xf32>
        %masked_sort3A_1147 = arith.constant dense<true> : vector<16xi1>
        %masked_sort3A_1148, %masked_sort3A_1149, %masked_sort3A_1150 = tpu.sort %min3A_1145, %min3A_1145 masked %masked_sort3A_1147 : (vector<16xf32>, vector<16xf32>, vector<16xi1>) -> (vector<16xi1>, vector<16xf32>, vector<16xf32>)
        %masked_sort3A_1151 = arith.constant dense<true> : vector<16xi1>
        %masked_sort3A_1152, %masked_sort3A_1153, %masked_sort3A_1154 = tpu.sort %max3A_1146, %max3A_1146 masked %masked_sort3A_1151 : (vector<16xf32>, vector<16xf32>, vector<16xi1>) -> (vector<16xi1>, vector<16xf32>, vector<16xf32>)
        %min3A_1155 = arith.minimumf %max3A_1143, %max3A_1144 : vector<16xf32>
        %max3A_1156 = arith.maximumf %max3A_1143, %max3A_1144 : vector<16xf32>
        %masked_sort3A_1157 = arith.constant dense<true> : vector<16xi1>
        %masked_sort3A_1158, %masked_sort3A_1159, %masked_sort3A_1160 = tpu.sort %min3A_1155, %min3A_1155 masked %masked_sort3A_1157 : (vector<16xf32>, vector<16xf32>, vector<16xi1>) -> (vector<16xi1>, vector<16xf32>, vector<16xf32>)
        %masked_sort3A_1161 = arith.constant dense<true> : vector<16xi1>
        %masked_sort3A_1162, %masked_sort3A_1163, %masked_sort3A_1164 = tpu.sort %max3A_1156, %max3A_1156 masked %masked_sort3A_1161 : (vector<16xf32>, vector<16xf32>, vector<16xi1>) -> (vector<16xi1>, vector<16xf32>, vector<16xf32>)
        %masked_sort3A_1165 = arith.constant dense<true> : vector<16xi1>
        %masked_sort3A_1166, %masked_sort3A_1167, %masked_sort3A_1168 = tpu.sort %get3A_1080, %get3A_1080 masked %masked_sort3A_1165 {descending = true} : (vector<16xf32>, vector<16xf32>, vector<16xi1>) -> (vector<16xi1>, vector<16xf32>, vector<16xf32>)
        %masked_sort3A_1169 = arith.constant dense<true> : vector<16xi1>
        %masked_sort3A_1170, %masked_sort3A_1171, %masked_sort3A_1172 = tpu.sort %get3A_1088, %get3A_1088 masked %masked_sort3A_1169 : (vector<16xf32>, vector<16xf32>, vector<16xi1>) -> (vector<16xi1>, vector<16xf32>, vector<16xf32>)
        %max3A_1173 = arith.maximumf %masked_sort3A_1167, %masked_sort3A_1171 : vector<16xf32>
        %min3A_1174 = arith.minimumf %masked_sort3A_1167, %masked_sort3A_1171 : vector<16xf32>
        %masked_sort3A_1175 = arith.constant dense<true> : vector<16xi1>
        %masked_sort3A_1176, %masked_sort3A_1177, %masked_sort3A_1178 = tpu.sort %max3A_1173, %max3A_1173 masked %masked_sort3A_1175 {descending = true} : (vector<16xf32>, vector<16xf32>, vector<16xi1>) -> (vector<16xi1>, vector<16xf32>, vector<16xf32>)
        %masked_sort3A_1179 = arith.constant dense<true> : vector<16xi1>
        %masked_sort3A_1180, %masked_sort3A_1181, %masked_sort3A_1182 = tpu.sort %min3A_1174, %min3A_1174 masked %masked_sort3A_1179 {descending = true} : (vector<16xf32>, vector<16xf32>, vector<16xi1>) -> (vector<16xi1>, vector<16xf32>, vector<16xf32>)
        %masked_sort3A_1183 = arith.constant dense<true> : vector<16xi1>
        %masked_sort3A_1184, %masked_sort3A_1185, %masked_sort3A_1186 = tpu.sort %get3A_1096, %get3A_1096 masked %masked_sort3A_1183 : (vector<16xf32>, vector<16xf32>, vector<16xi1>) -> (vector<16xi1>, vector<16xf32>, vector<16xf32>)
        %masked_sort3A_1187 = arith.constant dense<true> : vector<16xi1>
        %masked_sort3A_1188, %masked_sort3A_1189, %masked_sort3A_1190 = tpu.sort %get3A_1104, %get3A_1104 masked %masked_sort3A_1187 {descending = true} : (vector<16xf32>, vector<16xf32>, vector<16xi1>) -> (vector<16xi1>, vector<16xf32>, vector<16xf32>)
        %min3A_1191 = arith.minimumf %masked_sort3A_1185, %masked_sort3A_1189 : vector<16xf32>
        %max3A_1192 = arith.maximumf %masked_sort3A_1185, %masked_sort3A_1189 : vector<16xf32>
        %masked_sort3A_1193 = arith.constant dense<true> : vector<16xi1>
        %masked_sort3A_1194, %masked_sort3A_1195, %masked_sort3A_1196 = tpu.sort %min3A_1191, %min3A_1191 masked %masked_sort3A_1193 : (vector<16xf32>, vector<16xf32>, vector<16xi1>) -> (vector<16xi1>, vector<16xf32>, vector<16xf32>)
        %masked_sort3A_1197 = arith.constant dense<true> : vector<16xi1>
        %masked_sort3A_1198, %masked_sort3A_1199, %masked_sort3A_1200 = tpu.sort %max3A_1192, %max3A_1192 masked %masked_sort3A_1197 : (vector<16xf32>, vector<16xf32>, vector<16xi1>) -> (vector<16xi1>, vector<16xf32>, vector<16xf32>)
        %max3A_1201 = arith.maximumf %masked_sort3A_1177, %masked_sort3A_1195 : vector<16xf32>
        %max3A_1202 = arith.maximumf %masked_sort3A_1181, %masked_sort3A_1199 : vector<16xf32>
        %min3A_1203 = arith.minimumf %masked_sort3A_1177, %masked_sort3A_1195 : vector<16xf32>
        %min3A_1204 = arith.minimumf %masked_sort3A_1181, %masked_sort3A_1199 : vector<16xf32>
        %max3A_1205 = arith.maximumf %max3A_1201, %max3A_1202 : vector<16xf32>
        %min3A_1206 = arith.minimumf %max3A_1201, %max3A_1202 : vector<16xf32>
        %masked_sort3A_1207 = arith.constant dense<true> : vector<16xi1>
        %masked_sort3A_1208, %masked_sort3A_1209, %masked_sort3A_1210 = tpu.sort %max3A_1205, %max3A_1205 masked %masked_sort3A_1207 {descending = true} : (vector<16xf32>, vector<16xf32>, vector<16xi1>) -> (vector<16xi1>, vector<16xf32>, vector<16xf32>)
        %masked_sort3A_1211 = arith.constant dense<true> : vector<16xi1>
        %masked_sort3A_1212, %masked_sort3A_1213, %masked_sort3A_1214 = tpu.sort %min3A_1206, %min3A_1206 masked %masked_sort3A_1211 {descending = true} : (vector<16xf32>, vector<16xf32>, vector<16xi1>) -> (vector<16xi1>, vector<16xf32>, vector<16xf32>)
        %max3A_1215 = arith.maximumf %min3A_1203, %min3A_1204 : vector<16xf32>
        %min3A_1216 = arith.minimumf %min3A_1203, %min3A_1204 : vector<16xf32>
        %masked_sort3A_1217 = arith.constant dense<true> : vector<16xi1>
        %masked_sort3A_1218, %masked_sort3A_1219, %masked_sort3A_1220 = tpu.sort %max3A_1215, %max3A_1215 masked %masked_sort3A_1217 {descending = true} : (vector<16xf32>, vector<16xf32>, vector<16xi1>) -> (vector<16xi1>, vector<16xf32>, vector<16xf32>)
        %masked_sort3A_1221 = arith.constant dense<true> : vector<16xi1>
        %masked_sort3A_1222, %masked_sort3A_1223, %masked_sort3A_1224 = tpu.sort %min3A_1216, %min3A_1216 masked %masked_sort3A_1221 {descending = true} : (vector<16xf32>, vector<16xf32>, vector<16xi1>) -> (vector<16xi1>, vector<16xf32>, vector<16xf32>)
        %min3A_1225 = arith.minimumf %masked_sort3A_1149, %masked_sort3A_1209 : vector<16xf32>
        %min3A_1226 = arith.minimumf %masked_sort3A_1153, %masked_sort3A_1213 : vector<16xf32>
        %min3A_1227 = arith.minimumf %masked_sort3A_1159, %masked_sort3A_1219 : vector<16xf32>
        %min3A_1228 = arith.minimumf %masked_sort3A_1163, %masked_sort3A_1223 : vector<16xf32>
        %max3A_1229 = arith.maximumf %masked_sort3A_1149, %masked_sort3A_1209 : vector<16xf32>
        %max3A_1230 = arith.maximumf %masked_sort3A_1153, %masked_sort3A_1213 : vector<16xf32>
        %max3A_1231 = arith.maximumf %masked_sort3A_1159, %masked_sort3A_1219 : vector<16xf32>
        %max3A_1232 = arith.maximumf %masked_sort3A_1163, %masked_sort3A_1223 : vector<16xf32>
        %min3A_1233 = arith.minimumf %min3A_1225, %min3A_1227 : vector<16xf32>
        %max3A_1234 = arith.maximumf %min3A_1225, %min3A_1227 : vector<16xf32>
        %min3A_1235 = arith.minimumf %min3A_1226, %min3A_1228 : vector<16xf32>
        %max3A_1236 = arith.maximumf %min3A_1226, %min3A_1228 : vector<16xf32>
        %min3A_1237 = arith.minimumf %min3A_1233, %min3A_1235 : vector<16xf32>
        %max3A_1238 = arith.maximumf %min3A_1233, %min3A_1235 : vector<16xf32>
        %min3A_1239 = arith.minimumf %max3A_1234, %max3A_1236 : vector<16xf32>
        %max3A_1240 = arith.maximumf %max3A_1234, %max3A_1236 : vector<16xf32>
        %masked_sort3A_1241 = arith.constant dense<true> : vector<16xi1>
        %masked_sort3A_1242, %masked_sort3A_1243, %masked_sort3A_1244 = tpu.sort %min3A_1237, %min3A_1237 masked %masked_sort3A_1241 : (vector<16xf32>, vector<16xf32>, vector<16xi1>) -> (vector<16xi1>, vector<16xf32>, vector<16xf32>)
        %masked_sort3A_1245 = arith.constant dense<true> : vector<16xi1>
        %masked_sort3A_1246, %masked_sort3A_1247, %masked_sort3A_1248 = tpu.sort %max3A_1238, %max3A_1238 masked %masked_sort3A_1245 : (vector<16xf32>, vector<16xf32>, vector<16xi1>) -> (vector<16xi1>, vector<16xf32>, vector<16xf32>)
        %masked_sort3A_1249 = arith.constant dense<true> : vector<16xi1>
        %masked_sort3A_1250, %masked_sort3A_1251, %masked_sort3A_1252 = tpu.sort %min3A_1239, %min3A_1239 masked %masked_sort3A_1249 : (vector<16xf32>, vector<16xf32>, vector<16xi1>) -> (vector<16xi1>, vector<16xf32>, vector<16xf32>)
        %masked_sort3A_1253 = arith.constant dense<true> : vector<16xi1>
        %masked_sort3A_1254, %masked_sort3A_1255, %masked_sort3A_1256 = tpu.sort %max3A_1240, %max3A_1240 masked %masked_sort3A_1253 : (vector<16xf32>, vector<16xf32>, vector<16xi1>) -> (vector<16xi1>, vector<16xf32>, vector<16xf32>)
        %min3A_1257 = arith.minimumf %max3A_1229, %max3A_1231 : vector<16xf32>
        %max3A_1258 = arith.maximumf %max3A_1229, %max3A_1231 : vector<16xf32>
        %min3A_1259 = arith.minimumf %max3A_1230, %max3A_1232 : vector<16xf32>
        %max3A_1260 = arith.maximumf %max3A_1230, %max3A_1232 : vector<16xf32>
        %min3A_1261 = arith.minimumf %min3A_1257, %min3A_1259 : vector<16xf32>
        %max3A_1262 = arith.maximumf %min3A_1257, %min3A_1259 : vector<16xf32>
        %min3A_1263 = arith.minimumf %max3A_1258, %max3A_1260 : vector<16xf32>
        %max3A_1264 = arith.maximumf %max3A_1258, %max3A_1260 : vector<16xf32>
        %masked_sort3A_1265 = arith.constant dense<true> : vector<16xi1>
        %masked_sort3A_1266, %masked_sort3A_1267, %masked_sort3A_1268 = tpu.sort %min3A_1261, %min3A_1261 masked %masked_sort3A_1265 : (vector<16xf32>, vector<16xf32>, vector<16xi1>) -> (vector<16xi1>, vector<16xf32>, vector<16xf32>)
        %masked_sort3A_1269 = arith.constant dense<true> : vector<16xi1>
        %masked_sort3A_1270, %masked_sort3A_1271, %masked_sort3A_1272 = tpu.sort %max3A_1262, %max3A_1262 masked %masked_sort3A_1269 : (vector<16xf32>, vector<16xf32>, vector<16xi1>) -> (vector<16xi1>, vector<16xf32>, vector<16xf32>)
        %masked_sort3A_1273 = arith.constant dense<true> : vector<16xi1>
        %masked_sort3A_1274, %masked_sort3A_1275, %masked_sort3A_1276 = tpu.sort %min3A_1263, %min3A_1263 masked %masked_sort3A_1273 : (vector<16xf32>, vector<16xf32>, vector<16xi1>) -> (vector<16xi1>, vector<16xf32>, vector<16xf32>)
        %masked_sort3A_1277 = arith.constant dense<true> : vector<16xi1>
        %masked_sort3A_1278, %masked_sort3A_1279, %masked_sort3A_1280 = tpu.sort %max3A_1264, %max3A_1264 masked %masked_sort3A_1277 : (vector<16xf32>, vector<16xf32>, vector<16xi1>) -> (vector<16xi1>, vector<16xf32>, vector<16xf32>)
        %max3A_1281 = arith.maximumf %scan3A_1025, %masked_sort3A_1243 : vector<16xf32>
        %max3A_1282 = arith.maximumf %scan3A_1026, %masked_sort3A_1247 : vector<16xf32>
        %max3A_1283 = arith.maximumf %scan3A_1027, %masked_sort3A_1251 : vector<16xf32>
        %max3A_1284 = arith.maximumf %scan3A_1028, %masked_sort3A_1255 : vector<16xf32>
        %max3A_1285 = arith.maximumf %scan3A_1029, %masked_sort3A_1267 : vector<16xf32>
        %max3A_1286 = arith.maximumf %scan3A_1030, %masked_sort3A_1271 : vector<16xf32>
        %max3A_1287 = arith.maximumf %scan3A_1031, %masked_sort3A_1275 : vector<16xf32>
        %max3A_1288 = arith.maximumf %scan3A_1032, %masked_sort3A_1279 : vector<16xf32>
        %max3A_1289 = arith.maximumf %max3A_1281, %max3A_1285 : vector<16xf32>
        %min3A_1290 = arith.minimumf %max3A_1281, %max3A_1285 : vector<16xf32>
        %max3A_1291 = arith.maximumf %max3A_1282, %max3A_1286 : vector<16xf32>
        %min3A_1292 = arith.minimumf %max3A_1282, %max3A_1286 : vector<16xf32>
        %max3A_1293 = arith.maximumf %max3A_1283, %max3A_1287 : vector<16xf32>
        %min3A_1294 = arith.minimumf %max3A_1283, %max3A_1287 : vector<16xf32>
        %max3A_1295 = arith.maximumf %max3A_1284, %max3A_1288 : vector<16xf32>
        %min3A_1296 = arith.minimumf %max3A_1284, %max3A_1288 : vector<16xf32>
        %max3A_1297 = arith.maximumf %max3A_1289, %max3A_1293 : vector<16xf32>
        %min3A_1298 = arith.minimumf %max3A_1289, %max3A_1293 : vector<16xf32>
        %max3A_1299 = arith.maximumf %max3A_1291, %max3A_1295 : vector<16xf32>
        %min3A_1300 = arith.minimumf %max3A_1291, %max3A_1295 : vector<16xf32>
        %max3A_1301 = arith.maximumf %min3A_1290, %min3A_1294 : vector<16xf32>
        %min3A_1302 = arith.minimumf %min3A_1290, %min3A_1294 : vector<16xf32>
        %max3A_1303 = arith.maximumf %min3A_1292, %min3A_1296 : vector<16xf32>
        %min3A_1304 = arith.minimumf %min3A_1292, %min3A_1296 : vector<16xf32>
        %max3A_1305 = arith.maximumf %max3A_1297, %max3A_1299 : vector<16xf32>
        %min3A_1306 = arith.minimumf %max3A_1297, %max3A_1299 : vector<16xf32>
        %max3A_1307 = arith.maximumf %min3A_1298, %min3A_1300 : vector<16xf32>
        %min3A_1308 = arith.minimumf %min3A_1298, %min3A_1300 : vector<16xf32>
        %max3A_1309 = arith.maximumf %max3A_1301, %max3A_1303 : vector<16xf32>
        %min3A_1310 = arith.minimumf %max3A_1301, %max3A_1303 : vector<16xf32>
        %max3A_1311 = arith.maximumf %min3A_1302, %min3A_1304 : vector<16xf32>
        %min3A_1312 = arith.minimumf %min3A_1302, %min3A_1304 : vector<16xf32>
        %masked_sort3A_1313 = arith.constant dense<true> : vector<16xi1>
        %masked_sort3A_1314, %masked_sort3A_1315, %masked_sort3A_1316 = tpu.sort %max3A_1305, %max3A_1305 masked %masked_sort3A_1313 {descending = true} : (vector<16xf32>, vector<16xf32>, vector<16xi1>) -> (vector<16xi1>, vector<16xf32>, vector<16xf32>)
        %masked_sort3A_1317 = arith.constant dense<true> : vector<16xi1>
        %masked_sort3A_1318, %masked_sort3A_1319, %masked_sort3A_1320 = tpu.sort %min3A_1306, %min3A_1306 masked %masked_sort3A_1317 {descending = true} : (vector<16xf32>, vector<16xf32>, vector<16xi1>) -> (vector<16xi1>, vector<16xf32>, vector<16xf32>)
        %masked_sort3A_1321 = arith.constant dense<true> : vector<16xi1>
        %masked_sort3A_1322, %masked_sort3A_1323, %masked_sort3A_1324 = tpu.sort %max3A_1307, %max3A_1307 masked %masked_sort3A_1321 {descending = true} : (vector<16xf32>, vector<16xf32>, vector<16xi1>) -> (vector<16xi1>, vector<16xf32>, vector<16xf32>)
        %masked_sort3A_1325 = arith.constant dense<true> : vector<16xi1>
        %masked_sort3A_1326, %masked_sort3A_1327, %masked_sort3A_1328 = tpu.sort %min3A_1308, %min3A_1308 masked %masked_sort3A_1325 {descending = true} : (vector<16xf32>, vector<16xf32>, vector<16xi1>) -> (vector<16xi1>, vector<16xf32>, vector<16xf32>)
        %masked_sort3A_1329 = arith.constant dense<true> : vector<16xi1>
        %masked_sort3A_1330, %masked_sort3A_1331, %masked_sort3A_1332 = tpu.sort %max3A_1309, %max3A_1309 masked %masked_sort3A_1329 {descending = true} : (vector<16xf32>, vector<16xf32>, vector<16xi1>) -> (vector<16xi1>, vector<16xf32>, vector<16xf32>)
        %masked_sort3A_1333 = arith.constant dense<true> : vector<16xi1>
        %masked_sort3A_1334, %masked_sort3A_1335, %masked_sort3A_1336 = tpu.sort %min3A_1310, %min3A_1310 masked %masked_sort3A_1333 {descending = true} : (vector<16xf32>, vector<16xf32>, vector<16xi1>) -> (vector<16xi1>, vector<16xf32>, vector<16xf32>)
        %masked_sort3A_1337 = arith.constant dense<true> : vector<16xi1>
        %masked_sort3A_1338, %masked_sort3A_1339, %masked_sort3A_1340 = tpu.sort %max3A_1311, %max3A_1311 masked %masked_sort3A_1337 {descending = true} : (vector<16xf32>, vector<16xf32>, vector<16xi1>) -> (vector<16xi1>, vector<16xf32>, vector<16xf32>)
        %masked_sort3A_1341 = arith.constant dense<true> : vector<16xi1>
        %masked_sort3A_1342, %masked_sort3A_1343, %masked_sort3A_1344 = tpu.sort %min3A_1312, %min3A_1312 masked %masked_sort3A_1341 {descending = true} : (vector<16xf32>, vector<16xf32>, vector<16xi1>) -> (vector<16xi1>, vector<16xf32>, vector<16xf32>)
        %mul3A_1345 = arith.constant 128 : i32
        %mul3A_1346 = arith.muli %scan3A_1024, %mul3A_1345 : i32
        %add3A_1347 = arith.constant 0 : i32
        %add3A_1348 = arith.addi %mul3A_1346, %add3A_1347 : i32
        %get3A_1349 = arith.constant 1 : i32
        %get3A_1350 = arith.index_cast %get3A_1349 : i32 to index
        %get3A_1351 = arith.index_cast %add3A_1348 : i32 to index
        %get3A_1352 = tpu.vector_load %arg4[%get3A_1350, %get3A_1351] {strides = array<i32>} : memref<2x2048xf32, #tpu.memory_space<vmem>>, vector<16xf32>,
        %mul3A_1353 = arith.constant 128 : i32
        %mul3A_1354 = arith.muli %scan3A_1024, %mul3A_1353 : i32
        %add3A_1355 = arith.constant 16 : i32
        %add3A_1356 = arith.addi %mul3A_1354, %add3A_1355 : i32
        %get3A_1357 = arith.constant 1 : i32
        %get3A_1358 = arith.index_cast %get3A_1357 : i32 to index
        %get3A_1359 = arith.index_cast %add3A_1356 : i32 to index
        %get3A_1360 = tpu.vector_load %arg4[%get3A_1358, %get3A_1359] {strides = array<i32>} : memref<2x2048xf32, #tpu.memory_space<vmem>>, vector<16xf32>,
        %mul3A_1361 = arith.constant 128 : i32
        %mul3A_1362 = arith.muli %scan3A_1024, %mul3A_1361 : i32
        %add3A_1363 = arith.constant 32 : i32
        %add3A_1364 = arith.addi %mul3A_1362, %add3A_1363 : i32
        %get3A_1365 = arith.constant 1 : i32
        %get3A_1366 = arith.index_cast %get3A_1365 : i32 to index
        %get3A_1367 = arith.index_cast %add3A_1364 : i32 to index
        %get3A_1368 = tpu.vector_load %arg4[%get3A_1366, %get3A_1367] {strides = array<i32>} : memref<2x2048xf32, #tpu.memory_space<vmem>>, vector<16xf32>,
        %mul3A_1369 = arith.constant 128 : i32
        %mul3A_1370 = arith.muli %scan3A_1024, %mul3A_1369 : i32
        %add3A_1371 = arith.constant 48 : i32
        %add3A_1372 = arith.addi %mul3A_1370, %add3A_1371 : i32
        %get3A_1373 = arith.constant 1 : i32
        %get3A_1374 = arith.index_cast %get3A_1373 : i32 to index
        %get3A_1375 = arith.index_cast %add3A_1372 : i32 to index
        %get3A_1376 = tpu.vector_load %arg4[%get3A_1374, %get3A_1375] {strides = array<i32>} : memref<2x2048xf32, #tpu.memory_space<vmem>>, vector<16xf32>,
        %mul3A_1377 = arith.constant 128 : i32
        %mul3A_1378 = arith.muli %scan3A_1024, %mul3A_1377 : i32
        %add3A_1379 = arith.constant 64 : i32
        %add3A_1380 = arith.addi %mul3A_1378, %add3A_1379 : i32
        %get3A_1381 = arith.constant 1 : i32
        %get3A_1382 = arith.index_cast %get3A_1381 : i32 to index
        %get3A_1383 = arith.index_cast %add3A_1380 : i32 to index
        %get3A_1384 = tpu.vector_load %arg4[%get3A_1382, %get3A_1383] {strides = array<i32>} : memref<2x2048xf32, #tpu.memory_space<vmem>>, vector<16xf32>,
        %mul3A_1385 = arith.constant 128 : i32
        %mul3A_1386 = arith.muli %scan3A_1024, %mul3A_1385 : i32
        %add3A_1387 = arith.constant 80 : i32
        %add3A_1388 = arith.addi %mul3A_1386, %add3A_1387 : i32
        %get3A_1389 = arith.constant 1 : i32
        %get3A_1390 = arith.index_cast %get3A_1389 : i32 to index
        %get3A_1391 = arith.index_cast %add3A_1388 : i32 to index
        %get3A_1392 = tpu.vector_load %arg4[%get3A_1390, %get3A_1391] {strides = array<i32>} : memref<2x2048xf32, #tpu.memory_space<vmem>>, vector<16xf32>,
        %mul3A_1393 = arith.constant 128 : i32
        %mul3A_1394 = arith.muli %scan3A_1024, %mul3A_1393 : i32
        %add3A_1395 = arith.constant 96 : i32
        %add3A_1396 = arith.addi %mul3A_1394, %add3A_1395 : i32
        %get3A_1397 = arith.constant 1 : i32
        %get3A_1398 = arith.index_cast %get3A_1397 : i32 to index
        %get3A_1399 = arith.index_cast %add3A_1396 : i32 to index
        %get3A_1400 = tpu.vector_load %arg4[%get3A_1398, %get3A_1399] {strides = array<i32>} : memref<2x2048xf32, #tpu.memory_space<vmem>>, vector<16xf32>,
        %mul3A_1401 = arith.constant 128 : i32
        %mul3A_1402 = arith.muli %scan3A_1024, %mul3A_1401 : i32
        %add3A_1403 = arith.constant 112 : i32
        %add3A_1404 = arith.addi %mul3A_1402, %add3A_1403 : i32
        %get3A_1405 = arith.constant 1 : i32
        %get3A_1406 = arith.index_cast %get3A_1405 : i32 to index
        %get3A_1407 = arith.index_cast %add3A_1404 : i32 to index
        %get3A_1408 = tpu.vector_load %arg4[%get3A_1406, %get3A_1407] {strides = array<i32>} : memref<2x2048xf32, #tpu.memory_space<vmem>>, vector<16xf32>,
        %masked_sort3A_1409 = arith.constant dense<true> : vector<16xi1>
        %masked_sort3A_1410, %masked_sort3A_1411, %masked_sort3A_1412 = tpu.sort %get3A_1352, %get3A_1352 masked %masked_sort3A_1409 : (vector<16xf32>, vector<16xf32>, vector<16xi1>) -> (vector<16xi1>, vector<16xf32>, vector<16xf32>)
        %masked_sort3A_1413 = arith.constant dense<true> : vector<16xi1>
        %masked_sort3A_1414, %masked_sort3A_1415, %masked_sort3A_1416 = tpu.sort %get3A_1360, %get3A_1360 masked %masked_sort3A_1413 {descending = true} : (vector<16xf32>, vector<16xf32>, vector<16xi1>) -> (vector<16xi1>, vector<16xf32>, vector<16xf32>)
        %min3A_1417 = arith.minimumf %masked_sort3A_1411, %masked_sort3A_1415 : vector<16xf32>
        %max3A_1418 = arith.maximumf %masked_sort3A_1411, %masked_sort3A_1415 : vector<16xf32>
        %masked_sort3A_1419 = arith.constant dense<true> : vector<16xi1>
        %masked_sort3A_1420, %masked_sort3A_1421, %masked_sort3A_1422 = tpu.sort %min3A_1417, %min3A_1417 masked %masked_sort3A_1419 : (vector<16xf32>, vector<16xf32>, vector<16xi1>) -> (vector<16xi1>, vector<16xf32>, vector<16xf32>)
        %masked_sort3A_1423 = arith.constant dense<true> : vector<16xi1>
        %masked_sort3A_1424, %masked_sort3A_1425, %masked_sort3A_1426 = tpu.sort %max3A_1418, %max3A_1418 masked %masked_sort3A_1423 : (vector<16xf32>, vector<16xf32>, vector<16xi1>) -> (vector<16xi1>, vector<16xf32>, vector<16xf32>)
        %masked_sort3A_1427 = arith.constant dense<true> : vector<16xi1>
        %masked_sort3A_1428, %masked_sort3A_1429, %masked_sort3A_1430 = tpu.sort %get3A_1368, %get3A_1368 masked %masked_sort3A_1427 {descending = true} : (vector<16xf32>, vector<16xf32>, vector<16xi1>) -> (vector<16xi1>, vector<16xf32>, vector<16xf32>)
        %masked_sort3A_1431 = arith.constant dense<true> : vector<16xi1>
        %masked_sort3A_1432, %masked_sort3A_1433, %masked_sort3A_1434 = tpu.sort %get3A_1376, %get3A_1376 masked %masked_sort3A_1431 : (vector<16xf32>, vector<16xf32>, vector<16xi1>) -> (vector<16xi1>, vector<16xf32>, vector<16xf32>)
        %max3A_1435 = arith.maximumf %masked_sort3A_1429, %masked_sort3A_1433 : vector<16xf32>
        %min3A_1436 = arith.minimumf %masked_sort3A_1429, %masked_sort3A_1433 : vector<16xf32>
        %masked_sort3A_1437 = arith.constant dense<true> : vector<16xi1>
        %masked_sort3A_1438, %masked_sort3A_1439, %masked_sort3A_1440 = tpu.sort %max3A_1435, %max3A_1435 masked %masked_sort3A_1437 {descending = true} : (vector<16xf32>, vector<16xf32>, vector<16xi1>) -> (vector<16xi1>, vector<16xf32>, vector<16xf32>)
        %masked_sort3A_1441 = arith.constant dense<true> : vector<16xi1>
        %masked_sort3A_1442, %masked_sort3A_1443, %masked_sort3A_1444 = tpu.sort %min3A_1436, %min3A_1436 masked %masked_sort3A_1441 {descending = true} : (vector<16xf32>, vector<16xf32>, vector<16xi1>) -> (vector<16xi1>, vector<16xf32>, vector<16xf32>)
        %min3A_1445 = arith.minimumf %masked_sort3A_1421, %masked_sort3A_1439 : vector<16xf32>
        %min3A_1446 = arith.minimumf %masked_sort3A_1425, %masked_sort3A_1443 : vector<16xf32>
        %max3A_1447 = arith.maximumf %masked_sort3A_1421, %masked_sort3A_1439 : vector<16xf32>
        %max3A_1448 = arith.maximumf %masked_sort3A_1425, %masked_sort3A_1443 : vector<16xf32>
        %min3A_1449 = arith.minimumf %min3A_1445, %min3A_1446 : vector<16xf32>
        %max3A_1450 = arith.maximumf %min3A_1445, %min3A_1446 : vector<16xf32>
        %masked_sort3A_1451 = arith.constant dense<true> : vector<16xi1>
        %masked_sort3A_1452, %masked_sort3A_1453, %masked_sort3A_1454 = tpu.sort %min3A_1449, %min3A_1449 masked %masked_sort3A_1451 : (vector<16xf32>, vector<16xf32>, vector<16xi1>) -> (vector<16xi1>, vector<16xf32>, vector<16xf32>)
        %masked_sort3A_1455 = arith.constant dense<true> : vector<16xi1>
        %masked_sort3A_1456, %masked_sort3A_1457, %masked_sort3A_1458 = tpu.sort %max3A_1450, %max3A_1450 masked %masked_sort3A_1455 : (vector<16xf32>, vector<16xf32>, vector<16xi1>) -> (vector<16xi1>, vector<16xf32>, vector<16xf32>)
        %min3A_1459 = arith.minimumf %max3A_1447, %max3A_1448 : vector<16xf32>
        %max3A_1460 = arith.maximumf %max3A_1447, %max3A_1448 : vector<16xf32>
        %masked_sort3A_1461 = arith.constant dense<true> : vector<16xi1>
        %masked_sort3A_1462, %masked_sort3A_1463, %masked_sort3A_1464 = tpu.sort %min3A_1459, %min3A_1459 masked %masked_sort3A_1461 : (vector<16xf32>, vector<16xf32>, vector<16xi1>) -> (vector<16xi1>, vector<16xf32>, vector<16xf32>)
        %masked_sort3A_1465 = arith.constant dense<true> : vector<16xi1>
        %masked_sort3A_1466, %masked_sort3A_1467, %masked_sort3A_1468 = tpu.sort %max3A_1460, %max3A_1460 masked %masked_sort3A_1465 : (vector<16xf32>, vector<16xf32>, vector<16xi1>) -> (vector<16xi1>, vector<16xf32>, vector<16xf32>)
        %masked_sort3A_1469 = arith.constant dense<true> : vector<16xi1>
        %masked_sort3A_1470, %masked_sort3A_1471, %masked_sort3A_1472 = tpu.sort %get3A_1384, %get3A_1384 masked %masked_sort3A_1469 {descending = true} : (vector<16xf32>, vector<16xf32>, vector<16xi1>) -> (vector<16xi1>, vector<16xf32>, vector<16xf32>)
        %masked_sort3A_1473 = arith.constant dense<true> : vector<16xi1>
        %masked_sort3A_1474, %masked_sort3A_1475, %masked_sort3A_1476 = tpu.sort %get3A_1392, %get3A_1392 masked %masked_sort3A_1473 : (vector<16xf32>, vector<16xf32>, vector<16xi1>) -> (vector<16xi1>, vector<16xf32>, vector<16xf32>)
        %max3A_1477 = arith.maximumf %masked_sort3A_1471, %masked_sort3A_1475 : vector<16xf32>
        %min3A_1478 = arith.minimumf %masked_sort3A_1471, %masked_sort3A_1475 : vector<16xf32>
        %masked_sort3A_1479 = arith.constant dense<true> : vector<16xi1>
        %masked_sort3A_1480, %masked_sort3A_1481, %masked_sort3A_1482 = tpu.sort %max3A_1477, %max3A_1477 masked %masked_sort3A_1479 {descending = true} : (vector<16xf32>, vector<16xf32>, vector<16xi1>) -> (vector<16xi1>, vector<16xf32>, vector<16xf32>)
        %masked_sort3A_1483 = arith.constant dense<true> : vector<16xi1>
        %masked_sort3A_1484, %masked_sort3A_1485, %masked_sort3A_1486 = tpu.sort %min3A_1478, %min3A_1478 masked %masked_sort3A_1483 {descending = true} : (vector<16xf32>, vector<16xf32>, vector<16xi1>) -> (vector<16xi1>, vector<16xf32>, vector<16xf32>)
        %masked_sort3A_1487 = arith.constant dense<true> : vector<16xi1>
        %masked_sort3A_1488, %masked_sort3A_1489, %masked_sort3A_1490 = tpu.sort %get3A_1400, %get3A_1400 masked %masked_sort3A_1487 : (vector<16xf32>, vector<16xf32>, vector<16xi1>) -> (vector<16xi1>, vector<16xf32>, vector<16xf32>)
        %masked_sort3A_1491 = arith.constant dense<true> : vector<16xi1>
        %masked_sort3A_1492, %masked_sort3A_1493, %masked_sort3A_1494 = tpu.sort %get3A_1408, %get3A_1408 masked %masked_sort3A_1491 {descending = true} : (vector<16xf32>, vector<16xf32>, vector<16xi1>) -> (vector<16xi1>, vector<16xf32>, vector<16xf32>)
        %min3A_1495 = arith.minimumf %masked_sort3A_1489, %masked_sort3A_1493 : vector<16xf32>
        %max3A_1496 = arith.maximumf %masked_sort3A_1489, %masked_sort3A_1493 : vector<16xf32>
        %masked_sort3A_1497 = arith.constant dense<true> : vector<16xi1>
        %masked_sort3A_1498, %masked_sort3A_1499, %masked_sort3A_1500 = tpu.sort %min3A_1495, %min3A_1495 masked %masked_sort3A_1497 : (vector<16xf32>, vector<16xf32>, vector<16xi1>) -> (vector<16xi1>, vector<16xf32>, vector<16xf32>)
        %masked_sort3A_1501 = arith.constant dense<true> : vector<16xi1>
        %masked_sort3A_1502, %masked_sort3A_1503, %masked_sort3A_1504 = tpu.sort %max3A_1496, %max3A_1496 masked %masked_sort3A_1501 : (vector<16xf32>, vector<16xf32>, vector<16xi1>) -> (vector<16xi1>, vector<16xf32>, vector<16xf32>)
        %max3A_1505 = arith.maximumf %masked_sort3A_1481, %masked_sort3A_1499 : vector<16xf32>
        %max3A_1506 = arith.maximumf %masked_sort3A_1485, %masked_sort3A_1503 : vector<16xf32>
        %min3A_1507 = arith.minimumf %masked_sort3A_1481, %masked_sort3A_1499 : vector<16xf32>
        %min3A_1508 = arith.minimumf %masked_sort3A_1485, %masked_sort3A_1503 : vector<16xf32>
        %max3A_1509 = arith.maximumf %max3A_1505, %max3A_1506 : vector<16xf32>
        %min3A_1510 = arith.minimumf %max3A_1505, %max3A_1506 : vector<16xf32>
        %masked_sort3A_1511 = arith.constant dense<true> : vector<16xi1>
        %masked_sort3A_1512, %masked_sort3A_1513, %masked_sort3A_1514 = tpu.sort %max3A_1509, %max3A_1509 masked %masked_sort3A_1511 {descending = true} : (vector<16xf32>, vector<16xf32>, vector<16xi1>) -> (vector<16xi1>, vector<16xf32>, vector<16xf32>)
        %masked_sort3A_1515 = arith.constant dense<true> : vector<16xi1>
        %masked_sort3A_1516, %masked_sort3A_1517, %masked_sort3A_1518 = tpu.sort %min3A_1510, %min3A_1510 masked %masked_sort3A_1515 {descending = true} : (vector<16xf32>, vector<16xf32>, vector<16xi1>) -> (vector<16xi1>, vector<16xf32>, vector<16xf32>)
        %max3A_1519 = arith.maximumf %min3A_1507, %min3A_1508 : vector<16xf32>
        %min3A_1520 = arith.minimumf %min3A_1507, %min3A_1508 : vector<16xf32>
        %masked_sort3A_1521 = arith.constant dense<true> : vector<16xi1>
        %masked_sort3A_1522, %masked_sort3A_1523, %masked_sort3A_1524 = tpu.sort %max3A_1519, %max3A_1519 masked %masked_sort3A_1521 {descending = true} : (vector<16xf32>, vector<16xf32>, vector<16xi1>) -> (vector<16xi1>, vector<16xf32>, vector<16xf32>)
        %masked_sort3A_1525 = arith.constant dense<true> : vector<16xi1>
        %masked_sort3A_1526, %masked_sort3A_1527, %masked_sort3A_1528 = tpu.sort %min3A_1520, %min3A_1520 masked %masked_sort3A_1525 {descending = true} : (vector<16xf32>, vector<16xf32>, vector<16xi1>) -> (vector<16xi1>, vector<16xf32>, vector<16xf32>)
        %min3A_1529 = arith.minimumf %masked_sort3A_1453, %masked_sort3A_1513 : vector<16xf32>
        %min3A_1530 = arith.minimumf %masked_sort3A_1457, %masked_sort3A_1517 : vector<16xf32>
        %min3A_1531 = arith.minimumf %masked_sort3A_1463, %masked_sort3A_1523 : vector<16xf32>
        %min3A_1532 = arith.minimumf %masked_sort3A_1467, %masked_sort3A_1527 : vector<16xf32>
        %max3A_1533 = arith.maximumf %masked_sort3A_1453, %masked_sort3A_1513 : vector<16xf32>
        %max3A_1534 = arith.maximumf %masked_sort3A_1457, %masked_sort3A_1517 : vector<16xf32>
        %max3A_1535 = arith.maximumf %masked_sort3A_1463, %masked_sort3A_1523 : vector<16xf32>
        %max3A_1536 = arith.maximumf %masked_sort3A_1467, %masked_sort3A_1527 : vector<16xf32>
        %min3A_1537 = arith.minimumf %min3A_1529, %min3A_1531 : vector<16xf32>
        %max3A_1538 = arith.maximumf %min3A_1529, %min3A_1531 : vector<16xf32>
        %min3A_1539 = arith.minimumf %min3A_1530, %min3A_1532 : vector<16xf32>
        %max3A_1540 = arith.maximumf %min3A_1530, %min3A_1532 : vector<16xf32>
        %min3A_1541 = arith.minimumf %min3A_1537, %min3A_1539 : vector<16xf32>
        %max3A_1542 = arith.maximumf %min3A_1537, %min3A_1539 : vector<16xf32>
        %min3A_1543 = arith.minimumf %max3A_1538, %max3A_1540 : vector<16xf32>
        %max3A_1544 = arith.maximumf %max3A_1538, %max3A_1540 : vector<16xf32>
        %masked_sort3A_1545 = arith.constant dense<true> : vector<16xi1>
        %masked_sort3A_1546, %masked_sort3A_1547, %masked_sort3A_1548 = tpu.sort %min3A_1541, %min3A_1541 masked %masked_sort3A_1545 : (vector<16xf32>, vector<16xf32>, vector<16xi1>) -> (vector<16xi1>, vector<16xf32>, vector<16xf32>)
        %masked_sort3A_1549 = arith.constant dense<true> : vector<16xi1>
        %masked_sort3A_1550, %masked_sort3A_1551, %masked_sort3A_1552 = tpu.sort %max3A_1542, %max3A_1542 masked %masked_sort3A_1549 : (vector<16xf32>, vector<16xf32>, vector<16xi1>) -> (vector<16xi1>, vector<16xf32>, vector<16xf32>)
        %masked_sort3A_1553 = arith.constant dense<true> : vector<16xi1>
        %masked_sort3A_1554, %masked_sort3A_1555, %masked_sort3A_1556 = tpu.sort %min3A_1543, %min3A_1543 masked %masked_sort3A_1553 : (vector<16xf32>, vector<16xf32>, vector<16xi1>) -> (vector<16xi1>, vector<16xf32>, vector<16xf32>)
        %masked_sort3A_1557 = arith.constant dense<true> : vector<16xi1>
        %masked_sort3A_1558, %masked_sort3A_1559, %masked_sort3A_1560 = tpu.sort %max3A_1544, %max3A_1544 masked %masked_sort3A_1557 : (vector<16xf32>, vector<16xf32>, vector<16xi1>) -> (vector<16xi1>, vector<16xf32>, vector<16xf32>)
        %min3A_1561 = arith.minimumf %max3A_1533, %max3A_1535 : vector<16xf32>
        %max3A_1562 = arith.maximumf %max3A_1533, %max3A_1535 : vector<16xf32>
        %min3A_1563 = arith.minimumf %max3A_1534, %max3A_1536 : vector<16xf32>
        %max3A_1564 = arith.maximumf %max3A_1534, %max3A_1536 : vector<16xf32>
        %min3A_1565 = arith.minimumf %min3A_1561, %min3A_1563 : vector<16xf32>
        %max3A_1566 = arith.maximumf %min3A_1561, %min3A_1563 : vector<16xf32>
        %min3A_1567 = arith.minimumf %max3A_1562, %max3A_1564 : vector<16xf32>
        %max3A_1568 = arith.maximumf %max3A_1562, %max3A_1564 : vector<16xf32>
        %masked_sort3A_1569 = arith.constant dense<true> : vector<16xi1>
        %masked_sort3A_1570, %masked_sort3A_1571, %masked_sort3A_1572 = tpu.sort %min3A_1565, %min3A_1565 masked %masked_sort3A_1569 : (vector<16xf32>, vector<16xf32>, vector<16xi1>) -> (vector<16xi1>, vector<16xf32>, vector<16xf32>)
        %masked_sort3A_1573 = arith.constant dense<true> : vector<16xi1>
        %masked_sort3A_1574, %masked_sort3A_1575, %masked_sort3A_1576 = tpu.sort %max3A_1566, %max3A_1566 masked %masked_sort3A_1573 : (vector<16xf32>, vector<16xf32>, vector<16xi1>) -> (vector<16xi1>, vector<16xf32>, vector<16xf32>)
        %masked_sort3A_1577 = arith.constant dense<true> : vector<16xi1>
        %masked_sort3A_1578, %masked_sort3A_1579, %masked_sort3A_1580 = tpu.sort %min3A_1567, %min3A_1567 masked %masked_sort3A_1577 : (vector<16xf32>, vector<16xf32>, vector<16xi1>) -> (vector<16xi1>, vector<16xf32>, vector<16xf32>)
        %masked_sort3A_1581 = arith.constant dense<true> : vector<16xi1>
        %masked_sort3A_1582, %masked_sort3A_1583, %masked_sort3A_1584 = tpu.sort %max3A_1568, %max3A_1568 masked %masked_sort3A_1581 : (vector<16xf32>, vector<16xf32>, vector<16xi1>) -> (vector<16xi1>, vector<16xf32>, vector<16xf32>)
        %max3A_1585 = arith.maximumf %scan3A_1033, %masked_sort3A_1547 : vector<16xf32>
        %max3A_1586 = arith.maximumf %scan3A_1034, %masked_sort3A_1551 : vector<16xf32>
        %max3A_1587 = arith.maximumf %scan3A_1035, %masked_sort3A_1555 : vector<16xf32>
        %max3A_1588 = arith.maximumf %scan3A_1036, %masked_sort3A_1559 : vector<16xf32>
        %max3A_1589 = arith.maximumf %scan3A_1037, %masked_sort3A_1571 : vector<16xf32>
        %max3A_1590 = arith.maximumf %scan3A_1038, %masked_sort3A_1575 : vector<16xf32>
        %max3A_1591 = arith.maximumf %scan3A_1039, %masked_sort3A_1579 : vector<16xf32>
        %max3A_1592 = arith.maximumf %scan3A_1040, %masked_sort3A_1583 : vector<16xf32>
        %max3A_1593 = arith.maximumf %max3A_1585, %max3A_1589 : vector<16xf32>
        %min3A_1594 = arith.minimumf %max3A_1585, %max3A_1589 : vector<16xf32>
        %max3A_1595 = arith.maximumf %max3A_1586, %max3A_1590 : vector<16xf32>
        %min3A_1596 = arith.minimumf %max3A_1586, %max3A_1590 : vector<16xf32>
        %max3A_1597 = arith.maximumf %max3A_1587, %max3A_1591 : vector<16xf32>
        %min3A_1598 = arith.minimumf %max3A_1587, %max3A_1591 : vector<16xf32>
        %max3A_1599 = arith.maximumf %max3A_1588, %max3A_1592 : vector<16xf32>
        %min3A_1600 = arith.minimumf %max3A_1588, %max3A_1592 : vector<16xf32>
        %max3A_1601 = arith.maximumf %max3A_1593, %max3A_1597 : vector<16xf32>
        %min3A_1602 = arith.minimumf %max3A_1593, %max3A_1597 : vector<16xf32>
        %max3A_1603 = arith.maximumf %max3A_1595, %max3A_1599 : vector<16xf32>
        %min3A_1604 = arith.minimumf %max3A_1595, %max3A_1599 : vector<16xf32>
        %max3A_1605 = arith.maximumf %min3A_1594, %min3A_1598 : vector<16xf32>
        %min3A_1606 = arith.minimumf %min3A_1594, %min3A_1598 : vector<16xf32>
        %max3A_1607 = arith.maximumf %min3A_1596, %min3A_1600 : vector<16xf32>
        %min3A_1608 = arith.minimumf %min3A_1596, %min3A_1600 : vector<16xf32>
        %max3A_1609 = arith.maximumf %max3A_1601, %max3A_1603 : vector<16xf32>
        %min3A_1610 = arith.minimumf %max3A_1601, %max3A_1603 : vector<16xf32>
        %max3A_1611 = arith.maximumf %min3A_1602, %min3A_1604 : vector<16xf32>
        %min3A_1612 = arith.minimumf %min3A_1602, %min3A_1604 : vector<16xf32>
        %max3A_1613 = arith.maximumf %max3A_1605, %max3A_1607 : vector<16xf32>
        %min3A_1614 = arith.minimumf %max3A_1605, %max3A_1607 : vector<16xf32>
        %max3A_1615 = arith.maximumf %min3A_1606, %min3A_1608 : vector<16xf32>
        %min3A_1616 = arith.minimumf %min3A_1606, %min3A_1608 : vector<16xf32>
        %masked_sort3A_1617 = arith.constant dense<true> : vector<16xi1>
        %masked_sort3A_1618, %masked_sort3A_1619, %masked_sort3A_1620 = tpu.sort %max3A_1609, %max3A_1609 masked %masked_sort3A_1617 {descending = true} : (vector<16xf32>, vector<16xf32>, vector<16xi1>) -> (vector<16xi1>, vector<16xf32>, vector<16xf32>)
        %masked_sort3A_1621 = arith.constant dense<true> : vector<16xi1>
        %masked_sort3A_1622, %masked_sort3A_1623, %masked_sort3A_1624 = tpu.sort %min3A_1610, %min3A_1610 masked %masked_sort3A_1621 {descending = true} : (vector<16xf32>, vector<16xf32>, vector<16xi1>) -> (vector<16xi1>, vector<16xf32>, vector<16xf32>)
        %masked_sort3A_1625 = arith.constant dense<true> : vector<16xi1>
        %masked_sort3A_1626, %masked_sort3A_1627, %masked_sort3A_1628 = tpu.sort %max3A_1611, %max3A_1611 masked %masked_sort3A_1625 {descending = true} : (vector<16xf32>, vector<16xf32>, vector<16xi1>) -> (vector<16xi1>, vector<16xf32>, vector<16xf32>)
        %masked_sort3A_1629 = arith.constant dense<true> : vector<16xi1>
        %masked_sort3A_1630, %masked_sort3A_1631, %masked_sort3A_1632 = tpu.sort %min3A_1612, %min3A_1612 masked %masked_sort3A_1629 {descending = true} : (vector<16xf32>, vector<16xf32>, vector<16xi1>) -> (vector<16xi1>, vector<16xf32>, vector<16xf32>)
        %masked_sort3A_1633 = arith.constant dense<true> : vector<16xi1>
        %masked_sort3A_1634, %masked_sort3A_1635, %masked_sort3A_1636 = tpu.sort %max3A_1613, %max3A_1613 masked %masked_sort3A_1633 {descending = true} : (vector<16xf32>, vector<16xf32>, vector<16xi1>) -> (vector<16xi1>, vector<16xf32>, vector<16xf32>)
        %masked_sort3A_1637 = arith.constant dense<true> : vector<16xi1>
        %masked_sort3A_1638, %masked_sort3A_1639, %masked_sort3A_1640 = tpu.sort %min3A_1614, %min3A_1614 masked %masked_sort3A_1637 {descending = true} : (vector<16xf32>, vector<16xf32>, vector<16xi1>) -> (vector<16xi1>, vector<16xf32>, vector<16xf32>)
        %masked_sort3A_1641 = arith.constant dense<true> : vector<16xi1>
        %masked_sort3A_1642, %masked_sort3A_1643, %masked_sort3A_1644 = tpu.sort %max3A_1615, %max3A_1615 masked %masked_sort3A_1641 {descending = true} : (vector<16xf32>, vector<16xf32>, vector<16xi1>) -> (vector<16xi1>, vector<16xf32>, vector<16xf32>)
        %masked_sort3A_1645 = arith.constant dense<true> : vector<16xi1>
        %masked_sort3A_1646, %masked_sort3A_1647, %masked_sort3A_1648 = tpu.sort %min3A_1616, %min3A_1616 masked %masked_sort3A_1645 {descending = true} : (vector<16xf32>, vector<16xf32>, vector<16xi1>) -> (vector<16xi1>, vector<16xf32>, vector<16xf32>)
        scf.yield %masked_sort3A_1315, %masked_sort3A_1319, %masked_sort3A_1323, %masked_sort3A_1327, %masked_sort3A_1331, %masked_sort3A_1335, %masked_sort3A_1339, %masked_sort3A_1343, %masked_sort3A_1619, %masked_sort3A_1623, %masked_sort3A_1627, %masked_sort3A_1631, %masked_sort3A_1635, %masked_sort3A_1639, %masked_sort3A_1643, %masked_sort3A_1647 : vector<16xf32>, vector<16xf32>, vector<16xf32>, vector<16xf32>, vector<16xf32>, vector<16xf32>, vector<16xf32>, vector<16xf32>, vector<16xf32>, vector<16xf32>, vector<16xf32>, vector<16xf32>, vector<16xf32>, vector<16xf32>, vector<16xf32>, vector<16xf32>
      }
      %scan3A_443 = arith.constant 15 : i32
      %swap3A = arith.constant 0 : i32
      %swap3A_444 = arith.index_cast %swap3A : i32 to index
      %swap3A_445 = arith.constant 0 : index
      %swap3A_446 = tpu.vector_load %arg6[%swap3A_444, %swap3A_445] {strides = array<i32>} : memref<2x128xf32, #tpu.memory_space<vmem>>, vector<16xf32>,
      tpu.vector_store %arg6[%swap3A_444, %swap3A_445], %scan3A_442#0 {strides = array<i32>} : memref<2x128xf32, #tpu.memory_space<vmem>>, vector<16xf32>,
      %swap3A_447 = arith.constant 0 : i32
      %swap3A_448 = arith.index_cast %swap3A_447 : i32 to index
      %swap3A_449 = arith.constant 16 : index
      %swap3A_450 = tpu.vector_load %arg6[%swap3A_448, %swap3A_449] {strides = array<i32>} : memref<2x128xf32, #tpu.memory_space<vmem>>, vector<16xf32>,
      tpu.vector_store %arg6[%swap3A_448, %swap3A_449], %scan3A_442#1 {strides = array<i32>} : memref<2x128xf32, #tpu.memory_space<vmem>>, vector<16xf32>,
      %swap3A_451 = arith.constant 0 : i32
      %swap3A_452 = arith.index_cast %swap3A_451 : i32 to index
      %swap3A_453 = arith.constant 32 : index
      %swap3A_454 = tpu.vector_load %arg6[%swap3A_452, %swap3A_453] {strides = array<i32>} : memref<2x128xf32, #tpu.memory_space<vmem>>, vector<16xf32>,
      tpu.vector_store %arg6[%swap3A_452, %swap3A_453], %scan3A_442#2 {strides = array<i32>} : memref<2x128xf32, #tpu.memory_space<vmem>>, vector<16xf32>,
      %swap3A_455 = arith.constant 0 : i32
      %swap3A_456 = arith.index_cast %swap3A_455 : i32 to index
      %swap3A_457 = arith.constant 48 : index
      %swap3A_458 = tpu.vector_load %arg6[%swap3A_456, %swap3A_457] {strides = array<i32>} : memref<2x128xf32, #tpu.memory_space<vmem>>, vector<16xf32>,
      tpu.vector_store %arg6[%swap3A_456, %swap3A_457], %scan3A_442#3 {strides = array<i32>} : memref<2x128xf32, #tpu.memory_space<vmem>>, vector<16xf32>,
      %swap3A_459 = arith.constant 0 : i32
      %swap3A_460 = arith.index_cast %swap3A_459 : i32 to index
      %swap3A_461 = arith.constant 64 : index
      %swap3A_462 = tpu.vector_load %arg6[%swap3A_460, %swap3A_461] {strides = array<i32>} : memref<2x128xf32, #tpu.memory_space<vmem>>, vector<16xf32>,
      tpu.vector_store %arg6[%swap3A_460, %swap3A_461], %scan3A_442#4 {strides = array<i32>} : memref<2x128xf32, #tpu.memory_space<vmem>>, vector<16xf32>,
      %swap3A_463 = arith.constant 0 : i32
      %swap3A_464 = arith.index_cast %swap3A_463 : i32 to index
      %swap3A_465 = arith.constant 80 : index
      %swap3A_466 = tpu.vector_load %arg6[%swap3A_464, %swap3A_465] {strides = array<i32>} : memref<2x128xf32, #tpu.memory_space<vmem>>, vector<16xf32>,
      tpu.vector_store %arg6[%swap3A_464, %swap3A_465], %scan3A_442#5 {strides = array<i32>} : memref<2x128xf32, #tpu.memory_space<vmem>>, vector<16xf32>,
      %swap3A_467 = arith.constant 0 : i32
      %swap3A_468 = arith.index_cast %swap3A_467 : i32 to index
      %swap3A_469 = arith.constant 96 : index
      %swap3A_470 = tpu.vector_load %arg6[%swap3A_468, %swap3A_469] {strides = array<i32>} : memref<2x128xf32, #tpu.memory_space<vmem>>, vector<16xf32>,
      tpu.vector_store %arg6[%swap3A_468, %swap3A_469], %scan3A_442#6 {strides = array<i32>} : memref<2x128xf32, #tpu.memory_space<vmem>>, vector<16xf32>,
      %swap3A_471 = arith.constant 0 : i32
      %swap3A_472 = arith.index_cast %swap3A_471 : i32 to index
      %swap3A_473 = arith.constant 112 : index
      %swap3A_474 = tpu.vector_load %arg6[%swap3A_472, %swap3A_473] {strides = array<i32>} : memref<2x128xf32, #tpu.memory_space<vmem>>, vector<16xf32>,
      tpu.vector_store %arg6[%swap3A_472, %swap3A_473], %scan3A_442#7 {strides = array<i32>} : memref<2x128xf32, #tpu.memory_space<vmem>>, vector<16xf32>,
      %swap3A_475 = arith.constant 1 : i32
      %swap3A_476 = arith.index_cast %swap3A_475 : i32 to index
      %swap3A_477 = arith.constant 0 : index
      %swap3A_478 = tpu.vector_load %arg6[%swap3A_476, %swap3A_477] {strides = array<i32>} : memref<2x128xf32, #tpu.memory_space<vmem>>, vector<16xf32>,
      tpu.vector_store %arg6[%swap3A_476, %swap3A_477], %scan3A_442#8 {strides = array<i32>} : memref<2x128xf32, #tpu.memory_space<vmem>>, vector<16xf32>,
      %swap3A_479 = arith.constant 1 : i32
      %swap3A_480 = arith.index_cast %swap3A_479 : i32 to index
      %swap3A_481 = arith.constant 16 : index
      %swap3A_482 = tpu.vector_load %arg6[%swap3A_480, %swap3A_481] {strides = array<i32>} : memref<2x128xf32, #tpu.memory_space<vmem>>, vector<16xf32>,
      tpu.vector_store %arg6[%swap3A_480, %swap3A_481], %scan3A_442#9 {strides = array<i32>} : memref<2x128xf32, #tpu.memory_space<vmem>>, vector<16xf32>,
      %swap3A_483 = arith.constant 1 : i32
      %swap3A_484 = arith.index_cast %swap3A_483 : i32 to index
      %swap3A_485 = arith.constant 32 : index
      %swap3A_486 = tpu.vector_load %arg6[%swap3A_484, %swap3A_485] {strides = array<i32>} : memref<2x128xf32, #tpu.memory_space<vmem>>, vector<16xf32>,
      tpu.vector_store %arg6[%swap3A_484, %swap3A_485], %scan3A_442#10 {strides = array<i32>} : memref<2x128xf32, #tpu.memory_space<vmem>>, vector<16xf32>,
      %swap3A_487 = arith.constant 1 : i32
      %swap3A_488 = arith.index_cast %swap3A_487 : i32 to index
      %swap3A_489 = arith.constant 48 : index
      %swap3A_490 = tpu.vector_load %arg6[%swap3A_488, %swap3A_489] {strides = array<i32>} : memref<2x128xf32, #tpu.memory_space<vmem>>, vector<16xf32>,
      tpu.vector_store %arg6[%swap3A_488, %swap3A_489], %scan3A_442#11 {strides = array<i32>} : memref<2x128xf32, #tpu.memory_space<vmem>>, vector<16xf32>,
      %swap3A_491 = arith.constant 1 : i32
      %swap3A_492 = arith.index_cast %swap3A_491 : i32 to index
      %swap3A_493 = arith.constant 64 : index
      %swap3A_494 = tpu.vector_load %arg6[%swap3A_492, %swap3A_493] {strides = array<i32>} : memref<2x128xf32, #tpu.memory_space<vmem>>, vector<16xf32>,
      tpu.vector_store %arg6[%swap3A_492, %swap3A_493], %scan3A_442#12 {strides = array<i32>} : memref<2x128xf32, #tpu.memory_space<vmem>>, vector<16xf32>,
      %swap3A_495 = arith.constant 1 : i32
      %swap3A_496 = arith.index_cast %swap3A_495 : i32 to index
      %swap3A_497 = arith.constant 80 : index
      %swap3A_498 = tpu.vector_load %arg6[%swap3A_496, %swap3A_497] {strides = array<i32>} : memref<2x128xf32, #tpu.memory_space<vmem>>, vector<16xf32>,
      tpu.vector_store %arg6[%swap3A_496, %swap3A_497], %scan3A_442#13 {strides = array<i32>} : memref<2x128xf32, #tpu.memory_space<vmem>>, vector<16xf32>,
      %swap3A_499 = arith.constant 1 : i32
      %swap3A_500 = arith.index_cast %swap3A_499 : i32 to index
      %swap3A_501 = arith.constant 96 : index
      %swap3A_502 = tpu.vector_load %arg6[%swap3A_500, %swap3A_501] {strides = array<i32>} : memref<2x128xf32, #tpu.memory_space<vmem>>, vector<16xf32>,
      tpu.vector_store %arg6[%swap3A_500, %swap3A_501], %scan3A_442#14 {strides = array<i32>} : memref<2x128xf32, #tpu.memory_space<vmem>>, vector<16xf32>,
      %swap3A_503 = arith.constant 1 : i32
      %swap3A_504 = arith.index_cast %swap3A_503 : i32 to index
      %swap3A_505 = arith.constant 112 : index
      %swap3A_506 = tpu.vector_load %arg6[%swap3A_504, %swap3A_505] {strides = array<i32>} : memref<2x128xf32, #tpu.memory_space<vmem>>, vector<16xf32>,
      tpu.vector_store %arg6[%swap3A_504, %swap3A_505], %scan3A_442#15 {strides = array<i32>} : memref<2x128xf32, #tpu.memory_space<vmem>>, vector<16xf32>,
      %dma_start3A_507 = arith.constant 0 : i32
      %dma_start3A_508 = tpu.memref_slice %arg3[%add3A_18, %dma_start3A_507] : memref<12288x128xf32, #tpu.memory_space<hbm>> -> memref<2x128xf32, #tpu.memory_space<hbm>>
      %dma_start3A_509 = arith.constant 0 : i32
      %dma_start3A_510 = tpu.memref_slice %arg3[%add3A_18, %dma_start3A_509] : memref<12288x128xf32, #tpu.memory_space<hbm>> -> memref<2x128xf32, #tpu.memory_space<hbm>>
      tpu.enqueue_dma source(%arg6 : memref<2x128xf32, #tpu.memory_space<vmem>>) target(%dma_start3A_510 : memref<2x128xf32, #tpu.memory_space<hbm>>) target_semaphore(%arg10 : memref<!tpu.dma_semaphore, #tpu.memory_space<semaphore_mem>>)
      %dma_wait3A_511 = arith.constant 0 : i32
      %dma_wait3A_512 = tpu.memref_slice %arg2[%add3A_20, %dma_wait3A_511] : memref<12288x2048xf32, #tpu.memory_space<hbm>> -> memref<2x2048xf32, #tpu.memory_space<hbm>>
      %dma_wait3A_513 = arith.constant 0 : i32
      %dma_wait3A_514 = tpu.memref_slice %arg2[%add3A_20, %dma_wait3A_513] : memref<12288x2048xf32, #tpu.memory_space<hbm>> -> memref<2x2048xf32, #tpu.memory_space<hbm>>
      tpu.wait_dma2 semaphore(%arg9 : memref<!tpu.dma_semaphore, #tpu.memory_space<semaphore_mem>>) src(%dma_wait3A_514 : memref<2x2048xf32, #tpu.memory_space<hbm>>) dst(%arg5 : memref<2x2048xf32, #tpu.memory_space<vmem>>)
      %add3A_515 = arith.constant 4 : i32
      %add3A_516 = arith.addi %add3A_18, %add3A_515 : i32
      %min3A_517 = arith.constant 12286 : i32
      %min3A_518 = arith.minsi %add3A_516, %min3A_517 : i32
      %dma_start3A_519 = arith.constant 0 : i32
      %dma_start3A_520 = tpu.memref_slice %arg2[%min3A_518, %dma_start3A_519] : memref<12288x2048xf32, #tpu.memory_space<hbm>> -> memref<2x2048xf32, #tpu.memory_space<hbm>>
      %dma_start3A_521 = arith.constant 0 : i32
      %dma_start3A_522 = tpu.memref_slice %arg2[%min3A_518, %dma_start3A_521] : memref<12288x2048xf32, #tpu.memory_space<hbm>> -> memref<2x2048xf32, #tpu.memory_space<hbm>>
      tpu.enqueue_dma source(%dma_start3A_522 : memref<2x2048xf32, #tpu.memory_space<hbm>>) target(%arg4 : memref<2x2048xf32, #tpu.memory_space<vmem>>) target_semaphore(%arg8 : memref<!tpu.dma_semaphore, #tpu.memory_space<semaphore_mem>>)
      %gt3A_523 = arith.constant 0 : i32
      %gt3A_524 = arith.cmpi sgt, %scan3A_15, %gt3A_523 : i32
      %convert_element_type3A_525 = arith.extui %gt3A_524 : i1 to i32
      %cond3A_526 = arith.constant 0 : i32
      %cond3A_527 = arith.cmpi ne, %convert_element_type3A_525, %cond3A_526 : i32
      scf.if %cond3A_527 {
        %dma_wait3A_1024 = arith.constant 0 : i32
        %dma_wait3A_1025 = tpu.memref_slice %arg3[%add3A_18, %dma_wait3A_1024] : memref<12288x128xf32, #tpu.memory_space<hbm>> -> memref<2x128xf32, #tpu.memory_space<hbm>>
        %dma_wait3A_1026 = arith.constant 0 : i32
        %dma_wait3A_1027 = tpu.memref_slice %arg3[%add3A_18, %dma_wait3A_1026] : memref<12288x128xf32, #tpu.memory_space<hbm>> -> memref<2x128xf32, #tpu.memory_space<hbm>>
        tpu.wait_dma2 semaphore(%arg11 : memref<!tpu.dma_semaphore, #tpu.memory_space<semaphore_mem>>) src(%arg7 : memref<2x128xf32, #tpu.memory_space<vmem>>) dst(%dma_wait3A_1027 : memref<2x128xf32, #tpu.memory_space<hbm>>)
      } else {
      }
      %get3A_528 = arith.constant 0 : i32
      %get3A_529 = arith.index_cast %get3A_528 : i32 to index
      %get3A_530 = arith.constant 0 : index
      %get3A_531 = tpu.vector_load %arg5[%get3A_529, %get3A_530] {strides = array<i32>} : memref<2x2048xf32, #tpu.memory_space<vmem>>, vector<16xf32>,
      %get3A_532 = arith.constant 0 : i32
      %get3A_533 = arith.index_cast %get3A_532 : i32 to index
      %get3A_534 = arith.constant 16 : index
      %get3A_535 = tpu.vector_load %arg5[%get3A_533, %get3A_534] {strides = array<i32>} : memref<2x2048xf32, #tpu.memory_space<vmem>>, vector<16xf32>,
      %get3A_536 = arith.constant 0 : i32
      %get3A_537 = arith.index_cast %get3A_536 : i32 to index
      %get3A_538 = arith.constant 32 : index
      %get3A_539 = tpu.vector_load %arg5[%get3A_537, %get3A_538] {strides = array<i32>} : memref<2x2048xf32, #tpu.memory_space<vmem>>, vector<16xf32>,
      %get3A_540 = arith.constant 0 : i32
      %get3A_541 = arith.index_cast %get3A_540 : i32 to index
      %get3A_542 = arith.constant 48 : index
      %get3A_543 = tpu.vector_load %arg5[%get3A_541, %get3A_542] {strides = array<i32>} : memref<2x2048xf32, #tpu.memory_space<vmem>>, vector<16xf32>,
      %get3A_544 = arith.constant 0 : i32
      %get3A_545 = arith.index_cast %get3A_544 : i32 to index
      %get3A_546 = arith.constant 64 : index
      %get3A_547 = tpu.vector_load %arg5[%get3A_545, %get3A_546] {strides = array<i32>} : memref<2x2048xf32, #tpu.memory_space<vmem>>, vector<16xf32>,
      %get3A_548 = arith.constant 0 : i32
      %get3A_549 = arith.index_cast %get3A_548 : i32 to index
      %get3A_550 = arith.constant 80 : index
      %get3A_551 = tpu.vector_load %arg5[%get3A_549, %get3A_550] {strides = array<i32>} : memref<2x2048xf32, #tpu.memory_space<vmem>>, vector<16xf32>,
      %get3A_552 = arith.constant 0 : i32
      %get3A_553 = arith.index_cast %get3A_552 : i32 to index
      %get3A_554 = arith.constant 96 : index
      %get3A_555 = tpu.vector_load %arg5[%get3A_553, %get3A_554] {strides = array<i32>} : memref<2x2048xf32, #tpu.memory_space<vmem>>, vector<16xf32>,
      %get3A_556 = arith.constant 0 : i32
      %get3A_557 = arith.index_cast %get3A_556 : i32 to index
      %get3A_558 = arith.constant 112 : index
      %get3A_559 = tpu.vector_load %arg5[%get3A_557, %get3A_558] {strides = array<i32>} : memref<2x2048xf32, #tpu.memory_space<vmem>>, vector<16xf32>,
      %masked_sort3A_560 = arith.constant dense<true> : vector<16xi1>
      %masked_sort3A_561, %masked_sort3A_562, %masked_sort3A_563 = tpu.sort %get3A_531, %get3A_531 masked %masked_sort3A_560 {descending = true} : (vector<16xf32>, vector<16xf32>, vector<16xi1>) -> (vector<16xi1>, vector<16xf32>, vector<16xf32>)
      %masked_sort3A_564 = arith.constant dense<true> : vector<16xi1>
      %masked_sort3A_565, %masked_sort3A_566, %masked_sort3A_567 = tpu.sort %get3A_535, %get3A_535 masked %masked_sort3A_564 : (vector<16xf32>, vector<16xf32>, vector<16xi1>) -> (vector<16xi1>, vector<16xf32>, vector<16xf32>)
      %max3A_568 = arith.maximumf %masked_sort3A_562, %masked_sort3A_566 : vector<16xf32>
      %min3A_569 = arith.minimumf %masked_sort3A_562, %masked_sort3A_566 : vector<16xf32>
      %masked_sort3A_570 = arith.constant dense<true> : vector<16xi1>
      %masked_sort3A_571, %masked_sort3A_572, %masked_sort3A_573 = tpu.sort %max3A_568, %max3A_568 masked %masked_sort3A_570 {descending = true} : (vector<16xf32>, vector<16xf32>, vector<16xi1>) -> (vector<16xi1>, vector<16xf32>, vector<16xf32>)
      %masked_sort3A_574 = arith.constant dense<true> : vector<16xi1>
      %masked_sort3A_575, %masked_sort3A_576, %masked_sort3A_577 = tpu.sort %min3A_569, %min3A_569 masked %masked_sort3A_574 {descending = true} : (vector<16xf32>, vector<16xf32>, vector<16xi1>) -> (vector<16xi1>, vector<16xf32>, vector<16xf32>)
      %masked_sort3A_578 = arith.constant dense<true> : vector<16xi1>
      %masked_sort3A_579, %masked_sort3A_580, %masked_sort3A_581 = tpu.sort %get3A_539, %get3A_539 masked %masked_sort3A_578 : (vector<16xf32>, vector<16xf32>, vector<16xi1>) -> (vector<16xi1>, vector<16xf32>, vector<16xf32>)
      %masked_sort3A_582 = arith.constant dense<true> : vector<16xi1>
      %masked_sort3A_583, %masked_sort3A_584, %masked_sort3A_585 = tpu.sort %get3A_543, %get3A_543 masked %masked_sort3A_582 {descending = true} : (vector<16xf32>, vector<16xf32>, vector<16xi1>) -> (vector<16xi1>, vector<16xf32>, vector<16xf32>)
      %min3A_586 = arith.minimumf %masked_sort3A_580, %masked_sort3A_584 : vector<16xf32>
      %max3A_587 = arith.maximumf %masked_sort3A_580, %masked_sort3A_584 : vector<16xf32>
      %masked_sort3A_588 = arith.constant dense<true> : vector<16xi1>
      %masked_sort3A_589, %masked_sort3A_590, %masked_sort3A_591 = tpu.sort %min3A_586, %min3A_586 masked %masked_sort3A_588 : (vector<16xf32>, vector<16xf32>, vector<16xi1>) -> (vector<16xi1>, vector<16xf32>, vector<16xf32>)
      %masked_sort3A_592 = arith.constant dense<true> : vector<16xi1>
      %masked_sort3A_593, %masked_sort3A_594, %masked_sort3A_595 = tpu.sort %max3A_587, %max3A_587 masked %masked_sort3A_592 : (vector<16xf32>, vector<16xf32>, vector<16xi1>) -> (vector<16xi1>, vector<16xf32>, vector<16xf32>)
      %max3A_596 = arith.maximumf %masked_sort3A_572, %masked_sort3A_590 : vector<16xf32>
      %max3A_597 = arith.maximumf %masked_sort3A_576, %masked_sort3A_594 : vector<16xf32>
      %min3A_598 = arith.minimumf %masked_sort3A_572, %masked_sort3A_590 : vector<16xf32>
      %min3A_599 = arith.minimumf %masked_sort3A_576, %masked_sort3A_594 : vector<16xf32>
      %max3A_600 = arith.maximumf %max3A_596, %max3A_597 : vector<16xf32>
      %min3A_601 = arith.minimumf %max3A_596, %max3A_597 : vector<16xf32>
      %masked_sort3A_602 = arith.constant dense<true> : vector<16xi1>
      %masked_sort3A_603, %masked_sort3A_604, %masked_sort3A_605 = tpu.sort %max3A_600, %max3A_600 masked %masked_sort3A_602 {descending = true} : (vector<16xf32>, vector<16xf32>, vector<16xi1>) -> (vector<16xi1>, vector<16xf32>, vector<16xf32>)
      %masked_sort3A_606 = arith.constant dense<true> : vector<16xi1>
      %masked_sort3A_607, %masked_sort3A_608, %masked_sort3A_609 = tpu.sort %min3A_601, %min3A_601 masked %masked_sort3A_606 {descending = true} : (vector<16xf32>, vector<16xf32>, vector<16xi1>) -> (vector<16xi1>, vector<16xf32>, vector<16xf32>)
      %max3A_610 = arith.maximumf %min3A_598, %min3A_599 : vector<16xf32>
      %min3A_611 = arith.minimumf %min3A_598, %min3A_599 : vector<16xf32>
      %masked_sort3A_612 = arith.constant dense<true> : vector<16xi1>
      %masked_sort3A_613, %masked_sort3A_614, %masked_sort3A_615 = tpu.sort %max3A_610, %max3A_610 masked %masked_sort3A_612 {descending = true} : (vector<16xf32>, vector<16xf32>, vector<16xi1>) -> (vector<16xi1>, vector<16xf32>, vector<16xf32>)
      %masked_sort3A_616 = arith.constant dense<true> : vector<16xi1>
      %masked_sort3A_617, %masked_sort3A_618, %masked_sort3A_619 = tpu.sort %min3A_611, %min3A_611 masked %masked_sort3A_616 {descending = true} : (vector<16xf32>, vector<16xf32>, vector<16xi1>) -> (vector<16xi1>, vector<16xf32>, vector<16xf32>)
      %masked_sort3A_620 = arith.constant dense<true> : vector<16xi1>
      %masked_sort3A_621, %masked_sort3A_622, %masked_sort3A_623 = tpu.sort %get3A_547, %get3A_547 masked %masked_sort3A_620 : (vector<16xf32>, vector<16xf32>, vector<16xi1>) -> (vector<16xi1>, vector<16xf32>, vector<16xf32>)
      %masked_sort3A_624 = arith.constant dense<true> : vector<16xi1>
      %masked_sort3A_625, %masked_sort3A_626, %masked_sort3A_627 = tpu.sort %get3A_551, %get3A_551 masked %masked_sort3A_624 {descending = true} : (vector<16xf32>, vector<16xf32>, vector<16xi1>) -> (vector<16xi1>, vector<16xf32>, vector<16xf32>)
      %min3A_628 = arith.minimumf %masked_sort3A_622, %masked_sort3A_626 : vector<16xf32>
      %max3A_629 = arith.maximumf %masked_sort3A_622, %masked_sort3A_626 : vector<16xf32>
      %masked_sort3A_630 = arith.constant dense<true> : vector<16xi1>
      %masked_sort3A_631, %masked_sort3A_632, %masked_sort3A_633 = tpu.sort %min3A_628, %min3A_628 masked %masked_sort3A_630 : (vector<16xf32>, vector<16xf32>, vector<16xi1>) -> (vector<16xi1>, vector<16xf32>, vector<16xf32>)
      %masked_sort3A_634 = arith.constant dense<true> : vector<16xi1>
      %masked_sort3A_635, %masked_sort3A_636, %masked_sort3A_637 = tpu.sort %max3A_629, %max3A_629 masked %masked_sort3A_634 : (vector<16xf32>, vector<16xf32>, vector<16xi1>) -> (vector<16xi1>, vector<16xf32>, vector<16xf32>)
      %masked_sort3A_638 = arith.constant dense<true> : vector<16xi1>
      %masked_sort3A_639, %masked_sort3A_640, %masked_sort3A_641 = tpu.sort %get3A_555, %get3A_555 masked %masked_sort3A_638 {descending = true} : (vector<16xf32>, vector<16xf32>, vector<16xi1>) -> (vector<16xi1>, vector<16xf32>, vector<16xf32>)
      %masked_sort3A_642 = arith.constant dense<true> : vector<16xi1>
      %masked_sort3A_643, %masked_sort3A_644, %masked_sort3A_645 = tpu.sort %get3A_559, %get3A_559 masked %masked_sort3A_642 : (vector<16xf32>, vector<16xf32>, vector<16xi1>) -> (vector<16xi1>, vector<16xf32>, vector<16xf32>)
      %max3A_646 = arith.maximumf %masked_sort3A_640, %masked_sort3A_644 : vector<16xf32>
      %min3A_647 = arith.minimumf %masked_sort3A_640, %masked_sort3A_644 : vector<16xf32>
      %masked_sort3A_648 = arith.constant dense<true> : vector<16xi1>
      %masked_sort3A_649, %masked_sort3A_650, %masked_sort3A_651 = tpu.sort %max3A_646, %max3A_646 masked %masked_sort3A_648 {descending = true} : (vector<16xf32>, vector<16xf32>, vector<16xi1>) -> (vector<16xi1>, vector<16xf32>, vector<16xf32>)
      %masked_sort3A_652 = arith.constant dense<true> : vector<16xi1>
      %masked_sort3A_653, %masked_sort3A_654, %masked_sort3A_655 = tpu.sort %min3A_647, %min3A_647 masked %masked_sort3A_652 {descending = true} : (vector<16xf32>, vector<16xf32>, vector<16xi1>) -> (vector<16xi1>, vector<16xf32>, vector<16xf32>)
      %min3A_656 = arith.minimumf %masked_sort3A_632, %masked_sort3A_650 : vector<16xf32>
      %min3A_657 = arith.minimumf %masked_sort3A_636, %masked_sort3A_654 : vector<16xf32>
      %max3A_658 = arith.maximumf %masked_sort3A_632, %masked_sort3A_650 : vector<16xf32>
      %max3A_659 = arith.maximumf %masked_sort3A_636, %masked_sort3A_654 : vector<16xf32>
      %min3A_660 = arith.minimumf %min3A_656, %min3A_657 : vector<16xf32>
      %max3A_661 = arith.maximumf %min3A_656, %min3A_657 : vector<16xf32>
      %masked_sort3A_662 = arith.constant dense<true> : vector<16xi1>
      %masked_sort3A_663, %masked_sort3A_664, %masked_sort3A_665 = tpu.sort %min3A_660, %min3A_660 masked %masked_sort3A_662 : (vector<16xf32>, vector<16xf32>, vector<16xi1>) -> (vector<16xi1>, vector<16xf32>, vector<16xf32>)
      %masked_sort3A_666 = arith.constant dense<true> : vector<16xi1>
      %masked_sort3A_667, %masked_sort3A_668, %masked_sort3A_669 = tpu.sort %max3A_661, %max3A_661 masked %masked_sort3A_666 : (vector<16xf32>, vector<16xf32>, vector<16xi1>) -> (vector<16xi1>, vector<16xf32>, vector<16xf32>)
      %min3A_670 = arith.minimumf %max3A_658, %max3A_659 : vector<16xf32>
      %max3A_671 = arith.maximumf %max3A_658, %max3A_659 : vector<16xf32>
      %masked_sort3A_672 = arith.constant dense<true> : vector<16xi1>
      %masked_sort3A_673, %masked_sort3A_674, %masked_sort3A_675 = tpu.sort %min3A_670, %min3A_670 masked %masked_sort3A_672 : (vector<16xf32>, vector<16xf32>, vector<16xi1>) -> (vector<16xi1>, vector<16xf32>, vector<16xf32>)
      %masked_sort3A_676 = arith.constant dense<true> : vector<16xi1>
      %masked_sort3A_677, %masked_sort3A_678, %masked_sort3A_679 = tpu.sort %max3A_671, %max3A_671 masked %masked_sort3A_676 : (vector<16xf32>, vector<16xf32>, vector<16xi1>) -> (vector<16xi1>, vector<16xf32>, vector<16xf32>)
      %max3A_680 = arith.maximumf %masked_sort3A_604, %masked_sort3A_664 : vector<16xf32>
      %max3A_681 = arith.maximumf %masked_sort3A_608, %masked_sort3A_668 : vector<16xf32>
      %max3A_682 = arith.maximumf %masked_sort3A_614, %masked_sort3A_674 : vector<16xf32>
      %max3A_683 = arith.maximumf %masked_sort3A_618, %masked_sort3A_678 : vector<16xf32>
      %min3A_684 = arith.minimumf %masked_sort3A_604, %masked_sort3A_664 : vector<16xf32>
      %min3A_685 = arith.minimumf %masked_sort3A_608, %masked_sort3A_668 : vector<16xf32>
      %min3A_686 = arith.minimumf %masked_sort3A_614, %masked_sort3A_674 : vector<16xf32>
      %min3A_687 = arith.minimumf %masked_sort3A_618, %masked_sort3A_678 : vector<16xf32>
      %max3A_688 = arith.maximumf %max3A_680, %max3A_682 : vector<16xf32>
      %min3A_689 = arith.minimumf %max3A_680, %max3A_682 : vector<16xf32>
      %max3A_690 = arith.maximumf %max3A_681, %max3A_683 : vector<16xf32>
      %min3A_691 = arith.minimumf %max3A_681, %max3A_683 : vector<16xf32>
      %max3A_692 = arith.maximumf %max3A_688, %max3A_690 : vector<16xf32>
      %min3A_693 = arith.minimumf %max3A_688, %max3A_690 : vector<16xf32>
      %max3A_694 = arith.maximumf %min3A_689, %min3A_691 : vector<16xf32>
      %min3A_695 = arith.minimumf %min3A_689, %min3A_691 : vector<16xf32>
      %masked_sort3A_696 = arith.constant dense<true> : vector<16xi1>
      %masked_sort3A_697, %masked_sort3A_698, %masked_sort3A_699 = tpu.sort %max3A_692, %max3A_692 masked %masked_sort3A_696 {descending = true} : (vector<16xf32>, vector<16xf32>, vector<16xi1>) -> (vector<16xi1>, vector<16xf32>, vector<16xf32>)
      %masked_sort3A_700 = arith.constant dense<true> : vector<16xi1>
      %masked_sort3A_701, %masked_sort3A_702, %masked_sort3A_703 = tpu.sort %min3A_693, %min3A_693 masked %masked_sort3A_700 {descending = true} : (vector<16xf32>, vector<16xf32>, vector<16xi1>) -> (vector<16xi1>, vector<16xf32>, vector<16xf32>)
      %masked_sort3A_704 = arith.constant dense<true> : vector<16xi1>
      %masked_sort3A_705, %masked_sort3A_706, %masked_sort3A_707 = tpu.sort %max3A_694, %max3A_694 masked %masked_sort3A_704 {descending = true} : (vector<16xf32>, vector<16xf32>, vector<16xi1>) -> (vector<16xi1>, vector<16xf32>, vector<16xf32>)
      %masked_sort3A_708 = arith.constant dense<true> : vector<16xi1>
      %masked_sort3A_709, %masked_sort3A_710, %masked_sort3A_711 = tpu.sort %min3A_695, %min3A_695 masked %masked_sort3A_708 {descending = true} : (vector<16xf32>, vector<16xf32>, vector<16xi1>) -> (vector<16xi1>, vector<16xf32>, vector<16xf32>)
      %max3A_712 = arith.maximumf %min3A_684, %min3A_686 : vector<16xf32>
      %min3A_713 = arith.minimumf %min3A_684, %min3A_686 : vector<16xf32>
      %max3A_714 = arith.maximumf %min3A_685, %min3A_687 : vector<16xf32>
      %min3A_715 = arith.minimumf %min3A_685, %min3A_687 : vector<16xf32>
      %max3A_716 = arith.maximumf %max3A_712, %max3A_714 : vector<16xf32>
      %min3A_717 = arith.minimumf %max3A_712, %max3A_714 : vector<16xf32>
      %max3A_718 = arith.maximumf %min3A_713, %min3A_715 : vector<16xf32>
      %min3A_719 = arith.minimumf %min3A_713, %min3A_715 : vector<16xf32>
      %masked_sort3A_720 = arith.constant dense<true> : vector<16xi1>
      %masked_sort3A_721, %masked_sort3A_722, %masked_sort3A_723 = tpu.sort %max3A_716, %max3A_716 masked %masked_sort3A_720 {descending = true} : (vector<16xf32>, vector<16xf32>, vector<16xi1>) -> (vector<16xi1>, vector<16xf32>, vector<16xf32>)
      %masked_sort3A_724 = arith.constant dense<true> : vector<16xi1>
      %masked_sort3A_725, %masked_sort3A_726, %masked_sort3A_727 = tpu.sort %min3A_717, %min3A_717 masked %masked_sort3A_724 {descending = true} : (vector<16xf32>, vector<16xf32>, vector<16xi1>) -> (vector<16xi1>, vector<16xf32>, vector<16xf32>)
      %masked_sort3A_728 = arith.constant dense<true> : vector<16xi1>
      %masked_sort3A_729, %masked_sort3A_730, %masked_sort3A_731 = tpu.sort %max3A_718, %max3A_718 masked %masked_sort3A_728 {descending = true} : (vector<16xf32>, vector<16xf32>, vector<16xi1>) -> (vector<16xi1>, vector<16xf32>, vector<16xf32>)
      %masked_sort3A_732 = arith.constant dense<true> : vector<16xi1>
      %masked_sort3A_733, %masked_sort3A_734, %masked_sort3A_735 = tpu.sort %min3A_719, %min3A_719 masked %masked_sort3A_732 {descending = true} : (vector<16xf32>, vector<16xf32>, vector<16xi1>) -> (vector<16xi1>, vector<16xf32>, vector<16xf32>)
      %get3A_736 = arith.constant 1 : i32
      %get3A_737 = arith.index_cast %get3A_736 : i32 to index
      %get3A_738 = arith.constant 0 : index
      %get3A_739 = tpu.vector_load %arg5[%get3A_737, %get3A_738] {strides = array<i32>} : memref<2x2048xf32, #tpu.memory_space<vmem>>, vector<16xf32>,
      %get3A_740 = arith.constant 1 : i32
      %get3A_741 = arith.index_cast %get3A_740 : i32 to index
      %get3A_742 = arith.constant 16 : index
      %get3A_743 = tpu.vector_load %arg5[%get3A_741, %get3A_742] {strides = array<i32>} : memref<2x2048xf32, #tpu.memory_space<vmem>>, vector<16xf32>,
      %get3A_744 = arith.constant 1 : i32
      %get3A_745 = arith.index_cast %get3A_744 : i32 to index
      %get3A_746 = arith.constant 32 : index
      %get3A_747 = tpu.vector_load %arg5[%get3A_745, %get3A_746] {strides = array<i32>} : memref<2x2048xf32, #tpu.memory_space<vmem>>, vector<16xf32>,
      %get3A_748 = arith.constant 1 : i32
      %get3A_749 = arith.index_cast %get3A_748 : i32 to index
      %get3A_750 = arith.constant 48 : index
      %get3A_751 = tpu.vector_load %arg5[%get3A_749, %get3A_750] {strides = array<i32>} : memref<2x2048xf32, #tpu.memory_space<vmem>>, vector<16xf32>,
      %get3A_752 = arith.constant 1 : i32
      %get3A_753 = arith.index_cast %get3A_752 : i32 to index
      %get3A_754 = arith.constant 64 : index
      %get3A_755 = tpu.vector_load %arg5[%get3A_753, %get3A_754] {strides = array<i32>} : memref<2x2048xf32, #tpu.memory_space<vmem>>, vector<16xf32>,
      %get3A_756 = arith.constant 1 : i32
      %get3A_757 = arith.index_cast %get3A_756 : i32 to index
      %get3A_758 = arith.constant 80 : index
      %get3A_759 = tpu.vector_load %arg5[%get3A_757, %get3A_758] {strides = array<i32>} : memref<2x2048xf32, #tpu.memory_space<vmem>>, vector<16xf32>,
      %get3A_760 = arith.constant 1 : i32
      %get3A_761 = arith.index_cast %get3A_760 : i32 to index
      %get3A_762 = arith.constant 96 : index
      %get3A_763 = tpu.vector_load %arg5[%get3A_761, %get3A_762] {strides = array<i32>} : memref<2x2048xf32, #tpu.memory_space<vmem>>, vector<16xf32>,
      %get3A_764 = arith.constant 1 : i32
      %get3A_765 = arith.index_cast %get3A_764 : i32 to index
      %get3A_766 = arith.constant 112 : index
      %get3A_767 = tpu.vector_load %arg5[%get3A_765, %get3A_766] {strides = array<i32>} : memref<2x2048xf32, #tpu.memory_space<vmem>>, vector<16xf32>,
      %masked_sort3A_768 = arith.constant dense<true> : vector<16xi1>
      %masked_sort3A_769, %masked_sort3A_770, %masked_sort3A_771 = tpu.sort %get3A_739, %get3A_739 masked %masked_sort3A_768 {descending = true} : (vector<16xf32>, vector<16xf32>, vector<16xi1>) -> (vector<16xi1>, vector<16xf32>, vector<16xf32>)
      %masked_sort3A_772 = arith.constant dense<true> : vector<16xi1>
      %masked_sort3A_773, %masked_sort3A_774, %masked_sort3A_775 = tpu.sort %get3A_743, %get3A_743 masked %masked_sort3A_772 : (vector<16xf32>, vector<16xf32>, vector<16xi1>) -> (vector<16xi1>, vector<16xf32>, vector<16xf32>)
      %max3A_776 = arith.maximumf %masked_sort3A_770, %masked_sort3A_774 : vector<16xf32>
      %min3A_777 = arith.minimumf %masked_sort3A_770, %masked_sort3A_774 : vector<16xf32>
      %masked_sort3A_778 = arith.constant dense<true> : vector<16xi1>
      %masked_sort3A_779, %masked_sort3A_780, %masked_sort3A_781 = tpu.sort %max3A_776, %max3A_776 masked %masked_sort3A_778 {descending = true} : (vector<16xf32>, vector<16xf32>, vector<16xi1>) -> (vector<16xi1>, vector<16xf32>, vector<16xf32>)
      %masked_sort3A_782 = arith.constant dense<true> : vector<16xi1>
      %masked_sort3A_783, %masked_sort3A_784, %masked_sort3A_785 = tpu.sort %min3A_777, %min3A_777 masked %masked_sort3A_782 {descending = true} : (vector<16xf32>, vector<16xf32>, vector<16xi1>) -> (vector<16xi1>, vector<16xf32>, vector<16xf32>)
      %masked_sort3A_786 = arith.constant dense<true> : vector<16xi1>
      %masked_sort3A_787, %masked_sort3A_788, %masked_sort3A_789 = tpu.sort %get3A_747, %get3A_747 masked %masked_sort3A_786 : (vector<16xf32>, vector<16xf32>, vector<16xi1>) -> (vector<16xi1>, vector<16xf32>, vector<16xf32>)
      %masked_sort3A_790 = arith.constant dense<true> : vector<16xi1>
      %masked_sort3A_791, %masked_sort3A_792, %masked_sort3A_793 = tpu.sort %get3A_751, %get3A_751 masked %masked_sort3A_790 {descending = true} : (vector<16xf32>, vector<16xf32>, vector<16xi1>) -> (vector<16xi1>, vector<16xf32>, vector<16xf32>)
      %min3A_794 = arith.minimumf %masked_sort3A_788, %masked_sort3A_792 : vector<16xf32>
      %max3A_795 = arith.maximumf %masked_sort3A_788, %masked_sort3A_792 : vector<16xf32>
      %masked_sort3A_796 = arith.constant dense<true> : vector<16xi1>
      %masked_sort3A_797, %masked_sort3A_798, %masked_sort3A_799 = tpu.sort %min3A_794, %min3A_794 masked %masked_sort3A_796 : (vector<16xf32>, vector<16xf32>, vector<16xi1>) -> (vector<16xi1>, vector<16xf32>, vector<16xf32>)
      %masked_sort3A_800 = arith.constant dense<true> : vector<16xi1>
      %masked_sort3A_801, %masked_sort3A_802, %masked_sort3A_803 = tpu.sort %max3A_795, %max3A_795 masked %masked_sort3A_800 : (vector<16xf32>, vector<16xf32>, vector<16xi1>) -> (vector<16xi1>, vector<16xf32>, vector<16xf32>)
      %max3A_804 = arith.maximumf %masked_sort3A_780, %masked_sort3A_798 : vector<16xf32>
      %max3A_805 = arith.maximumf %masked_sort3A_784, %masked_sort3A_802 : vector<16xf32>
      %min3A_806 = arith.minimumf %masked_sort3A_780, %masked_sort3A_798 : vector<16xf32>
      %min3A_807 = arith.minimumf %masked_sort3A_784, %masked_sort3A_802 : vector<16xf32>
      %max3A_808 = arith.maximumf %max3A_804, %max3A_805 : vector<16xf32>
      %min3A_809 = arith.minimumf %max3A_804, %max3A_805 : vector<16xf32>
      %masked_sort3A_810 = arith.constant dense<true> : vector<16xi1>
      %masked_sort3A_811, %masked_sort3A_812, %masked_sort3A_813 = tpu.sort %max3A_808, %max3A_808 masked %masked_sort3A_810 {descending = true} : (vector<16xf32>, vector<16xf32>, vector<16xi1>) -> (vector<16xi1>, vector<16xf32>, vector<16xf32>)
      %masked_sort3A_814 = arith.constant dense<true> : vector<16xi1>
      %masked_sort3A_815, %masked_sort3A_816, %masked_sort3A_817 = tpu.sort %min3A_809, %min3A_809 masked %masked_sort3A_814 {descending = true} : (vector<16xf32>, vector<16xf32>, vector<16xi1>) -> (vector<16xi1>, vector<16xf32>, vector<16xf32>)
      %max3A_818 = arith.maximumf %min3A_806, %min3A_807 : vector<16xf32>
      %min3A_819 = arith.minimumf %min3A_806, %min3A_807 : vector<16xf32>
      %masked_sort3A_820 = arith.constant dense<true> : vector<16xi1>
      %masked_sort3A_821, %masked_sort3A_822, %masked_sort3A_823 = tpu.sort %max3A_818, %max3A_818 masked %masked_sort3A_820 {descending = true} : (vector<16xf32>, vector<16xf32>, vector<16xi1>) -> (vector<16xi1>, vector<16xf32>, vector<16xf32>)
      %masked_sort3A_824 = arith.constant dense<true> : vector<16xi1>
      %masked_sort3A_825, %masked_sort3A_826, %masked_sort3A_827 = tpu.sort %min3A_819, %min3A_819 masked %masked_sort3A_824 {descending = true} : (vector<16xf32>, vector<16xf32>, vector<16xi1>) -> (vector<16xi1>, vector<16xf32>, vector<16xf32>)
      %masked_sort3A_828 = arith.constant dense<true> : vector<16xi1>
      %masked_sort3A_829, %masked_sort3A_830, %masked_sort3A_831 = tpu.sort %get3A_755, %get3A_755 masked %masked_sort3A_828 : (vector<16xf32>, vector<16xf32>, vector<16xi1>) -> (vector<16xi1>, vector<16xf32>, vector<16xf32>)
      %masked_sort3A_832 = arith.constant dense<true> : vector<16xi1>
      %masked_sort3A_833, %masked_sort3A_834, %masked_sort3A_835 = tpu.sort %get3A_759, %get3A_759 masked %masked_sort3A_832 {descending = true} : (vector<16xf32>, vector<16xf32>, vector<16xi1>) -> (vector<16xi1>, vector<16xf32>, vector<16xf32>)
      %min3A_836 = arith.minimumf %masked_sort3A_830, %masked_sort3A_834 : vector<16xf32>
      %max3A_837 = arith.maximumf %masked_sort3A_830, %masked_sort3A_834 : vector<16xf32>
      %masked_sort3A_838 = arith.constant dense<true> : vector<16xi1>
      %masked_sort3A_839, %masked_sort3A_840, %masked_sort3A_841 = tpu.sort %min3A_836, %min3A_836 masked %masked_sort3A_838 : (vector<16xf32>, vector<16xf32>, vector<16xi1>) -> (vector<16xi1>, vector<16xf32>, vector<16xf32>)
      %masked_sort3A_842 = arith.constant dense<true> : vector<16xi1>
      %masked_sort3A_843, %masked_sort3A_844, %masked_sort3A_845 = tpu.sort %max3A_837, %max3A_837 masked %masked_sort3A_842 : (vector<16xf32>, vector<16xf32>, vector<16xi1>) -> (vector<16xi1>, vector<16xf32>, vector<16xf32>)
      %masked_sort3A_846 = arith.constant dense<true> : vector<16xi1>
      %masked_sort3A_847, %masked_sort3A_848, %masked_sort3A_849 = tpu.sort %get3A_763, %get3A_763 masked %masked_sort3A_846 {descending = true} : (vector<16xf32>, vector<16xf32>, vector<16xi1>) -> (vector<16xi1>, vector<16xf32>, vector<16xf32>)
      %masked_sort3A_850 = arith.constant dense<true> : vector<16xi1>
      %masked_sort3A_851, %masked_sort3A_852, %masked_sort3A_853 = tpu.sort %get3A_767, %get3A_767 masked %masked_sort3A_850 : (vector<16xf32>, vector<16xf32>, vector<16xi1>) -> (vector<16xi1>, vector<16xf32>, vector<16xf32>)
      %max3A_854 = arith.maximumf %masked_sort3A_848, %masked_sort3A_852 : vector<16xf32>
      %min3A_855 = arith.minimumf %masked_sort3A_848, %masked_sort3A_852 : vector<16xf32>
      %masked_sort3A_856 = arith.constant dense<true> : vector<16xi1>
      %masked_sort3A_857, %masked_sort3A_858, %masked_sort3A_859 = tpu.sort %max3A_854, %max3A_854 masked %masked_sort3A_856 {descending = true} : (vector<16xf32>, vector<16xf32>, vector<16xi1>) -> (vector<16xi1>, vector<16xf32>, vector<16xf32>)
      %masked_sort3A_860 = arith.constant dense<true> : vector<16xi1>
      %masked_sort3A_861, %masked_sort3A_862, %masked_sort3A_863 = tpu.sort %min3A_855, %min3A_855 masked %masked_sort3A_860 {descending = true} : (vector<16xf32>, vector<16xf32>, vector<16xi1>) -> (vector<16xi1>, vector<16xf32>, vector<16xf32>)
      %min3A_864 = arith.minimumf %masked_sort3A_840, %masked_sort3A_858 : vector<16xf32>
      %min3A_865 = arith.minimumf %masked_sort3A_844, %masked_sort3A_862 : vector<16xf32>
      %max3A_866 = arith.maximumf %masked_sort3A_840, %masked_sort3A_858 : vector<16xf32>
      %max3A_867 = arith.maximumf %masked_sort3A_844, %masked_sort3A_862 : vector<16xf32>
      %min3A_868 = arith.minimumf %min3A_864, %min3A_865 : vector<16xf32>
      %max3A_869 = arith.maximumf %min3A_864, %min3A_865 : vector<16xf32>
      %masked_sort3A_870 = arith.constant dense<true> : vector<16xi1>
      %masked_sort3A_871, %masked_sort3A_872, %masked_sort3A_873 = tpu.sort %min3A_868, %min3A_868 masked %masked_sort3A_870 : (vector<16xf32>, vector<16xf32>, vector<16xi1>) -> (vector<16xi1>, vector<16xf32>, vector<16xf32>)
      %masked_sort3A_874 = arith.constant dense<true> : vector<16xi1>
      %masked_sort3A_875, %masked_sort3A_876, %masked_sort3A_877 = tpu.sort %max3A_869, %max3A_869 masked %masked_sort3A_874 : (vector<16xf32>, vector<16xf32>, vector<16xi1>) -> (vector<16xi1>, vector<16xf32>, vector<16xf32>)
      %min3A_878 = arith.minimumf %max3A_866, %max3A_867 : vector<16xf32>
      %max3A_879 = arith.maximumf %max3A_866, %max3A_867 : vector<16xf32>
      %masked_sort3A_880 = arith.constant dense<true> : vector<16xi1>
      %masked_sort3A_881, %masked_sort3A_882, %masked_sort3A_883 = tpu.sort %min3A_878, %min3A_878 masked %masked_sort3A_880 : (vector<16xf32>, vector<16xf32>, vector<16xi1>) -> (vector<16xi1>, vector<16xf32>, vector<16xf32>)
      %masked_sort3A_884 = arith.constant dense<true> : vector<16xi1>
      %masked_sort3A_885, %masked_sort3A_886, %masked_sort3A_887 = tpu.sort %max3A_879, %max3A_879 masked %masked_sort3A_884 : (vector<16xf32>, vector<16xf32>, vector<16xi1>) -> (vector<16xi1>, vector<16xf32>, vector<16xf32>)
      %max3A_888 = arith.maximumf %masked_sort3A_812, %masked_sort3A_872 : vector<16xf32>
      %max3A_889 = arith.maximumf %masked_sort3A_816, %masked_sort3A_876 : vector<16xf32>
      %max3A_890 = arith.maximumf %masked_sort3A_822, %masked_sort3A_882 : vector<16xf32>
      %max3A_891 = arith.maximumf %masked_sort3A_826, %masked_sort3A_886 : vector<16xf32>
      %min3A_892 = arith.minimumf %masked_sort3A_812, %masked_sort3A_872 : vector<16xf32>
      %min3A_893 = arith.minimumf %masked_sort3A_816, %masked_sort3A_876 : vector<16xf32>
      %min3A_894 = arith.minimumf %masked_sort3A_822, %masked_sort3A_882 : vector<16xf32>
      %min3A_895 = arith.minimumf %masked_sort3A_826, %masked_sort3A_886 : vector<16xf32>
      %max3A_896 = arith.maximumf %max3A_888, %max3A_890 : vector<16xf32>
      %min3A_897 = arith.minimumf %max3A_888, %max3A_890 : vector<16xf32>
      %max3A_898 = arith.maximumf %max3A_889, %max3A_891 : vector<16xf32>
      %min3A_899 = arith.minimumf %max3A_889, %max3A_891 : vector<16xf32>
      %max3A_900 = arith.maximumf %max3A_896, %max3A_898 : vector<16xf32>
      %min3A_901 = arith.minimumf %max3A_896, %max3A_898 : vector<16xf32>
      %max3A_902 = arith.maximumf %min3A_897, %min3A_899 : vector<16xf32>
      %min3A_903 = arith.minimumf %min3A_897, %min3A_899 : vector<16xf32>
      %masked_sort3A_904 = arith.constant dense<true> : vector<16xi1>
      %masked_sort3A_905, %masked_sort3A_906, %masked_sort3A_907 = tpu.sort %max3A_900, %max3A_900 masked %masked_sort3A_904 {descending = true} : (vector<16xf32>, vector<16xf32>, vector<16xi1>) -> (vector<16xi1>, vector<16xf32>, vector<16xf32>)
      %masked_sort3A_908 = arith.constant dense<true> : vector<16xi1>
      %masked_sort3A_909, %masked_sort3A_910, %masked_sort3A_911 = tpu.sort %min3A_901, %min3A_901 masked %masked_sort3A_908 {descending = true} : (vector<16xf32>, vector<16xf32>, vector<16xi1>) -> (vector<16xi1>, vector<16xf32>, vector<16xf32>)
      %masked_sort3A_912 = arith.constant dense<true> : vector<16xi1>
      %masked_sort3A_913, %masked_sort3A_914, %masked_sort3A_915 = tpu.sort %max3A_902, %max3A_902 masked %masked_sort3A_912 {descending = true} : (vector<16xf32>, vector<16xf32>, vector<16xi1>) -> (vector<16xi1>, vector<16xf32>, vector<16xf32>)
      %masked_sort3A_916 = arith.constant dense<true> : vector<16xi1>
      %masked_sort3A_917, %masked_sort3A_918, %masked_sort3A_919 = tpu.sort %min3A_903, %min3A_903 masked %masked_sort3A_916 {descending = true} : (vector<16xf32>, vector<16xf32>, vector<16xi1>) -> (vector<16xi1>, vector<16xf32>, vector<16xf32>)
      %max3A_920 = arith.maximumf %min3A_892, %min3A_894 : vector<16xf32>
      %min3A_921 = arith.minimumf %min3A_892, %min3A_894 : vector<16xf32>
      %max3A_922 = arith.maximumf %min3A_893, %min3A_895 : vector<16xf32>
      %min3A_923 = arith.minimumf %min3A_893, %min3A_895 : vector<16xf32>
      %max3A_924 = arith.maximumf %max3A_920, %max3A_922 : vector<16xf32>
      %min3A_925 = arith.minimumf %max3A_920, %max3A_922 : vector<16xf32>
      %max3A_926 = arith.maximumf %min3A_921, %min3A_923 : vector<16xf32>
      %min3A_927 = arith.minimumf %min3A_921, %min3A_923 : vector<16xf32>
      %masked_sort3A_928 = arith.constant dense<true> : vector<16xi1>
      %masked_sort3A_929, %masked_sort3A_930, %masked_sort3A_931 = tpu.sort %max3A_924, %max3A_924 masked %masked_sort3A_928 {descending = true} : (vector<16xf32>, vector<16xf32>, vector<16xi1>) -> (vector<16xi1>, vector<16xf32>, vector<16xf32>)
      %masked_sort3A_932 = arith.constant dense<true> : vector<16xi1>
      %masked_sort3A_933, %masked_sort3A_934, %masked_sort3A_935 = tpu.sort %min3A_925, %min3A_925 masked %masked_sort3A_932 {descending = true} : (vector<16xf32>, vector<16xf32>, vector<16xi1>) -> (vector<16xi1>, vector<16xf32>, vector<16xf32>)
      %masked_sort3A_936 = arith.constant dense<true> : vector<16xi1>
      %masked_sort3A_937, %masked_sort3A_938, %masked_sort3A_939 = tpu.sort %max3A_926, %max3A_926 masked %masked_sort3A_936 {descending = true} : (vector<16xf32>, vector<16xf32>, vector<16xi1>) -> (vector<16xi1>, vector<16xf32>, vector<16xf32>)
      %masked_sort3A_940 = arith.constant dense<true> : vector<16xi1>
      %masked_sort3A_941, %masked_sort3A_942, %masked_sort3A_943 = tpu.sort %min3A_927, %min3A_927 masked %masked_sort3A_940 {descending = true} : (vector<16xf32>, vector<16xf32>, vector<16xi1>) -> (vector<16xi1>, vector<16xf32>, vector<16xf32>)
      %scan3A_944 = arith.constant 1 : i32
      %scan3A_945 = arith.constant 15 : i32
      %scan3A_946 = arith.addi %scan3A_944, %scan3A_945 : i32
      %scan3A_947 = arith.constant 1 : i32
      %scan3A_948:16 = scf.for %scan3A_1024 = %scan3A_944 to %scan3A_946 step %scan3A_947 iter_args(%scan3A_1025 = %masked_sort3A_698, %scan3A_1026 = %masked_sort3A_702, %scan3A_1027 = %masked_sort3A_706, %scan3A_1028 = %masked_sort3A_710, %scan3A_1029 = %masked_sort3A_722, %scan3A_1030 = %masked_sort3A_726, %scan3A_1031 = %masked_sort3A_730, %scan3A_1032 = %masked_sort3A_734, %scan3A_1033 = %masked_sort3A_906, %scan3A_1034 = %masked_sort3A_910, %scan3A_1035 = %masked_sort3A_914, %scan3A_1036 = %masked_sort3A_918, %scan3A_1037 = %masked_sort3A_930, %scan3A_1038 = %masked_sort3A_934, %scan3A_1039 = %masked_sort3A_938, %scan3A_1040 = %masked_sort3A_942) -> (vector<16xf32>, vector<16xf32>, vector<16xf32>, vector<16xf32>, vector<16xf32>, vector<16xf32>, vector<16xf32>, vector<16xf32>, vector<16xf32>, vector<16xf32>, vector<16xf32>, vector<16xf32>, vector<16xf32>, vector<16xf32>, vector<16xf32>, vector<16xf32>)  : i32 {
        %mul3A_1041 = arith.constant 128 : i32
        %mul3A_1042 = arith.muli %scan3A_1024, %mul3A_1041 : i32
        %add3A_1043 = arith.constant 0 : i32
        %add3A_1044 = arith.addi %mul3A_1042, %add3A_1043 : i32
        %get3A_1045 = arith.constant 0 : i32
        %get3A_1046 = arith.index_cast %get3A_1045 : i32 to index
        %get3A_1047 = arith.index_cast %add3A_1044 : i32 to index
        %get3A_1048 = tpu.vector_load %arg5[%get3A_1046, %get3A_1047] {strides = array<i32>} : memref<2x2048xf32, #tpu.memory_space<vmem>>, vector<16xf32>,
        %mul3A_1049 = arith.constant 128 : i32
        %mul3A_1050 = arith.muli %scan3A_1024, %mul3A_1049 : i32
        %add3A_1051 = arith.constant 16 : i32
        %add3A_1052 = arith.addi %mul3A_1050, %add3A_1051 : i32
        %get3A_1053 = arith.constant 0 : i32
        %get3A_1054 = arith.index_cast %get3A_1053 : i32 to index
        %get3A_1055 = arith.index_cast %add3A_1052 : i32 to index
        %get3A_1056 = tpu.vector_load %arg5[%get3A_1054, %get3A_1055] {strides = array<i32>} : memref<2x2048xf32, #tpu.memory_space<vmem>>, vector<16xf32>,
        %mul3A_1057 = arith.constant 128 : i32
        %mul3A_1058 = arith.muli %scan3A_1024, %mul3A_1057 : i32
        %add3A_1059 = arith.constant 32 : i32
        %add3A_1060 = arith.addi %mul3A_1058, %add3A_1059 : i32
        %get3A_1061 = arith.constant 0 : i32
        %get3A_1062 = arith.index_cast %get3A_1061 : i32 to index
        %get3A_1063 = arith.index_cast %add3A_1060 : i32 to index
        %get3A_1064 = tpu.vector_load %arg5[%get3A_1062, %get3A_1063] {strides = array<i32>} : memref<2x2048xf32, #tpu.memory_space<vmem>>, vector<16xf32>,
        %mul3A_1065 = arith.constant 128 : i32
        %mul3A_1066 = arith.muli %scan3A_1024, %mul3A_1065 : i32
        %add3A_1067 = arith.constant 48 : i32
        %add3A_1068 = arith.addi %mul3A_1066, %add3A_1067 : i32
        %get3A_1069 = arith.constant 0 : i32
        %get3A_1070 = arith.index_cast %get3A_1069 : i32 to index
        %get3A_1071 = arith.index_cast %add3A_1068 : i32 to index
        %get3A_1072 = tpu.vector_load %arg5[%get3A_1070, %get3A_1071] {strides = array<i32>} : memref<2x2048xf32, #tpu.memory_space<vmem>>, vector<16xf32>,
        %mul3A_1073 = arith.constant 128 : i32
        %mul3A_1074 = arith.muli %scan3A_1024, %mul3A_1073 : i32
        %add3A_1075 = arith.constant 64 : i32
        %add3A_1076 = arith.addi %mul3A_1074, %add3A_1075 : i32
        %get3A_1077 = arith.constant 0 : i32
        %get3A_1078 = arith.index_cast %get3A_1077 : i32 to index
        %get3A_1079 = arith.index_cast %add3A_1076 : i32 to index
        %get3A_1080 = tpu.vector_load %arg5[%get3A_1078, %get3A_1079] {strides = array<i32>} : memref<2x2048xf32, #tpu.memory_space<vmem>>, vector<16xf32>,
        %mul3A_1081 = arith.constant 128 : i32
        %mul3A_1082 = arith.muli %scan3A_1024, %mul3A_1081 : i32
        %add3A_1083 = arith.constant 80 : i32
        %add3A_1084 = arith.addi %mul3A_1082, %add3A_1083 : i32
        %get3A_1085 = arith.constant 0 : i32
        %get3A_1086 = arith.index_cast %get3A_1085 : i32 to index
        %get3A_1087 = arith.index_cast %add3A_1084 : i32 to index
        %get3A_1088 = tpu.vector_load %arg5[%get3A_1086, %get3A_1087] {strides = array<i32>} : memref<2x2048xf32, #tpu.memory_space<vmem>>, vector<16xf32>,
        %mul3A_1089 = arith.constant 128 : i32
        %mul3A_1090 = arith.muli %scan3A_1024, %mul3A_1089 : i32
        %add3A_1091 = arith.constant 96 : i32
        %add3A_1092 = arith.addi %mul3A_1090, %add3A_1091 : i32
        %get3A_1093 = arith.constant 0 : i32
        %get3A_1094 = arith.index_cast %get3A_1093 : i32 to index
        %get3A_1095 = arith.index_cast %add3A_1092 : i32 to index
        %get3A_1096 = tpu.vector_load %arg5[%get3A_1094, %get3A_1095] {strides = array<i32>} : memref<2x2048xf32, #tpu.memory_space<vmem>>, vector<16xf32>,
        %mul3A_1097 = arith.constant 128 : i32
        %mul3A_1098 = arith.muli %scan3A_1024, %mul3A_1097 : i32
        %add3A_1099 = arith.constant 112 : i32
        %add3A_1100 = arith.addi %mul3A_1098, %add3A_1099 : i32
        %get3A_1101 = arith.constant 0 : i32
        %get3A_1102 = arith.index_cast %get3A_1101 : i32 to index
        %get3A_1103 = arith.index_cast %add3A_1100 : i32 to index
        %get3A_1104 = tpu.vector_load %arg5[%get3A_1102, %get3A_1103] {strides = array<i32>} : memref<2x2048xf32, #tpu.memory_space<vmem>>, vector<16xf32>,
        %masked_sort3A_1105 = arith.constant dense<true> : vector<16xi1>
        %masked_sort3A_1106, %masked_sort3A_1107, %masked_sort3A_1108 = tpu.sort %get3A_1048, %get3A_1048 masked %masked_sort3A_1105 : (vector<16xf32>, vector<16xf32>, vector<16xi1>) -> (vector<16xi1>, vector<16xf32>, vector<16xf32>)
        %masked_sort3A_1109 = arith.constant dense<true> : vector<16xi1>
        %masked_sort3A_1110, %masked_sort3A_1111, %masked_sort3A_1112 = tpu.sort %get3A_1056, %get3A_1056 masked %masked_sort3A_1109 {descending = true} : (vector<16xf32>, vector<16xf32>, vector<16xi1>) -> (vector<16xi1>, vector<16xf32>, vector<16xf32>)
        %min3A_1113 = arith.minimumf %masked_sort3A_1107, %masked_sort3A_1111 : vector<16xf32>
        %max3A_1114 = arith.maximumf %masked_sort3A_1107, %masked_sort3A_1111 : vector<16xf32>
        %masked_sort3A_1115 = arith.constant dense<true> : vector<16xi1>
        %masked_sort3A_1116, %masked_sort3A_1117, %masked_sort3A_1118 = tpu.sort %min3A_1113, %min3A_1113 masked %masked_sort3A_1115 : (vector<16xf32>, vector<16xf32>, vector<16xi1>) -> (vector<16xi1>, vector<16xf32>, vector<16xf32>)
        %masked_sort3A_1119 = arith.constant dense<true> : vector<16xi1>
        %masked_sort3A_1120, %masked_sort3A_1121, %masked_sort3A_1122 = tpu.sort %max3A_1114, %max3A_1114 masked %masked_sort3A_1119 : (vector<16xf32>, vector<16xf32>, vector<16xi1>) -> (vector<16xi1>, vector<16xf32>, vector<16xf32>)
        %masked_sort3A_1123 = arith.constant dense<true> : vector<16xi1>
        %masked_sort3A_1124, %masked_sort3A_1125, %masked_sort3A_1126 = tpu.sort %get3A_1064, %get3A_1064 masked %masked_sort3A_1123 {descending = true} : (vector<16xf32>, vector<16xf32>, vector<16xi1>) -> (vector<16xi1>, vector<16xf32>, vector<16xf32>)
        %masked_sort3A_1127 = arith.constant dense<true> : vector<16xi1>
        %masked_sort3A_1128, %masked_sort3A_1129, %masked_sort3A_1130 = tpu.sort %get3A_1072, %get3A_1072 masked %masked_sort3A_1127 : (vector<16xf32>, vector<16xf32>, vector<16xi1>) -> (vector<16xi1>, vector<16xf32>, vector<16xf32>)
        %max3A_1131 = arith.maximumf %masked_sort3A_1125, %masked_sort3A_1129 : vector<16xf32>
        %min3A_1132 = arith.minimumf %masked_sort3A_1125, %masked_sort3A_1129 : vector<16xf32>
        %masked_sort3A_1133 = arith.constant dense<true> : vector<16xi1>
        %masked_sort3A_1134, %masked_sort3A_1135, %masked_sort3A_1136 = tpu.sort %max3A_1131, %max3A_1131 masked %masked_sort3A_1133 {descending = true} : (vector<16xf32>, vector<16xf32>, vector<16xi1>) -> (vector<16xi1>, vector<16xf32>, vector<16xf32>)
        %masked_sort3A_1137 = arith.constant dense<true> : vector<16xi1>
        %masked_sort3A_1138, %masked_sort3A_1139, %masked_sort3A_1140 = tpu.sort %min3A_1132, %min3A_1132 masked %masked_sort3A_1137 {descending = true} : (vector<16xf32>, vector<16xf32>, vector<16xi1>) -> (vector<16xi1>, vector<16xf32>, vector<16xf32>)
        %min3A_1141 = arith.minimumf %masked_sort3A_1117, %masked_sort3A_1135 : vector<16xf32>
        %min3A_1142 = arith.minimumf %masked_sort3A_1121, %masked_sort3A_1139 : vector<16xf32>
        %max3A_1143 = arith.maximumf %masked_sort3A_1117, %masked_sort3A_1135 : vector<16xf32>
        %max3A_1144 = arith.maximumf %masked_sort3A_1121, %masked_sort3A_1139 : vector<16xf32>
        %min3A_1145 = arith.minimumf %min3A_1141, %min3A_1142 : vector<16xf32>
        %max3A_1146 = arith.maximumf %min3A_1141, %min3A_1142 : vector<16xf32>
        %masked_sort3A_1147 = arith.constant dense<true> : vector<16xi1>
        %masked_sort3A_1148, %masked_sort3A_1149, %masked_sort3A_1150 = tpu.sort %min3A_1145, %min3A_1145 masked %masked_sort3A_1147 : (vector<16xf32>, vector<16xf32>, vector<16xi1>) -> (vector<16xi1>, vector<16xf32>, vector<16xf32>)
        %masked_sort3A_1151 = arith.constant dense<true> : vector<16xi1>
        %masked_sort3A_1152, %masked_sort3A_1153, %masked_sort3A_1154 = tpu.sort %max3A_1146, %max3A_1146 masked %masked_sort3A_1151 : (vector<16xf32>, vector<16xf32>, vector<16xi1>) -> (vector<16xi1>, vector<16xf32>, vector<16xf32>)
        %min3A_1155 = arith.minimumf %max3A_1143, %max3A_1144 : vector<16xf32>
        %max3A_1156 = arith.maximumf %max3A_1143, %max3A_1144 : vector<16xf32>
        %masked_sort3A_1157 = arith.constant dense<true> : vector<16xi1>
        %masked_sort3A_1158, %masked_sort3A_1159, %masked_sort3A_1160 = tpu.sort %min3A_1155, %min3A_1155 masked %masked_sort3A_1157 : (vector<16xf32>, vector<16xf32>, vector<16xi1>) -> (vector<16xi1>, vector<16xf32>, vector<16xf32>)
        %masked_sort3A_1161 = arith.constant dense<true> : vector<16xi1>
        %masked_sort3A_1162, %masked_sort3A_1163, %masked_sort3A_1164 = tpu.sort %max3A_1156, %max3A_1156 masked %masked_sort3A_1161 : (vector<16xf32>, vector<16xf32>, vector<16xi1>) -> (vector<16xi1>, vector<16xf32>, vector<16xf32>)
        %masked_sort3A_1165 = arith.constant dense<true> : vector<16xi1>
        %masked_sort3A_1166, %masked_sort3A_1167, %masked_sort3A_1168 = tpu.sort %get3A_1080, %get3A_1080 masked %masked_sort3A_1165 {descending = true} : (vector<16xf32>, vector<16xf32>, vector<16xi1>) -> (vector<16xi1>, vector<16xf32>, vector<16xf32>)
        %masked_sort3A_1169 = arith.constant dense<true> : vector<16xi1>
        %masked_sort3A_1170, %masked_sort3A_1171, %masked_sort3A_1172 = tpu.sort %get3A_1088, %get3A_1088 masked %masked_sort3A_1169 : (vector<16xf32>, vector<16xf32>, vector<16xi1>) -> (vector<16xi1>, vector<16xf32>, vector<16xf32>)
        %max3A_1173 = arith.maximumf %masked_sort3A_1167, %masked_sort3A_1171 : vector<16xf32>
        %min3A_1174 = arith.minimumf %masked_sort3A_1167, %masked_sort3A_1171 : vector<16xf32>
        %masked_sort3A_1175 = arith.constant dense<true> : vector<16xi1>
        %masked_sort3A_1176, %masked_sort3A_1177, %masked_sort3A_1178 = tpu.sort %max3A_1173, %max3A_1173 masked %masked_sort3A_1175 {descending = true} : (vector<16xf32>, vector<16xf32>, vector<16xi1>) -> (vector<16xi1>, vector<16xf32>, vector<16xf32>)
        %masked_sort3A_1179 = arith.constant dense<true> : vector<16xi1>
        %masked_sort3A_1180, %masked_sort3A_1181, %masked_sort3A_1182 = tpu.sort %min3A_1174, %min3A_1174 masked %masked_sort3A_1179 {descending = true} : (vector<16xf32>, vector<16xf32>, vector<16xi1>) -> (vector<16xi1>, vector<16xf32>, vector<16xf32>)
        %masked_sort3A_1183 = arith.constant dense<true> : vector<16xi1>
        %masked_sort3A_1184, %masked_sort3A_1185, %masked_sort3A_1186 = tpu.sort %get3A_1096, %get3A_1096 masked %masked_sort3A_1183 : (vector<16xf32>, vector<16xf32>, vector<16xi1>) -> (vector<16xi1>, vector<16xf32>, vector<16xf32>)
        %masked_sort3A_1187 = arith.constant dense<true> : vector<16xi1>
        %masked_sort3A_1188, %masked_sort3A_1189, %masked_sort3A_1190 = tpu.sort %get3A_1104, %get3A_1104 masked %masked_sort3A_1187 {descending = true} : (vector<16xf32>, vector<16xf32>, vector<16xi1>) -> (vector<16xi1>, vector<16xf32>, vector<16xf32>)
        %min3A_1191 = arith.minimumf %masked_sort3A_1185, %masked_sort3A_1189 : vector<16xf32>
        %max3A_1192 = arith.maximumf %masked_sort3A_1185, %masked_sort3A_1189 : vector<16xf32>
        %masked_sort3A_1193 = arith.constant dense<true> : vector<16xi1>
        %masked_sort3A_1194, %masked_sort3A_1195, %masked_sort3A_1196 = tpu.sort %min3A_1191, %min3A_1191 masked %masked_sort3A_1193 : (vector<16xf32>, vector<16xf32>, vector<16xi1>) -> (vector<16xi1>, vector<16xf32>, vector<16xf32>)
        %masked_sort3A_1197 = arith.constant dense<true> : vector<16xi1>
        %masked_sort3A_1198, %masked_sort3A_1199, %masked_sort3A_1200 = tpu.sort %max3A_1192, %max3A_1192 masked %masked_sort3A_1197 : (vector<16xf32>, vector<16xf32>, vector<16xi1>) -> (vector<16xi1>, vector<16xf32>, vector<16xf32>)
        %max3A_1201 = arith.maximumf %masked_sort3A_1177, %masked_sort3A_1195 : vector<16xf32>
        %max3A_1202 = arith.maximumf %masked_sort3A_1181, %masked_sort3A_1199 : vector<16xf32>
        %min3A_1203 = arith.minimumf %masked_sort3A_1177, %masked_sort3A_1195 : vector<16xf32>
        %min3A_1204 = arith.minimumf %masked_sort3A_1181, %masked_sort3A_1199 : vector<16xf32>
        %max3A_1205 = arith.maximumf %max3A_1201, %max3A_1202 : vector<16xf32>
        %min3A_1206 = arith.minimumf %max3A_1201, %max3A_1202 : vector<16xf32>
        %masked_sort3A_1207 = arith.constant dense<true> : vector<16xi1>
        %masked_sort3A_1208, %masked_sort3A_1209, %masked_sort3A_1210 = tpu.sort %max3A_1205, %max3A_1205 masked %masked_sort3A_1207 {descending = true} : (vector<16xf32>, vector<16xf32>, vector<16xi1>) -> (vector<16xi1>, vector<16xf32>, vector<16xf32>)
        %masked_sort3A_1211 = arith.constant dense<true> : vector<16xi1>
        %masked_sort3A_1212, %masked_sort3A_1213, %masked_sort3A_1214 = tpu.sort %min3A_1206, %min3A_1206 masked %masked_sort3A_1211 {descending = true} : (vector<16xf32>, vector<16xf32>, vector<16xi1>) -> (vector<16xi1>, vector<16xf32>, vector<16xf32>)
        %max3A_1215 = arith.maximumf %min3A_1203, %min3A_1204 : vector<16xf32>
        %min3A_1216 = arith.minimumf %min3A_1203, %min3A_1204 : vector<16xf32>
        %masked_sort3A_1217 = arith.constant dense<true> : vector<16xi1>
        %masked_sort3A_1218, %masked_sort3A_1219, %masked_sort3A_1220 = tpu.sort %max3A_1215, %max3A_1215 masked %masked_sort3A_1217 {descending = true} : (vector<16xf32>, vector<16xf32>, vector<16xi1>) -> (vector<16xi1>, vector<16xf32>, vector<16xf32>)
        %masked_sort3A_1221 = arith.constant dense<true> : vector<16xi1>
        %masked_sort3A_1222, %masked_sort3A_1223, %masked_sort3A_1224 = tpu.sort %min3A_1216, %min3A_1216 masked %masked_sort3A_1221 {descending = true} : (vector<16xf32>, vector<16xf32>, vector<16xi1>) -> (vector<16xi1>, vector<16xf32>, vector<16xf32>)
        %min3A_1225 = arith.minimumf %masked_sort3A_1149, %masked_sort3A_1209 : vector<16xf32>
        %min3A_1226 = arith.minimumf %masked_sort3A_1153, %masked_sort3A_1213 : vector<16xf32>
        %min3A_1227 = arith.minimumf %masked_sort3A_1159, %masked_sort3A_1219 : vector<16xf32>
        %min3A_1228 = arith.minimumf %masked_sort3A_1163, %masked_sort3A_1223 : vector<16xf32>
        %max3A_1229 = arith.maximumf %masked_sort3A_1149, %masked_sort3A_1209 : vector<16xf32>
        %max3A_1230 = arith.maximumf %masked_sort3A_1153, %masked_sort3A_1213 : vector<16xf32>
        %max3A_1231 = arith.maximumf %masked_sort3A_1159, %masked_sort3A_1219 : vector<16xf32>
        %max3A_1232 = arith.maximumf %masked_sort3A_1163, %masked_sort3A_1223 : vector<16xf32>
        %min3A_1233 = arith.minimumf %min3A_1225, %min3A_1227 : vector<16xf32>
        %max3A_1234 = arith.maximumf %min3A_1225, %min3A_1227 : vector<16xf32>
        %min3A_1235 = arith.minimumf %min3A_1226, %min3A_1228 : vector<16xf32>
        %max3A_1236 = arith.maximumf %min3A_1226, %min3A_1228 : vector<16xf32>
        %min3A_1237 = arith.minimumf %min3A_1233, %min3A_1235 : vector<16xf32>
        %max3A_1238 = arith.maximumf %min3A_1233, %min3A_1235 : vector<16xf32>
        %min3A_1239 = arith.minimumf %max3A_1234, %max3A_1236 : vector<16xf32>
        %max3A_1240 = arith.maximumf %max3A_1234, %max3A_1236 : vector<16xf32>
        %masked_sort3A_1241 = arith.constant dense<true> : vector<16xi1>
        %masked_sort3A_1242, %masked_sort3A_1243, %masked_sort3A_1244 = tpu.sort %min3A_1237, %min3A_1237 masked %masked_sort3A_1241 : (vector<16xf32>, vector<16xf32>, vector<16xi1>) -> (vector<16xi1>, vector<16xf32>, vector<16xf32>)
        %masked_sort3A_1245 = arith.constant dense<true> : vector<16xi1>
        %masked_sort3A_1246, %masked_sort3A_1247, %masked_sort3A_1248 = tpu.sort %max3A_1238, %max3A_1238 masked %masked_sort3A_1245 : (vector<16xf32>, vector<16xf32>, vector<16xi1>) -> (vector<16xi1>, vector<16xf32>, vector<16xf32>)
        %masked_sort3A_1249 = arith.constant dense<true> : vector<16xi1>
        %masked_sort3A_1250, %masked_sort3A_1251, %masked_sort3A_1252 = tpu.sort %min3A_1239, %min3A_1239 masked %masked_sort3A_1249 : (vector<16xf32>, vector<16xf32>, vector<16xi1>) -> (vector<16xi1>, vector<16xf32>, vector<16xf32>)
        %masked_sort3A_1253 = arith.constant dense<true> : vector<16xi1>
        %masked_sort3A_1254, %masked_sort3A_1255, %masked_sort3A_1256 = tpu.sort %max3A_1240, %max3A_1240 masked %masked_sort3A_1253 : (vector<16xf32>, vector<16xf32>, vector<16xi1>) -> (vector<16xi1>, vector<16xf32>, vector<16xf32>)
        %min3A_1257 = arith.minimumf %max3A_1229, %max3A_1231 : vector<16xf32>
        %max3A_1258 = arith.maximumf %max3A_1229, %max3A_1231 : vector<16xf32>
        %min3A_1259 = arith.minimumf %max3A_1230, %max3A_1232 : vector<16xf32>
        %max3A_1260 = arith.maximumf %max3A_1230, %max3A_1232 : vector<16xf32>
        %min3A_1261 = arith.minimumf %min3A_1257, %min3A_1259 : vector<16xf32>
        %max3A_1262 = arith.maximumf %min3A_1257, %min3A_1259 : vector<16xf32>
        %min3A_1263 = arith.minimumf %max3A_1258, %max3A_1260 : vector<16xf32>
        %max3A_1264 = arith.maximumf %max3A_1258, %max3A_1260 : vector<16xf32>
        %masked_sort3A_1265 = arith.constant dense<true> : vector<16xi1>
        %masked_sort3A_1266, %masked_sort3A_1267, %masked_sort3A_1268 = tpu.sort %min3A_1261, %min3A_1261 masked %masked_sort3A_1265 : (vector<16xf32>, vector<16xf32>, vector<16xi1>) -> (vector<16xi1>, vector<16xf32>, vector<16xf32>)
        %masked_sort3A_1269 = arith.constant dense<true> : vector<16xi1>
        %masked_sort3A_1270, %masked_sort3A_1271, %masked_sort3A_1272 = tpu.sort %max3A_1262, %max3A_1262 masked %masked_sort3A_1269 : (vector<16xf32>, vector<16xf32>, vector<16xi1>) -> (vector<16xi1>, vector<16xf32>, vector<16xf32>)
        %masked_sort3A_1273 = arith.constant dense<true> : vector<16xi1>
        %masked_sort3A_1274, %masked_sort3A_1275, %masked_sort3A_1276 = tpu.sort %min3A_1263, %min3A_1263 masked %masked_sort3A_1273 : (vector<16xf32>, vector<16xf32>, vector<16xi1>) -> (vector<16xi1>, vector<16xf32>, vector<16xf32>)
        %masked_sort3A_1277 = arith.constant dense<true> : vector<16xi1>
        %masked_sort3A_1278, %masked_sort3A_1279, %masked_sort3A_1280 = tpu.sort %max3A_1264, %max3A_1264 masked %masked_sort3A_1277 : (vector<16xf32>, vector<16xf32>, vector<16xi1>) -> (vector<16xi1>, vector<16xf32>, vector<16xf32>)
        %max3A_1281 = arith.maximumf %scan3A_1025, %masked_sort3A_1243 : vector<16xf32>
        %max3A_1282 = arith.maximumf %scan3A_1026, %masked_sort3A_1247 : vector<16xf32>
        %max3A_1283 = arith.maximumf %scan3A_1027, %masked_sort3A_1251 : vector<16xf32>
        %max3A_1284 = arith.maximumf %scan3A_1028, %masked_sort3A_1255 : vector<16xf32>
        %max3A_1285 = arith.maximumf %scan3A_1029, %masked_sort3A_1267 : vector<16xf32>
        %max3A_1286 = arith.maximumf %scan3A_1030, %masked_sort3A_1271 : vector<16xf32>
        %max3A_1287 = arith.maximumf %scan3A_1031, %masked_sort3A_1275 : vector<16xf32>
        %max3A_1288 = arith.maximumf %scan3A_1032, %masked_sort3A_1279 : vector<16xf32>
        %max3A_1289 = arith.maximumf %max3A_1281, %max3A_1285 : vector<16xf32>
        %min3A_1290 = arith.minimumf %max3A_1281, %max3A_1285 : vector<16xf32>
        %max3A_1291 = arith.maximumf %max3A_1282, %max3A_1286 : vector<16xf32>
        %min3A_1292 = arith.minimumf %max3A_1282, %max3A_1286 : vector<16xf32>
        %max3A_1293 = arith.maximumf %max3A_1283, %max3A_1287 : vector<16xf32>
        %min3A_1294 = arith.minimumf %max3A_1283, %max3A_1287 : vector<16xf32>
        %max3A_1295 = arith.maximumf %max3A_1284, %max3A_1288 : vector<16xf32>
        %min3A_1296 = arith.minimumf %max3A_1284, %max3A_1288 : vector<16xf32>
        %max3A_1297 = arith.maximumf %max3A_1289, %max3A_1293 : vector<16xf32>
        %min3A_1298 = arith.minimumf %max3A_1289, %max3A_1293 : vector<16xf32>
        %max3A_1299 = arith.maximumf %max3A_1291, %max3A_1295 : vector<16xf32>
        %min3A_1300 = arith.minimumf %max3A_1291, %max3A_1295 : vector<16xf32>
        %max3A_1301 = arith.maximumf %min3A_1290, %min3A_1294 : vector<16xf32>
        %min3A_1302 = arith.minimumf %min3A_1290, %min3A_1294 : vector<16xf32>
        %max3A_1303 = arith.maximumf %min3A_1292, %min3A_1296 : vector<16xf32>
        %min3A_1304 = arith.minimumf %min3A_1292, %min3A_1296 : vector<16xf32>
        %max3A_1305 = arith.maximumf %max3A_1297, %max3A_1299 : vector<16xf32>
        %min3A_1306 = arith.minimumf %max3A_1297, %max3A_1299 : vector<16xf32>
        %max3A_1307 = arith.maximumf %min3A_1298, %min3A_1300 : vector<16xf32>
        %min3A_1308 = arith.minimumf %min3A_1298, %min3A_1300 : vector<16xf32>
        %max3A_1309 = arith.maximumf %max3A_1301, %max3A_1303 : vector<16xf32>
        %min3A_1310 = arith.minimumf %max3A_1301, %max3A_1303 : vector<16xf32>
        %max3A_1311 = arith.maximumf %min3A_1302, %min3A_1304 : vector<16xf32>
        %min3A_1312 = arith.minimumf %min3A_1302, %min3A_1304 : vector<16xf32>
        %masked_sort3A_1313 = arith.constant dense<true> : vector<16xi1>
        %masked_sort3A_1314, %masked_sort3A_1315, %masked_sort3A_1316 = tpu.sort %max3A_1305, %max3A_1305 masked %masked_sort3A_1313 {descending = true} : (vector<16xf32>, vector<16xf32>, vector<16xi1>) -> (vector<16xi1>, vector<16xf32>, vector<16xf32>)
        %masked_sort3A_1317 = arith.constant dense<true> : vector<16xi1>
        %masked_sort3A_1318, %masked_sort3A_1319, %masked_sort3A_1320 = tpu.sort %min3A_1306, %min3A_1306 masked %masked_sort3A_1317 {descending = true} : (vector<16xf32>, vector<16xf32>, vector<16xi1>) -> (vector<16xi1>, vector<16xf32>, vector<16xf32>)
        %masked_sort3A_1321 = arith.constant dense<true> : vector<16xi1>
        %masked_sort3A_1322, %masked_sort3A_1323, %masked_sort3A_1324 = tpu.sort %max3A_1307, %max3A_1307 masked %masked_sort3A_1321 {descending = true} : (vector<16xf32>, vector<16xf32>, vector<16xi1>) -> (vector<16xi1>, vector<16xf32>, vector<16xf32>)
        %masked_sort3A_1325 = arith.constant dense<true> : vector<16xi1>
        %masked_sort3A_1326, %masked_sort3A_1327, %masked_sort3A_1328 = tpu.sort %min3A_1308, %min3A_1308 masked %masked_sort3A_1325 {descending = true} : (vector<16xf32>, vector<16xf32>, vector<16xi1>) -> (vector<16xi1>, vector<16xf32>, vector<16xf32>)
        %masked_sort3A_1329 = arith.constant dense<true> : vector<16xi1>
        %masked_sort3A_1330, %masked_sort3A_1331, %masked_sort3A_1332 = tpu.sort %max3A_1309, %max3A_1309 masked %masked_sort3A_1329 {descending = true} : (vector<16xf32>, vector<16xf32>, vector<16xi1>) -> (vector<16xi1>, vector<16xf32>, vector<16xf32>)
        %masked_sort3A_1333 = arith.constant dense<true> : vector<16xi1>
        %masked_sort3A_1334, %masked_sort3A_1335, %masked_sort3A_1336 = tpu.sort %min3A_1310, %min3A_1310 masked %masked_sort3A_1333 {descending = true} : (vector<16xf32>, vector<16xf32>, vector<16xi1>) -> (vector<16xi1>, vector<16xf32>, vector<16xf32>)
        %masked_sort3A_1337 = arith.constant dense<true> : vector<16xi1>
        %masked_sort3A_1338, %masked_sort3A_1339, %masked_sort3A_1340 = tpu.sort %max3A_1311, %max3A_1311 masked %masked_sort3A_1337 {descending = true} : (vector<16xf32>, vector<16xf32>, vector<16xi1>) -> (vector<16xi1>, vector<16xf32>, vector<16xf32>)
        %masked_sort3A_1341 = arith.constant dense<true> : vector<16xi1>
        %masked_sort3A_1342, %masked_sort3A_1343, %masked_sort3A_1344 = tpu.sort %min3A_1312, %min3A_1312 masked %masked_sort3A_1341 {descending = true} : (vector<16xf32>, vector<16xf32>, vector<16xi1>) -> (vector<16xi1>, vector<16xf32>, vector<16xf32>)
        %mul3A_1345 = arith.constant 128 : i32
        %mul3A_1346 = arith.muli %scan3A_1024, %mul3A_1345 : i32
        %add3A_1347 = arith.constant 0 : i32
        %add3A_1348 = arith.addi %mul3A_1346, %add3A_1347 : i32
        %get3A_1349 = arith.constant 1 : i32
        %get3A_1350 = arith.index_cast %get3A_1349 : i32 to index
        %get3A_1351 = arith.index_cast %add3A_1348 : i32 to index
        %get3A_1352 = tpu.vector_load %arg5[%get3A_1350, %get3A_1351] {strides = array<i32>} : memref<2x2048xf32, #tpu.memory_space<vmem>>, vector<16xf32>,
        %mul3A_1353 = arith.constant 128 : i32
        %mul3A_1354 = arith.muli %scan3A_1024, %mul3A_1353 : i32
        %add3A_1355 = arith.constant 16 : i32
        %add3A_1356 = arith.addi %mul3A_1354, %add3A_1355 : i32
        %get3A_1357 = arith.constant 1 : i32
        %get3A_1358 = arith.index_cast %get3A_1357 : i32 to index
        %get3A_1359 = arith.index_cast %add3A_1356 : i32 to index
        %get3A_1360 = tpu.vector_load %arg5[%get3A_1358, %get3A_1359] {strides = array<i32>} : memref<2x2048xf32, #tpu.memory_space<vmem>>, vector<16xf32>,
        %mul3A_1361 = arith.constant 128 : i32
        %mul3A_1362 = arith.muli %scan3A_1024, %mul3A_1361 : i32
        %add3A_1363 = arith.constant 32 : i32
        %add3A_1364 = arith.addi %mul3A_1362, %add3A_1363 : i32
        %get3A_1365 = arith.constant 1 : i32
        %get3A_1366 = arith.index_cast %get3A_1365 : i32 to index
        %get3A_1367 = arith.index_cast %add3A_1364 : i32 to index
        %get3A_1368 = tpu.vector_load %arg5[%get3A_1366, %get3A_1367] {strides = array<i32>} : memref<2x2048xf32, #tpu.memory_space<vmem>>, vector<16xf32>,
        %mul3A_1369 = arith.constant 128 : i32
        %mul3A_1370 = arith.muli %scan3A_1024, %mul3A_1369 : i32
        %add3A_1371 = arith.constant 48 : i32
        %add3A_1372 = arith.addi %mul3A_1370, %add3A_1371 : i32
        %get3A_1373 = arith.constant 1 : i32
        %get3A_1374 = arith.index_cast %get3A_1373 : i32 to index
        %get3A_1375 = arith.index_cast %add3A_1372 : i32 to index
        %get3A_1376 = tpu.vector_load %arg5[%get3A_1374, %get3A_1375] {strides = array<i32>} : memref<2x2048xf32, #tpu.memory_space<vmem>>, vector<16xf32>,
        %mul3A_1377 = arith.constant 128 : i32
        %mul3A_1378 = arith.muli %scan3A_1024, %mul3A_1377 : i32
        %add3A_1379 = arith.constant 64 : i32
        %add3A_1380 = arith.addi %mul3A_1378, %add3A_1379 : i32
        %get3A_1381 = arith.constant 1 : i32
        %get3A_1382 = arith.index_cast %get3A_1381 : i32 to index
        %get3A_1383 = arith.index_cast %add3A_1380 : i32 to index
        %get3A_1384 = tpu.vector_load %arg5[%get3A_1382, %get3A_1383] {strides = array<i32>} : memref<2x2048xf32, #tpu.memory_space<vmem>>, vector<16xf32>,
        %mul3A_1385 = arith.constant 128 : i32
        %mul3A_1386 = arith.muli %scan3A_1024, %mul3A_1385 : i32
        %add3A_1387 = arith.constant 80 : i32
        %add3A_1388 = arith.addi %mul3A_1386, %add3A_1387 : i32
        %get3A_1389 = arith.constant 1 : i32
        %get3A_1390 = arith.index_cast %get3A_1389 : i32 to index
        %get3A_1391 = arith.index_cast %add3A_1388 : i32 to index
        %get3A_1392 = tpu.vector_load %arg5[%get3A_1390, %get3A_1391] {strides = array<i32>} : memref<2x2048xf32, #tpu.memory_space<vmem>>, vector<16xf32>,
        %mul3A_1393 = arith.constant 128 : i32
        %mul3A_1394 = arith.muli %scan3A_1024, %mul3A_1393 : i32
        %add3A_1395 = arith.constant 96 : i32
        %add3A_1396 = arith.addi %mul3A_1394, %add3A_1395 : i32
        %get3A_1397 = arith.constant 1 : i32
        %get3A_1398 = arith.index_cast %get3A_1397 : i32 to index
        %get3A_1399 = arith.index_cast %add3A_1396 : i32 to index
        %get3A_1400 = tpu.vector_load %arg5[%get3A_1398, %get3A_1399] {strides = array<i32>} : memref<2x2048xf32, #tpu.memory_space<vmem>>, vector<16xf32>,
        %mul3A_1401 = arith.constant 128 : i32
        %mul3A_1402 = arith.muli %scan3A_1024, %mul3A_1401 : i32
        %add3A_1403 = arith.constant 112 : i32
        %add3A_1404 = arith.addi %mul3A_1402, %add3A_1403 : i32
        %get3A_1405 = arith.constant 1 : i32
        %get3A_1406 = arith.index_cast %get3A_1405 : i32 to index
        %get3A_1407 = arith.index_cast %add3A_1404 : i32 to index
        %get3A_1408 = tpu.vector_load %arg5[%get3A_1406, %get3A_1407] {strides = array<i32>} : memref<2x2048xf32, #tpu.memory_space<vmem>>, vector<16xf32>,
        %masked_sort3A_1409 = arith.constant dense<true> : vector<16xi1>
        %masked_sort3A_1410, %masked_sort3A_1411, %masked_sort3A_1412 = tpu.sort %get3A_1352, %get3A_1352 masked %masked_sort3A_1409 : (vector<16xf32>, vector<16xf32>, vector<16xi1>) -> (vector<16xi1>, vector<16xf32>, vector<16xf32>)
        %masked_sort3A_1413 = arith.constant dense<true> : vector<16xi1>
        %masked_sort3A_1414, %masked_sort3A_1415, %masked_sort3A_1416 = tpu.sort %get3A_1360, %get3A_1360 masked %masked_sort3A_1413 {descending = true} : (vector<16xf32>, vector<16xf32>, vector<16xi1>) -> (vector<16xi1>, vector<16xf32>, vector<16xf32>)
        %min3A_1417 = arith.minimumf %masked_sort3A_1411, %masked_sort3A_1415 : vector<16xf32>
        %max3A_1418 = arith.maximumf %masked_sort3A_1411, %masked_sort3A_1415 : vector<16xf32>
        %masked_sort3A_1419 = arith.constant dense<true> : vector<16xi1>
        %masked_sort3A_1420, %masked_sort3A_1421, %masked_sort3A_1422 = tpu.sort %min3A_1417, %min3A_1417 masked %masked_sort3A_1419 : (vector<16xf32>, vector<16xf32>, vector<16xi1>) -> (vector<16xi1>, vector<16xf32>, vector<16xf32>)
        %masked_sort3A_1423 = arith.constant dense<true> : vector<16xi1>
        %masked_sort3A_1424, %masked_sort3A_1425, %masked_sort3A_1426 = tpu.sort %max3A_1418, %max3A_1418 masked %masked_sort3A_1423 : (vector<16xf32>, vector<16xf32>, vector<16xi1>) -> (vector<16xi1>, vector<16xf32>, vector<16xf32>)
        %masked_sort3A_1427 = arith.constant dense<true> : vector<16xi1>
        %masked_sort3A_1428, %masked_sort3A_1429, %masked_sort3A_1430 = tpu.sort %get3A_1368, %get3A_1368 masked %masked_sort3A_1427 {descending = true} : (vector<16xf32>, vector<16xf32>, vector<16xi1>) -> (vector<16xi1>, vector<16xf32>, vector<16xf32>)
        %masked_sort3A_1431 = arith.constant dense<true> : vector<16xi1>
        %masked_sort3A_1432, %masked_sort3A_1433, %masked_sort3A_1434 = tpu.sort %get3A_1376, %get3A_1376 masked %masked_sort3A_1431 : (vector<16xf32>, vector<16xf32>, vector<16xi1>) -> (vector<16xi1>, vector<16xf32>, vector<16xf32>)
        %max3A_1435 = arith.maximumf %masked_sort3A_1429, %masked_sort3A_1433 : vector<16xf32>
        %min3A_1436 = arith.minimumf %masked_sort3A_1429, %masked_sort3A_1433 : vector<16xf32>
        %masked_sort3A_1437 = arith.constant dense<true> : vector<16xi1>
        %masked_sort3A_1438, %masked_sort3A_1439, %masked_sort3A_1440 = tpu.sort %max3A_1435, %max3A_1435 masked %masked_sort3A_1437 {descending = true} : (vector<16xf32>, vector<16xf32>, vector<16xi1>) -> (vector<16xi1>, vector<16xf32>, vector<16xf32>)
        %masked_sort3A_1441 = arith.constant dense<true> : vector<16xi1>
        %masked_sort3A_1442, %masked_sort3A_1443, %masked_sort3A_1444 = tpu.sort %min3A_1436, %min3A_1436 masked %masked_sort3A_1441 {descending = true} : (vector<16xf32>, vector<16xf32>, vector<16xi1>) -> (vector<16xi1>, vector<16xf32>, vector<16xf32>)
        %min3A_1445 = arith.minimumf %masked_sort3A_1421, %masked_sort3A_1439 : vector<16xf32>
        %min3A_1446 = arith.minimumf %masked_sort3A_1425, %masked_sort3A_1443 : vector<16xf32>
        %max3A_1447 = arith.maximumf %masked_sort3A_1421, %masked_sort3A_1439 : vector<16xf32>
        %max3A_1448 = arith.maximumf %masked_sort3A_1425, %masked_sort3A_1443 : vector<16xf32>
        %min3A_1449 = arith.minimumf %min3A_1445, %min3A_1446 : vector<16xf32>
        %max3A_1450 = arith.maximumf %min3A_1445, %min3A_1446 : vector<16xf32>
        %masked_sort3A_1451 = arith.constant dense<true> : vector<16xi1>
        %masked_sort3A_1452, %masked_sort3A_1453, %masked_sort3A_1454 = tpu.sort %min3A_1449, %min3A_1449 masked %masked_sort3A_1451 : (vector<16xf32>, vector<16xf32>, vector<16xi1>) -> (vector<16xi1>, vector<16xf32>, vector<16xf32>)
        %masked_sort3A_1455 = arith.constant dense<true> : vector<16xi1>
        %masked_sort3A_1456, %masked_sort3A_1457, %masked_sort3A_1458 = tpu.sort %max3A_1450, %max3A_1450 masked %masked_sort3A_1455 : (vector<16xf32>, vector<16xf32>, vector<16xi1>) -> (vector<16xi1>, vector<16xf32>, vector<16xf32>)
        %min3A_1459 = arith.minimumf %max3A_1447, %max3A_1448 : vector<16xf32>
        %max3A_1460 = arith.maximumf %max3A_1447, %max3A_1448 : vector<16xf32>
        %masked_sort3A_1461 = arith.constant dense<true> : vector<16xi1>
        %masked_sort3A_1462, %masked_sort3A_1463, %masked_sort3A_1464 = tpu.sort %min3A_1459, %min3A_1459 masked %masked_sort3A_1461 : (vector<16xf32>, vector<16xf32>, vector<16xi1>) -> (vector<16xi1>, vector<16xf32>, vector<16xf32>)
        %masked_sort3A_1465 = arith.constant dense<true> : vector<16xi1>
        %masked_sort3A_1466, %masked_sort3A_1467, %masked_sort3A_1468 = tpu.sort %max3A_1460, %max3A_1460 masked %masked_sort3A_1465 : (vector<16xf32>, vector<16xf32>, vector<16xi1>) -> (vector<16xi1>, vector<16xf32>, vector<16xf32>)
        %masked_sort3A_1469 = arith.constant dense<true> : vector<16xi1>
        %masked_sort3A_1470, %masked_sort3A_1471, %masked_sort3A_1472 = tpu.sort %get3A_1384, %get3A_1384 masked %masked_sort3A_1469 {descending = true} : (vector<16xf32>, vector<16xf32>, vector<16xi1>) -> (vector<16xi1>, vector<16xf32>, vector<16xf32>)
        %masked_sort3A_1473 = arith.constant dense<true> : vector<16xi1>
        %masked_sort3A_1474, %masked_sort3A_1475, %masked_sort3A_1476 = tpu.sort %get3A_1392, %get3A_1392 masked %masked_sort3A_1473 : (vector<16xf32>, vector<16xf32>, vector<16xi1>) -> (vector<16xi1>, vector<16xf32>, vector<16xf32>)
        %max3A_1477 = arith.maximumf %masked_sort3A_1471, %masked_sort3A_1475 : vector<16xf32>
        %min3A_1478 = arith.minimumf %masked_sort3A_1471, %masked_sort3A_1475 : vector<16xf32>
        %masked_sort3A_1479 = arith.constant dense<true> : vector<16xi1>
        %masked_sort3A_1480, %masked_sort3A_1481, %masked_sort3A_1482 = tpu.sort %max3A_1477, %max3A_1477 masked %masked_sort3A_1479 {descending = true} : (vector<16xf32>, vector<16xf32>, vector<16xi1>) -> (vector<16xi1>, vector<16xf32>, vector<16xf32>)
        %masked_sort3A_1483 = arith.constant dense<true> : vector<16xi1>
        %masked_sort3A_1484, %masked_sort3A_1485, %masked_sort3A_1486 = tpu.sort %min3A_1478, %min3A_1478 masked %masked_sort3A_1483 {descending = true} : (vector<16xf32>, vector<16xf32>, vector<16xi1>) -> (vector<16xi1>, vector<16xf32>, vector<16xf32>)
        %masked_sort3A_1487 = arith.constant dense<true> : vector<16xi1>
        %masked_sort3A_1488, %masked_sort3A_1489, %masked_sort3A_1490 = tpu.sort %get3A_1400, %get3A_1400 masked %masked_sort3A_1487 : (vector<16xf32>, vector<16xf32>, vector<16xi1>) -> (vector<16xi1>, vector<16xf32>, vector<16xf32>)
        %masked_sort3A_1491 = arith.constant dense<true> : vector<16xi1>
        %masked_sort3A_1492, %masked_sort3A_1493, %masked_sort3A_1494 = tpu.sort %get3A_1408, %get3A_1408 masked %masked_sort3A_1491 {descending = true} : (vector<16xf32>, vector<16xf32>, vector<16xi1>) -> (vector<16xi1>, vector<16xf32>, vector<16xf32>)
        %min3A_1495 = arith.minimumf %masked_sort3A_1489, %masked_sort3A_1493 : vector<16xf32>
        %max3A_1496 = arith.maximumf %masked_sort3A_1489, %masked_sort3A_1493 : vector<16xf32>
        %masked_sort3A_1497 = arith.constant dense<true> : vector<16xi1>
        %masked_sort3A_1498, %masked_sort3A_1499, %masked_sort3A_1500 = tpu.sort %min3A_1495, %min3A_1495 masked %masked_sort3A_1497 : (vector<16xf32>, vector<16xf32>, vector<16xi1>) -> (vector<16xi1>, vector<16xf32>, vector<16xf32>)
        %masked_sort3A_1501 = arith.constant dense<true> : vector<16xi1>
        %masked_sort3A_1502, %masked_sort3A_1503, %masked_sort3A_1504 = tpu.sort %max3A_1496, %max3A_1496 masked %masked_sort3A_1501 : (vector<16xf32>, vector<16xf32>, vector<16xi1>) -> (vector<16xi1>, vector<16xf32>, vector<16xf32>)
        %max3A_1505 = arith.maximumf %masked_sort3A_1481, %masked_sort3A_1499 : vector<16xf32>
        %max3A_1506 = arith.maximumf %masked_sort3A_1485, %masked_sort3A_1503 : vector<16xf32>
        %min3A_1507 = arith.minimumf %masked_sort3A_1481, %masked_sort3A_1499 : vector<16xf32>
        %min3A_1508 = arith.minimumf %masked_sort3A_1485, %masked_sort3A_1503 : vector<16xf32>
        %max3A_1509 = arith.maximumf %max3A_1505, %max3A_1506 : vector<16xf32>
        %min3A_1510 = arith.minimumf %max3A_1505, %max3A_1506 : vector<16xf32>
        %masked_sort3A_1511 = arith.constant dense<true> : vector<16xi1>
        %masked_sort3A_1512, %masked_sort3A_1513, %masked_sort3A_1514 = tpu.sort %max3A_1509, %max3A_1509 masked %masked_sort3A_1511 {descending = true} : (vector<16xf32>, vector<16xf32>, vector<16xi1>) -> (vector<16xi1>, vector<16xf32>, vector<16xf32>)
        %masked_sort3A_1515 = arith.constant dense<true> : vector<16xi1>
        %masked_sort3A_1516, %masked_sort3A_1517, %masked_sort3A_1518 = tpu.sort %min3A_1510, %min3A_1510 masked %masked_sort3A_1515 {descending = true} : (vector<16xf32>, vector<16xf32>, vector<16xi1>) -> (vector<16xi1>, vector<16xf32>, vector<16xf32>)
        %max3A_1519 = arith.maximumf %min3A_1507, %min3A_1508 : vector<16xf32>
        %min3A_1520 = arith.minimumf %min3A_1507, %min3A_1508 : vector<16xf32>
        %masked_sort3A_1521 = arith.constant dense<true> : vector<16xi1>
        %masked_sort3A_1522, %masked_sort3A_1523, %masked_sort3A_1524 = tpu.sort %max3A_1519, %max3A_1519 masked %masked_sort3A_1521 {descending = true} : (vector<16xf32>, vector<16xf32>, vector<16xi1>) -> (vector<16xi1>, vector<16xf32>, vector<16xf32>)
        %masked_sort3A_1525 = arith.constant dense<true> : vector<16xi1>
        %masked_sort3A_1526, %masked_sort3A_1527, %masked_sort3A_1528 = tpu.sort %min3A_1520, %min3A_1520 masked %masked_sort3A_1525 {descending = true} : (vector<16xf32>, vector<16xf32>, vector<16xi1>) -> (vector<16xi1>, vector<16xf32>, vector<16xf32>)
        %min3A_1529 = arith.minimumf %masked_sort3A_1453, %masked_sort3A_1513 : vector<16xf32>
        %min3A_1530 = arith.minimumf %masked_sort3A_1457, %masked_sort3A_1517 : vector<16xf32>
        %min3A_1531 = arith.minimumf %masked_sort3A_1463, %masked_sort3A_1523 : vector<16xf32>
        %min3A_1532 = arith.minimumf %masked_sort3A_1467, %masked_sort3A_1527 : vector<16xf32>
        %max3A_1533 = arith.maximumf %masked_sort3A_1453, %masked_sort3A_1513 : vector<16xf32>
        %max3A_1534 = arith.maximumf %masked_sort3A_1457, %masked_sort3A_1517 : vector<16xf32>
        %max3A_1535 = arith.maximumf %masked_sort3A_1463, %masked_sort3A_1523 : vector<16xf32>
        %max3A_1536 = arith.maximumf %masked_sort3A_1467, %masked_sort3A_1527 : vector<16xf32>
        %min3A_1537 = arith.minimumf %min3A_1529, %min3A_1531 : vector<16xf32>
        %max3A_1538 = arith.maximumf %min3A_1529, %min3A_1531 : vector<16xf32>
        %min3A_1539 = arith.minimumf %min3A_1530, %min3A_1532 : vector<16xf32>
        %max3A_1540 = arith.maximumf %min3A_1530, %min3A_1532 : vector<16xf32>
        %min3A_1541 = arith.minimumf %min3A_1537, %min3A_1539 : vector<16xf32>
        %max3A_1542 = arith.maximumf %min3A_1537, %min3A_1539 : vector<16xf32>
        %min3A_1543 = arith.minimumf %max3A_1538, %max3A_1540 : vector<16xf32>
        %max3A_1544 = arith.maximumf %max3A_1538, %max3A_1540 : vector<16xf32>
        %masked_sort3A_1545 = arith.constant dense<true> : vector<16xi1>
        %masked_sort3A_1546, %masked_sort3A_1547, %masked_sort3A_1548 = tpu.sort %min3A_1541, %min3A_1541 masked %masked_sort3A_1545 : (vector<16xf32>, vector<16xf32>, vector<16xi1>) -> (vector<16xi1>, vector<16xf32>, vector<16xf32>)
        %masked_sort3A_1549 = arith.constant dense<true> : vector<16xi1>
        %masked_sort3A_1550, %masked_sort3A_1551, %masked_sort3A_1552 = tpu.sort %max3A_1542, %max3A_1542 masked %masked_sort3A_1549 : (vector<16xf32>, vector<16xf32>, vector<16xi1>) -> (vector<16xi1>, vector<16xf32>, vector<16xf32>)
        %masked_sort3A_1553 = arith.constant dense<true> : vector<16xi1>
        %masked_sort3A_1554, %masked_sort3A_1555, %masked_sort3A_1556 = tpu.sort %min3A_1543, %min3A_1543 masked %masked_sort3A_1553 : (vector<16xf32>, vector<16xf32>, vector<16xi1>) -> (vector<16xi1>, vector<16xf32>, vector<16xf32>)
        %masked_sort3A_1557 = arith.constant dense<true> : vector<16xi1>
        %masked_sort3A_1558, %masked_sort3A_1559, %masked_sort3A_1560 = tpu.sort %max3A_1544, %max3A_1544 masked %masked_sort3A_1557 : (vector<16xf32>, vector<16xf32>, vector<16xi1>) -> (vector<16xi1>, vector<16xf32>, vector<16xf32>)
        %min3A_1561 = arith.minimumf %max3A_1533, %max3A_1535 : vector<16xf32>
        %max3A_1562 = arith.maximumf %max3A_1533, %max3A_1535 : vector<16xf32>
        %min3A_1563 = arith.minimumf %max3A_1534, %max3A_1536 : vector<16xf32>
        %max3A_1564 = arith.maximumf %max3A_1534, %max3A_1536 : vector<16xf32>
        %min3A_1565 = arith.minimumf %min3A_1561, %min3A_1563 : vector<16xf32>
        %max3A_1566 = arith.maximumf %min3A_1561, %min3A_1563 : vector<16xf32>
        %min3A_1567 = arith.minimumf %max3A_1562, %max3A_1564 : vector<16xf32>
        %max3A_1568 = arith.maximumf %max3A_1562, %max3A_1564 : vector<16xf32>
        %masked_sort3A_1569 = arith.constant dense<true> : vector<16xi1>
        %masked_sort3A_1570, %masked_sort3A_1571, %masked_sort3A_1572 = tpu.sort %min3A_1565, %min3A_1565 masked %masked_sort3A_1569 : (vector<16xf32>, vector<16xf32>, vector<16xi1>) -> (vector<16xi1>, vector<16xf32>, vector<16xf32>)
        %masked_sort3A_1573 = arith.constant dense<true> : vector<16xi1>
        %masked_sort3A_1574, %masked_sort3A_1575, %masked_sort3A_1576 = tpu.sort %max3A_1566, %max3A_1566 masked %masked_sort3A_1573 : (vector<16xf32>, vector<16xf32>, vector<16xi1>) -> (vector<16xi1>, vector<16xf32>, vector<16xf32>)
        %masked_sort3A_1577 = arith.constant dense<true> : vector<16xi1>
        %masked_sort3A_1578, %masked_sort3A_1579, %masked_sort3A_1580 = tpu.sort %min3A_1567, %min3A_1567 masked %masked_sort3A_1577 : (vector<16xf32>, vector<16xf32>, vector<16xi1>) -> (vector<16xi1>, vector<16xf32>, vector<16xf32>)
        %masked_sort3A_1581 = arith.constant dense<true> : vector<16xi1>
        %masked_sort3A_1582, %masked_sort3A_1583, %masked_sort3A_1584 = tpu.sort %max3A_1568, %max3A_1568 masked %masked_sort3A_1581 : (vector<16xf32>, vector<16xf32>, vector<16xi1>) -> (vector<16xi1>, vector<16xf32>, vector<16xf32>)
        %max3A_1585 = arith.maximumf %scan3A_1033, %masked_sort3A_1547 : vector<16xf32>
        %max3A_1586 = arith.maximumf %scan3A_1034, %masked_sort3A_1551 : vector<16xf32>
        %max3A_1587 = arith.maximumf %scan3A_1035, %masked_sort3A_1555 : vector<16xf32>
        %max3A_1588 = arith.maximumf %scan3A_1036, %masked_sort3A_1559 : vector<16xf32>
        %max3A_1589 = arith.maximumf %scan3A_1037, %masked_sort3A_1571 : vector<16xf32>
        %max3A_1590 = arith.maximumf %scan3A_1038, %masked_sort3A_1575 : vector<16xf32>
        %max3A_1591 = arith.maximumf %scan3A_1039, %masked_sort3A_1579 : vector<16xf32>
        %max3A_1592 = arith.maximumf %scan3A_1040, %masked_sort3A_1583 : vector<16xf32>
        %max3A_1593 = arith.maximumf %max3A_1585, %max3A_1589 : vector<16xf32>
        %min3A_1594 = arith.minimumf %max3A_1585, %max3A_1589 : vector<16xf32>
        %max3A_1595 = arith.maximumf %max3A_1586, %max3A_1590 : vector<16xf32>
        %min3A_1596 = arith.minimumf %max3A_1586, %max3A_1590 : vector<16xf32>
        %max3A_1597 = arith.maximumf %max3A_1587, %max3A_1591 : vector<16xf32>
        %min3A_1598 = arith.minimumf %max3A_1587, %max3A_1591 : vector<16xf32>
        %max3A_1599 = arith.maximumf %max3A_1588, %max3A_1592 : vector<16xf32>
        %min3A_1600 = arith.minimumf %max3A_1588, %max3A_1592 : vector<16xf32>
        %max3A_1601 = arith.maximumf %max3A_1593, %max3A_1597 : vector<16xf32>
        %min3A_1602 = arith.minimumf %max3A_1593, %max3A_1597 : vector<16xf32>
        %max3A_1603 = arith.maximumf %max3A_1595, %max3A_1599 : vector<16xf32>
        %min3A_1604 = arith.minimumf %max3A_1595, %max3A_1599 : vector<16xf32>
        %max3A_1605 = arith.maximumf %min3A_1594, %min3A_1598 : vector<16xf32>
        %min3A_1606 = arith.minimumf %min3A_1594, %min3A_1598 : vector<16xf32>
        %max3A_1607 = arith.maximumf %min3A_1596, %min3A_1600 : vector<16xf32>
        %min3A_1608 = arith.minimumf %min3A_1596, %min3A_1600 : vector<16xf32>
        %max3A_1609 = arith.maximumf %max3A_1601, %max3A_1603 : vector<16xf32>
        %min3A_1610 = arith.minimumf %max3A_1601, %max3A_1603 : vector<16xf32>
        %max3A_1611 = arith.maximumf %min3A_1602, %min3A_1604 : vector<16xf32>
        %min3A_1612 = arith.minimumf %min3A_1602, %min3A_1604 : vector<16xf32>
        %max3A_1613 = arith.maximumf %max3A_1605, %max3A_1607 : vector<16xf32>
        %min3A_1614 = arith.minimumf %max3A_1605, %max3A_1607 : vector<16xf32>
        %max3A_1615 = arith.maximumf %min3A_1606, %min3A_1608 : vector<16xf32>
        %min3A_1616 = arith.minimumf %min3A_1606, %min3A_1608 : vector<16xf32>
        %masked_sort3A_1617 = arith.constant dense<true> : vector<16xi1>
        %masked_sort3A_1618, %masked_sort3A_1619, %masked_sort3A_1620 = tpu.sort %max3A_1609, %max3A_1609 masked %masked_sort3A_1617 {descending = true} : (vector<16xf32>, vector<16xf32>, vector<16xi1>) -> (vector<16xi1>, vector<16xf32>, vector<16xf32>)
        %masked_sort3A_1621 = arith.constant dense<true> : vector<16xi1>
        %masked_sort3A_1622, %masked_sort3A_1623, %masked_sort3A_1624 = tpu.sort %min3A_1610, %min3A_1610 masked %masked_sort3A_1621 {descending = true} : (vector<16xf32>, vector<16xf32>, vector<16xi1>) -> (vector<16xi1>, vector<16xf32>, vector<16xf32>)
        %masked_sort3A_1625 = arith.constant dense<true> : vector<16xi1>
        %masked_sort3A_1626, %masked_sort3A_1627, %masked_sort3A_1628 = tpu.sort %max3A_1611, %max3A_1611 masked %masked_sort3A_1625 {descending = true} : (vector<16xf32>, vector<16xf32>, vector<16xi1>) -> (vector<16xi1>, vector<16xf32>, vector<16xf32>)
        %masked_sort3A_1629 = arith.constant dense<true> : vector<16xi1>
        %masked_sort3A_1630, %masked_sort3A_1631, %masked_sort3A_1632 = tpu.sort %min3A_1612, %min3A_1612 masked %masked_sort3A_1629 {descending = true} : (vector<16xf32>, vector<16xf32>, vector<16xi1>) -> (vector<16xi1>, vector<16xf32>, vector<16xf32>)
        %masked_sort3A_1633 = arith.constant dense<true> : vector<16xi1>
        %masked_sort3A_1634, %masked_sort3A_1635, %masked_sort3A_1636 = tpu.sort %max3A_1613, %max3A_1613 masked %masked_sort3A_1633 {descending = true} : (vector<16xf32>, vector<16xf32>, vector<16xi1>) -> (vector<16xi1>, vector<16xf32>, vector<16xf32>)
        %masked_sort3A_1637 = arith.constant dense<true> : vector<16xi1>
        %masked_sort3A_1638, %masked_sort3A_1639, %masked_sort3A_1640 = tpu.sort %min3A_1614, %min3A_1614 masked %masked_sort3A_1637 {descending = true} : (vector<16xf32>, vector<16xf32>, vector<16xi1>) -> (vector<16xi1>, vector<16xf32>, vector<16xf32>)
        %masked_sort3A_1641 = arith.constant dense<true> : vector<16xi1>
        %masked_sort3A_1642, %masked_sort3A_1643, %masked_sort3A_1644 = tpu.sort %max3A_1615, %max3A_1615 masked %masked_sort3A_1641 {descending = true} : (vector<16xf32>, vector<16xf32>, vector<16xi1>) -> (vector<16xi1>, vector<16xf32>, vector<16xf32>)
        %masked_sort3A_1645 = arith.constant dense<true> : vector<16xi1>
        %masked_sort3A_1646, %masked_sort3A_1647, %masked_sort3A_1648 = tpu.sort %min3A_1616, %min3A_1616 masked %masked_sort3A_1645 {descending = true} : (vector<16xf32>, vector<16xf32>, vector<16xi1>) -> (vector<16xi1>, vector<16xf32>, vector<16xf32>)
        scf.yield %masked_sort3A_1315, %masked_sort3A_1319, %masked_sort3A_1323, %masked_sort3A_1327, %masked_sort3A_1331, %masked_sort3A_1335, %masked_sort3A_1339, %masked_sort3A_1343, %masked_sort3A_1619, %masked_sort3A_1623, %masked_sort3A_1627, %masked_sort3A_1631, %masked_sort3A_1635, %masked_sort3A_1639, %masked_sort3A_1643, %masked_sort3A_1647 : vector<16xf32>, vector<16xf32>, vector<16xf32>, vector<16xf32>, vector<16xf32>, vector<16xf32>, vector<16xf32>, vector<16xf32>, vector<16xf32>, vector<16xf32>, vector<16xf32>, vector<16xf32>, vector<16xf32>, vector<16xf32>, vector<16xf32>, vector<16xf32>
      }
      %scan3A_949 = arith.constant 15 : i32
      %swap3A_950 = arith.constant 0 : i32
      %swap3A_951 = arith.index_cast %swap3A_950 : i32 to index
      %swap3A_952 = arith.constant 0 : index
      %swap3A_953 = tpu.vector_load %arg7[%swap3A_951, %swap3A_952] {strides = array<i32>} : memref<2x128xf32, #tpu.memory_space<vmem>>, vector<16xf32>,
      tpu.vector_store %arg7[%swap3A_951, %swap3A_952], %scan3A_948#0 {strides = array<i32>} : memref<2x128xf32, #tpu.memory_space<vmem>>, vector<16xf32>,
      %swap3A_954 = arith.constant 0 : i32
      %swap3A_955 = arith.index_cast %swap3A_954 : i32 to index
      %swap3A_956 = arith.constant 16 : index
      %swap3A_957 = tpu.vector_load %arg7[%swap3A_955, %swap3A_956] {strides = array<i32>} : memref<2x128xf32, #tpu.memory_space<vmem>>, vector<16xf32>,
      tpu.vector_store %arg7[%swap3A_955, %swap3A_956], %scan3A_948#1 {strides = array<i32>} : memref<2x128xf32, #tpu.memory_space<vmem>>, vector<16xf32>,
      %swap3A_958 = arith.constant 0 : i32
      %swap3A_959 = arith.index_cast %swap3A_958 : i32 to index
      %swap3A_960 = arith.constant 32 : index
      %swap3A_961 = tpu.vector_load %arg7[%swap3A_959, %swap3A_960] {strides = array<i32>} : memref<2x128xf32, #tpu.memory_space<vmem>>, vector<16xf32>,
      tpu.vector_store %arg7[%swap3A_959, %swap3A_960], %scan3A_948#2 {strides = array<i32>} : memref<2x128xf32, #tpu.memory_space<vmem>>, vector<16xf32>,
      %swap3A_962 = arith.constant 0 : i32
      %swap3A_963 = arith.index_cast %swap3A_962 : i32 to index
      %swap3A_964 = arith.constant 48 : index
      %swap3A_965 = tpu.vector_load %arg7[%swap3A_963, %swap3A_964] {strides = array<i32>} : memref<2x128xf32, #tpu.memory_space<vmem>>, vector<16xf32>,
      tpu.vector_store %arg7[%swap3A_963, %swap3A_964], %scan3A_948#3 {strides = array<i32>} : memref<2x128xf32, #tpu.memory_space<vmem>>, vector<16xf32>,
      %swap3A_966 = arith.constant 0 : i32
      %swap3A_967 = arith.index_cast %swap3A_966 : i32 to index
      %swap3A_968 = arith.constant 64 : index
      %swap3A_969 = tpu.vector_load %arg7[%swap3A_967, %swap3A_968] {strides = array<i32>} : memref<2x128xf32, #tpu.memory_space<vmem>>, vector<16xf32>,
      tpu.vector_store %arg7[%swap3A_967, %swap3A_968], %scan3A_948#4 {strides = array<i32>} : memref<2x128xf32, #tpu.memory_space<vmem>>, vector<16xf32>,
      %swap3A_970 = arith.constant 0 : i32
      %swap3A_971 = arith.index_cast %swap3A_970 : i32 to index
      %swap3A_972 = arith.constant 80 : index
      %swap3A_973 = tpu.vector_load %arg7[%swap3A_971, %swap3A_972] {strides = array<i32>} : memref<2x128xf32, #tpu.memory_space<vmem>>, vector<16xf32>,
      tpu.vector_store %arg7[%swap3A_971, %swap3A_972], %scan3A_948#5 {strides = array<i32>} : memref<2x128xf32, #tpu.memory_space<vmem>>, vector<16xf32>,
      %swap3A_974 = arith.constant 0 : i32
      %swap3A_975 = arith.index_cast %swap3A_974 : i32 to index
      %swap3A_976 = arith.constant 96 : index
      %swap3A_977 = tpu.vector_load %arg7[%swap3A_975, %swap3A_976] {strides = array<i32>} : memref<2x128xf32, #tpu.memory_space<vmem>>, vector<16xf32>,
      tpu.vector_store %arg7[%swap3A_975, %swap3A_976], %scan3A_948#6 {strides = array<i32>} : memref<2x128xf32, #tpu.memory_space<vmem>>, vector<16xf32>,
      %swap3A_978 = arith.constant 0 : i32
      %swap3A_979 = arith.index_cast %swap3A_978 : i32 to index
      %swap3A_980 = arith.constant 112 : index
      %swap3A_981 = tpu.vector_load %arg7[%swap3A_979, %swap3A_980] {strides = array<i32>} : memref<2x128xf32, #tpu.memory_space<vmem>>, vector<16xf32>,
      tpu.vector_store %arg7[%swap3A_979, %swap3A_980], %scan3A_948#7 {strides = array<i32>} : memref<2x128xf32, #tpu.memory_space<vmem>>, vector<16xf32>,
      %swap3A_982 = arith.constant 1 : i32
      %swap3A_983 = arith.index_cast %swap3A_982 : i32 to index
      %swap3A_984 = arith.constant 0 : index
      %swap3A_985 = tpu.vector_load %arg7[%swap3A_983, %swap3A_984] {strides = array<i32>} : memref<2x128xf32, #tpu.memory_space<vmem>>, vector<16xf32>,
      tpu.vector_store %arg7[%swap3A_983, %swap3A_984], %scan3A_948#8 {strides = array<i32>} : memref<2x128xf32, #tpu.memory_space<vmem>>, vector<16xf32>,
      %swap3A_986 = arith.constant 1 : i32
      %swap3A_987 = arith.index_cast %swap3A_986 : i32 to index
      %swap3A_988 = arith.constant 16 : index
      %swap3A_989 = tpu.vector_load %arg7[%swap3A_987, %swap3A_988] {strides = array<i32>} : memref<2x128xf32, #tpu.memory_space<vmem>>, vector<16xf32>,
      tpu.vector_store %arg7[%swap3A_987, %swap3A_988], %scan3A_948#9 {strides = array<i32>} : memref<2x128xf32, #tpu.memory_space<vmem>>, vector<16xf32>,
      %swap3A_990 = arith.constant 1 : i32
      %swap3A_991 = arith.index_cast %swap3A_990 : i32 to index
      %swap3A_992 = arith.constant 32 : index
      %swap3A_993 = tpu.vector_load %arg7[%swap3A_991, %swap3A_992] {strides = array<i32>} : memref<2x128xf32, #tpu.memory_space<vmem>>, vector<16xf32>,
      tpu.vector_store %arg7[%swap3A_991, %swap3A_992], %scan3A_948#10 {strides = array<i32>} : memref<2x128xf32, #tpu.memory_space<vmem>>, vector<16xf32>,
      %swap3A_994 = arith.constant 1 : i32
      %swap3A_995 = arith.index_cast %swap3A_994 : i32 to index
      %swap3A_996 = arith.constant 48 : index
      %swap3A_997 = tpu.vector_load %arg7[%swap3A_995, %swap3A_996] {strides = array<i32>} : memref<2x128xf32, #tpu.memory_space<vmem>>, vector<16xf32>,
      tpu.vector_store %arg7[%swap3A_995, %swap3A_996], %scan3A_948#11 {strides = array<i32>} : memref<2x128xf32, #tpu.memory_space<vmem>>, vector<16xf32>,
      %swap3A_998 = arith.constant 1 : i32
      %swap3A_999 = arith.index_cast %swap3A_998 : i32 to index
      %swap3A_1000 = arith.constant 64 : index
      %swap3A_1001 = tpu.vector_load %arg7[%swap3A_999, %swap3A_1000] {strides = array<i32>} : memref<2x128xf32, #tpu.memory_space<vmem>>, vector<16xf32>,
      tpu.vector_store %arg7[%swap3A_999, %swap3A_1000], %scan3A_948#12 {strides = array<i32>} : memref<2x128xf32, #tpu.memory_space<vmem>>, vector<16xf32>,
      %swap3A_1002 = arith.constant 1 : i32
      %swap3A_1003 = arith.index_cast %swap3A_1002 : i32 to index
      %swap3A_1004 = arith.constant 80 : index
      %swap3A_1005 = tpu.vector_load %arg7[%swap3A_1003, %swap3A_1004] {strides = array<i32>} : memref<2x128xf32, #tpu.memory_space<vmem>>, vector<16xf32>,
      tpu.vector_store %arg7[%swap3A_1003, %swap3A_1004], %scan3A_948#13 {strides = array<i32>} : memref<2x128xf32, #tpu.memory_space<vmem>>, vector<16xf32>,
      %swap3A_1006 = arith.constant 1 : i32
      %swap3A_1007 = arith.index_cast %swap3A_1006 : i32 to index
      %swap3A_1008 = arith.constant 96 : index
      %swap3A_1009 = tpu.vector_load %arg7[%swap3A_1007, %swap3A_1008] {strides = array<i32>} : memref<2x128xf32, #tpu.memory_space<vmem>>, vector<16xf32>,
      tpu.vector_store %arg7[%swap3A_1007, %swap3A_1008], %scan3A_948#14 {strides = array<i32>} : memref<2x128xf32, #tpu.memory_space<vmem>>, vector<16xf32>,
      %swap3A_1010 = arith.constant 1 : i32
      %swap3A_1011 = arith.index_cast %swap3A_1010 : i32 to index
      %swap3A_1012 = arith.constant 112 : index
      %swap3A_1013 = tpu.vector_load %arg7[%swap3A_1011, %swap3A_1012] {strides = array<i32>} : memref<2x128xf32, #tpu.memory_space<vmem>>, vector<16xf32>,
      tpu.vector_store %arg7[%swap3A_1011, %swap3A_1012], %scan3A_948#15 {strides = array<i32>} : memref<2x128xf32, #tpu.memory_space<vmem>>, vector<16xf32>,
      %add3A_1014 = arith.constant 2 : i32
      %add3A_1015 = arith.addi %add3A_18, %add3A_1014 : i32
      %dma_start3A_1016 = arith.constant 0 : i32
      %dma_start3A_1017 = tpu.memref_slice %arg3[%add3A_1015, %dma_start3A_1016] : memref<12288x128xf32, #tpu.memory_space<hbm>> -> memref<2x128xf32, #tpu.memory_space<hbm>>
      %dma_start3A_1018 = arith.constant 0 : i32
      %dma_start3A_1019 = tpu.memref_slice %arg3[%add3A_1015, %dma_start3A_1018] : memref<12288x128xf32, #tpu.memory_space<hbm>> -> memref<2x128xf32, #tpu.memory_space<hbm>>
      tpu.enqueue_dma source(%arg7 : memref<2x128xf32, #tpu.memory_space<vmem>>) target(%dma_start3A_1019 : memref<2x128xf32, #tpu.memory_space<hbm>>) target_semaphore(%arg11 : memref<!tpu.dma_semaphore, #tpu.memory_space<semaphore_mem>>)
      %dma_wait3A_1020 = arith.constant 0 : i32
      %dma_wait3A_1021 = tpu.memref_slice %arg2[%min3A_518, %dma_wait3A_1020] : memref<12288x2048xf32, #tpu.memory_space<hbm>> -> memref<2x2048xf32, #tpu.memory_space<hbm>>
      %dma_wait3A_1022 = arith.constant 0 : i32
      %dma_wait3A_1023 = tpu.memref_slice %arg2[%min3A_518, %dma_wait3A_1022] : memref<12288x2048xf32, #tpu.memory_space<hbm>> -> memref<2x2048xf32, #tpu.memory_space<hbm>>
      tpu.wait_dma2 semaphore(%arg8 : memref<!tpu.dma_semaphore, #tpu.memory_space<semaphore_mem>>) src(%dma_wait3A_1023 : memref<2x2048xf32, #tpu.memory_space<hbm>>) dst(%arg4 : memref<2x2048xf32, #tpu.memory_space<vmem>>)
    }
    %scan3A_7 = arith.constant 96 : i32
    %dma_wait3A = arith.constant 0 : i32
    %dma_wait3A_8 = tpu.memref_slice %arg3[%mul3A_2, %dma_wait3A] : memref<12288x128xf32, #tpu.memory_space<hbm>> -> memref<2x128xf32, #tpu.memory_space<hbm>>
    %dma_wait3A_9 = arith.constant 0 : i32
    %dma_wait3A_10 = tpu.memref_slice %arg3[%mul3A_2, %dma_wait3A_9] : memref<12288x128xf32, #tpu.memory_space<hbm>> -> memref<2x128xf32, #tpu.memory_space<hbm>>
    tpu.wait_dma2 semaphore(%arg10 : memref<!tpu.dma_semaphore, #tpu.memory_space<semaphore_mem>>) src(%arg6 : memref<2x128xf32, #tpu.memory_space<vmem>>) dst(%dma_wait3A_10 : memref<2x128xf32, #tpu.memory_space<hbm>>)
    %dma_wait3A_11 = arith.constant 0 : i32
    %dma_wait3A_12 = tpu.memref_slice %arg3[%mul3A_2, %dma_wait3A_11] : memref<12288x128xf32, #tpu.memory_space<hbm>> -> memref<2x128xf32, #tpu.memory_space<hbm>>
    %dma_wait3A_13 = arith.constant 0 : i32
    %dma_wait3A_14 = tpu.memref_slice %arg3[%mul3A_2, %dma_wait3A_13] : memref<12288x128xf32, #tpu.memory_space<hbm>> -> memref<2x128xf32, #tpu.memory_space<hbm>>
    tpu.wait_dma2 semaphore(%arg11 : memref<!tpu.dma_semaphore, #tpu.memory_space<semaphore_mem>>) src(%arg7 : memref<2x128xf32, #tpu.memory_space<vmem>>) dst(%dma_wait3A_14 : memref<2x128xf32, #tpu.memory_space<hbm>>)
    return
  }
}

</mosaic_0001>

<sc_bundles>
// kernel: kernel.3.cloned.1.call-start
scs
__scs_entry_jumppad:
0x0: {  	(pc) =	sbr.rel $0x88, $3  }
0x1: {  	(tag) =	ssettag $0x0;
	lr =	simm.s32 $0x1  }
0x2: {  	[smem:$0x3FA0] =	sst lr;
	_ =	strace $0xD0000000  }
0x3: {  	_ = 	snop  }
0x4: {  	_ = 	snop  }
0x5: {  	_ = 	snop  }
0x6: {  	_ = 	snop  }
0x7: {  	_ = 	snop  }
__scs_overlays_trampoline_lowered:
0x8: {  	[smem:$0x3FAF] =	sst s0  }
0x9: {  	[smem:$0x3FB0] =	sst s1  }
0xa: {  	[smem:$0x3FB1] =	sst s2  }
0xb: {  	[smem:$0x3FB2] =	sst s3  }
0xc: {  	[smem:$0x3FB3] =	sst s4  }
0xd: {  	[smem:$0x3FB4] =	sst s5  }
0xe: {  	[smem:$0x3FB5] =	sst s6  }
0xf: {  	[smem:$0x3FB6] =	sst s7  }
0x10: {  	[smem:$0x3FB7] =	sst s8  }
0x11: {  	[smem:$0x3FB8] =	sst s9;
	s0 =	simm.s32 @!p0 $0x0  }
0x12: {  	s1 =	sld [smem:$0x3F9E];
	s0 =	simm.s32 @p0 $0x1  }
0x13: {  	[smem:$0x3FB9] =	sst s0;
	s0 =	simm.s32 @!p1 $0x0  }
0x14: {  	s2 =	sld [smem:$0x3F9D];
	s0 =	simm.s32 @p1 $0x1  }
0x15: {  	[smem:$0x3FBA] =	sst s0;
	s0 =	simm.s32 @!p2 $0x0  }
0x16: {  	s3 =	sld [smem:$0x3FDB];
	s0 =	simm.s32 @p2 $0x1  }
0x17: {  	s4 =	simm.s32 $0x1BF5;
	[smem:$0x3FBC] =	sst s0  }
0x18: {  	s0 =	sld [smem:$0x3F9F];
	_ =	swait.ge [sflag:s4], $0x0  }
0x19: {  	s7 =	sld [smem:$0x3FA0]  }
0x1a: {  	s8 =	sadd.s32 $0xFFFFE003, lr  }
0x1b: {  	s9 =	sadd.s32 $0xFFFFFEF7, lr;
	s5 =	simm.s32 $0xFFFFFFFF;
	p2 =	slt.u32 s8, $0xFFFFF086  }
0x1c: {  	p1 =	slt.u32 s9, $0xF7A;
	s5 =	simm.s32 @!p2 $0x0  }
0x1d: {  	s5 =	simm.s32 @p1 $0x1;
	p0 =	seq.s32 s7, s2  }
0x1e: {  	s7 =	smul.u32 @!p0 $0xF7A, s2;
	p2 =	seq.s32 @!p0 s5, $0x0  }
0x1f: {  	s9 =	smul.u32 $0xF7A, s1;
	s8 =	simm.s32 @!p0 $0x1BF5;
	p2 =	por !p2, p0  }
0x20: {  	[sflag:s8] =	ssyncset.s32 @!p0 $0xFFFFF086;
	s6 =	sadd.s32 @!p0 s3, s7;
	s7 =	simm.s32 @!p0 $0x108  }
0x21: {  	s3 =	sadd.s32 s3, s9;
	s6 =	sadd.s32 @!p0 $0x88, s6;
	s7 =	simm.s32 @p2 $0x1082  }
0x22: {  	[simem:s7], [sflag:s8] =	dma.local @!p0 [hbm:s6], $0xF7A  }
0x23: {  	s9 =	sor.u32 $0xD0000000, s2;
	s6 =	simm.s32 $0x108;
	_ =	swait.ge @!p0 [sflag:s8], $0x0  }
0x24: {  	s3 =	sadd.s32 $0x88, s3;
	s6 =	simm.s32 @!p1 $0x1082;
	[sflag:s4] =	ssyncset.s32 $0xFFFFF086  }
0x25: {  	[simem:s6], [sflag:s4] =	dma.local [hbm:s3], $0xF7A  }
0x26: {  	[smem:$0x3FA0] =	sst s1;
	(tag) =	ssettag s2;
	_ =	strace s9  }
0x27: {  	s1 =	sld [smem:$0x3FB0]  }
0x28: {  	s2 =	sld [smem:$0x3FB1]  }
0x29: {  	s4 =	sld [smem:$0x3FB3]  }
0x2a: {  	p0 =	seq.s32 s5, $0x0;
	s5 =	sld [smem:$0x3FB4]  }
0x2b: {  	s6 =	sld [smem:$0x3FB5]  }
0x2c: {  	s7 =	sld [smem:$0x3FB6]  }
0x2d: {  	s3 =	simm.s32 $0x108;
	s8 =	sld [smem:$0x3FB7]  }
0x2e: {  	s3 =	simm.s32 @!p0 $0x1082;
	s9 =	sld [smem:$0x3FB8]  }
0x2f: {  	lr =	sadd.s32 s0, s3;
	s0 =	sld [smem:$0x3FAF]  }
0x30: {  	s3 =	sld [smem:$0x3FB2]  }
0x31: {  	[smem:$0x3FBB] =	sst s10  }
0x32: {  	s10 =	sld [smem:$0x3FB9];
	_ =	sdelay $0x3  }
0x33: {  	p0 =	seq.s32 s10, $0x1;
	s10 =	sld [smem:$0x3FBB];
	_ =	sdelay $0x3  }
0x34: {  	[smem:$0x3FBB] =	sst s10  }
0x35: {  	s10 =	sld [smem:$0x3FBA];
	_ =	sdelay $0x3  }
0x36: {  	p1 =	seq.s32 s10, $0x1;
	s10 =	sld [smem:$0x3FBB];
	_ =	sdelay $0x3  }
0x37: {  	[smem:$0x3FBB] =	sst s10  }
0x38: {  	s10 =	sld [smem:$0x3FBC]  }
0x39: {  	_ = 	snop;
	(pc) =	sbr.ind lr, $3  }
0x3a: {  	_ = 	snop  }
0x3b: {  	_ = 	snop  }
0x3c: {  	p2 =	seq.s32 s10, $0x1;
	s10 =	sld [smem:$0x3FBB]  }
0x3d: {  	_ =	shalt  }
0x3e: {  	_ =	shalt  }
0x3f: {  	_ =	shalt  }
0x40: {  	_ =	shalt  }
0x41: {  	_ =	shalt  }
0x42: {  	_ =	shalt  }
0x43: {  	_ =	shalt  }
0x44: {  	_ =	shalt  }
0x45: {  	_ =	shalt  }
0x46: {  	_ =	shalt  }
0x47: {  	_ =	shalt  }
0x48: {  	_ =	shalt  }
0x49: {  	_ =	shalt  }
0x4a: {  	_ =	shalt  }
0x4b: {  	_ =	shalt  }
0x4c: {  	_ =	shalt  }
0x4d: {  	_ =	shalt  }
0x4e: {  	_ =	shalt  }
0x4f: {  	_ =	shalt  }
0x50: {  	_ =	shalt  }
0x51: {  	_ =	shalt  }
0x52: {  	_ =	shalt  }
0x53: {  	_ =	shalt  }
0x54: {  	_ =	shalt  }
0x55: {  	_ =	shalt  }
0x56: {  	_ =	shalt  }
0x57: {  	_ =	shalt  }
0x58: {  	_ =	shalt  }
0x59: {  	_ =	shalt  }
0x5a: {  	_ =	shalt  }
0x5b: {  	_ =	shalt  }
0x5c: {  	_ =	shalt  }
0x5d: {  	_ =	shalt  }
0x5e: {  	_ =	shalt  }
0x5f: {  	_ =	shalt  }
0x60: {  	_ =	shalt  }
0x61: {  	_ =	shalt  }
0x62: {  	_ =	shalt  }
0x63: {  	_ =	shalt  }
0x64: {  	_ =	shalt  }
0x65: {  	_ =	shalt  }
0x66: {  	_ =	shalt  }
0x67: {  	_ =	shalt  }
0x68: {  	_ =	shalt  }
0x69: {  	_ =	shalt  }
0x6a: {  	_ =	shalt  }
0x6b: {  	_ =	shalt  }
0x6c: {  	_ =	shalt  }
0x6d: {  	_ =	shalt  }
0x6e: {  	_ =	shalt  }
0x6f: {  	_ =	shalt  }
0x70: {  	_ =	shalt  }
0x71: {  	_ =	shalt  }
0x72: {  	_ =	shalt  }
0x73: {  	_ =	shalt  }
0x74: {  	_ =	shalt  }
0x75: {  	_ =	shalt  }
0x76: {  	_ =	shalt  }
0x77: {  	_ =	shalt  }
0x78: {  	_ =	shalt  }
0x79: {  	_ =	shalt  }
0x7a: {  	_ =	shalt  }
0x7b: {  	_ =	shalt  }
0x7c: {  	_ =	shalt  }
0x7d: {  	_ =	shalt  }
0x7e: {  	_ =	shalt  }
0x7f: {  	_ =	shalt  }
0x80: {  	_ =	shalt  }
0x81: {  	_ =	shalt  }
0x82: {  	_ =	shalt  }
0x83: {  	_ =	shalt  }
0x84: {  	_ =	shalt  }
0x85: {  	_ =	shalt  }
0x86: {  	_ =	shalt  }
0x87: {  	_ =	shalt  }
.Lfunc_end0:
.L_simem_size_0:
called_computation_lowered:
.L_overlay_start_0:
0x88: {  	s2 =	sld [smem:$0x3FD9]  }
0x89: {  	s3 =	sld [smem:$0x3FFE];
	_ =	sdelay $0x1  }
0x8a: {  	s1 =	srdreg.scid  }
0x8b: {  	s0 =	sand.u32 $0x1, s1  }
0x8c: {  	s18 =	sshll.u32 s0, $0xA;
	s2 =	sadd.s32 s3, s2  }
0x8d: {  	s2 =	sadd.s32 s2, s18  }
0x8e: {  	[smem:$0x3FC7] =	sst s2  }
0x8f: {  	_ = 	snop  }
0x90: {  	s2 =	sld [smem:$0x3FC9]  }
0x91: {  	s19 =	sld [smem:$0x3FD0];
	(tm) =	ssettm $0x1  }
0x92: {  	s4 =	sld [smem:$0x3FFB];
	_ =	sdelay $0x3  }
0x93: {  	_ =	strace s4  }
0x94: {  	s4 =	sld [smem:$0x3FFC];
	_ =	sdelay $0x3  }
0x95: {  	_ =	strace s4  }
0x96: {  	s4 =	sld [smem:$0x3FFD];
	_ =	sdelay $0x3  }
0x97: {  	_ =	strace s4  }
0x98: {  	_ =	strace $0x8FFFFFFF  }
0x99: {  	s20 =	sld [smem:$0x3FDB];
	_ =	sdelay $0x1  }
0x9a: {  	s5 =	simm.s32 $_scs_section_size  }
0x9b: {  	s6 =	simm.s32 $_size__tile_overlayer_lowered;
	s7 =	simm.s32 $_tile_overlayer_lowered  }
0x9c: {  	s23 =	simm.s32 $0x1BFF;
	s22 =	sshll.u32 s7, $0x1;
	s4 =	sadd.s32 s5, s20  }
0x9d: {  	s8 =	simm.s32 $0x0;
	s21 =	sshll.u32 s6, $0x1;
	s6 =	sadd.s32 s22, s4  }
0x9e: {  	[timem:s8], [sflag:s23] =	dma.local [hbm:s6], s21  }
0x9f: {  	_ =	swait.ge [sflag:s23], s21  }
0xa0: {  	s5 =	ssub.s32 $0x0, s21;
	[sflag:s23] =	ssyncset.done $0x0  }
0xa1: {  	[sflag:s23] =	ssyncadd.s32 s5;
	_ =	sdelay $0x1  }
0xa2: {  	s24 =	simm.s32 $0x1B8B  }
0xa3: {  	_ =	swait.ge [sflag:s24], $0x1  }
0xa4: {  	[sflag:s24] =	ssyncset.done $0x0  }
0xa5: {  	s25 =	simm.s32 $0x1B8E;
	[sflag:s24] =	ssyncadd.s32 $0xFFFFFFFF  }
0xa6: {  	s26 =	simm.s32 $execute0_lowered;
	[smem:$0x3FD2] =	sst s25  }
0xa7: {  	s5 =	sshll.u32 s26, $0x1;
	_ =	strace $0x80000046;
	[dreg:$0x1] =	wrdreg $0xFFFFFFFF  }
0xa8: {  	s28 =	simm.s32 $_size_execute0_lowered;
	s4 =	sadd.s32 s4, s5;
	[dreg:$0x0] =	wrdreg $0x0  }
0xa9: {  	s5 =	sshll.u32 s28, $0x1;
	[dreg:$0x2] =	wrdreg s4  }
0xaa: {  	[dreg:$0x3] =	wrdreg s5  }
0xab: {  	[dreg:$0x4] =	wrdreg $0xC0  }
0xac: {  	_ =	task [dreg:s8], $0x5FFFF  }
0xad: {  	[dreg:$0x1] =	wrdreg $0xFFFFFFFF  }
0xae: {  	[dreg:$0x0] =	wrdreg $0x60  }
0xaf: {  	[dreg:$0x2] =	wrdreg s2  }
0xb0: {  	[dreg:$0x3] =	wrdreg s19  }
0xb1: {  	[dreg:$0x4] =	wrdreg $0x9  }
0xb2: {  	_ =	task.clear_ibuf [dreg:s8], $0x5FFFF;
	_ =	strace $0x90000046  }
0xb3: {  	s29 =	simm.s32 $0x9;
	_ =	strace $0x80000048  }
0xb4: {  	_ =	swait.ge [sflag:s29], $0x1  }
0xb5: {  	[sflag:s29] =	ssyncadd.s32 $0xFFFFFFFF  }
0xb6: {  	_ =	strace $0x90000048  }
0xb7: {  	_ =	sfence  }
0xb8: {  	s30 =	sld [smem:$0x0];
	_ =	sdelay $0x2  }
0xb9: {  	s31 =	sshll.u32 s1, $0xD;
	s1 =	sshrl.u32 s1, $0x2  }
0xba: {  	s3 =	sand.u32 $0x4000, s31;
	s1 =	sadd.s32 s1, s30  }
0xbb: {  	s0 =	sor.u32 s3, s0;
	s1 =	sshll.u32 s1, $0x11  }
0xbc: {  	s0 =	sor.u32 s1, s0  }
0xbd: {  	s0 =	sadd.s32 $0x8F2B, s0  }
0xbe: {  	[sflag:s0] =	ssyncadd.remote.s32 $0x1  }
0xbf: {  	_ =	sfence.sel $0xFFFF  }
0xc0: {  	[dreg:$0x0] =	wrdreg $0xFFFFFFFF;
	(pc) =	sbr.abs _section_cstart, $3  }
0xc1: {  	[dreg:$0x1] =	wrdreg $0xFFFFFFFF  }
0xc2: {  	_ =	task.clear_ibuf [dreg:s8], $0x2FFFF;
	_ =	strace $0x9FFFFFFF  }
0xc3: {  	(tm) =	ssettm $0x7FFFFFFF  }
tec
execute0_lowered:
.L_overlay_start_1:
0x0: {  	(tag) =	ssettag $0x1  }
0x1: {  	s2 =	rddreg [dreg:$0x0];
	s1 =	srdreg.scid  }
0x2: {  	s0 =	stileid.u32;
	s3 =	rddreg [dreg:$0x1];
	s4 =	simm.s32 $0x0  }
0x3: {  	s9 =	simm.s32 $0x400;
	s10 =	simm.s32 $0x5;
	s11 =	simm.s32 $0x1000  }
0x4: {  	s12 =	simm.s32 $0x2000;
	s13 =	simm.s32 $0x2;
	s14 =	simm.s32 $0x2100  }
0x5: {  	s15 =	simm.s32 $0x1;
	s16 =	simm.s32 $0x3;
	s17 =	simm.s32 $0x4  }
0x6: {  	s18 =	simm.s32 $0x0;
	s5 =	sand.u32 $0x1, s1;
	s6 =	sshll.u32 s0, $0x1  }
0x7: {  	s1 =	rddreg [dreg:$0x2];
	s6 =	sor.u32 s5, s6;
	s5 =	ssub.s32 $0x2, s5  }
0x8: {  	[smem:$0x7FF] =	sst s4;
	s7 =	smul.u32 $0x18000, s6;
	s8 =	sshrl.u32 s5, $0x1  }
0x9: {  	_ =	strace $0x80000047;
	s8 =	ssub.s32 s5, s8;
	s5 =	smul.u32 $0x180, s6  }
0xa: {  	s6 =	sadd.s32 s2, s7;
	s7 =	smax.u32 s8, $0x1;
	s8 =	simm.s32 $0x100  }
.LBB2_1:
0xb: {  	[tilespmem:s4], [sflag:$0x5] =	stream.strided.gather [hbm4b:s6+s8], $0x1000, s9, s8, $0x38;
	[tilespmem:$0x2200] =	vst v63  }
0xc: {  	_ =	swait.ge [sflag:s10], $0x1000  }
0xd: {  	[sflag:s10] =	ssyncset.done $0x0  }
0xe: {  	s19 =	simm.s32 $0x0;
	[sflag:s10] =	ssyncadd.s32 $0xFFFFF000  }
.LBB2_2:
0xf: {  	s20 =	sshll.u32 s19, $0x2  }
0x10: {  	s21 =	sshll.u32 s19, $0x9;
	s22 =	sadd.s32 s5, s20  }
0x11: {  	s21 =	sand.u32 $0x200, s21;
	s20 =	sshrl.u32 s22, $0x3  }
0x12: {  	s21 =	sor.u32 $0x100, s21;
	s23 =	sshll.u32 s20, $0xE  }
0x13: {  	s23 =	sor.u32 s21, s23  }
0x14: {  	s23 =	sshrl.u32 s23, $0x3  }
0x15: {  	p0 =	seq.s32 s19, $0x0;
	s23 =	sadd.s32 s2, s23  }
0x16: {  	[tilespmem:s11], [sflag:$0x2] =	stream.strided.gather [hbm4b:s23+s8], $0x1000, s9, s8, $0x38;
	[tilespmem:$0x2200] =	vst v63  }
0x17: {  	s23 =	simm.s32 @!p0 $0x3  }
0x18: {  	_ =	swait.ge @!p0 [sflag:s23], $0x100  }
0x19: {  	[sflag:s23] =	ssyncset.done @!p0 $0x0  }
0x1a: {  	[sflag:s23] =	ssyncadd.s32 @!p0 $0xFFFFFF00  }
0x1b: {  	v0 =	vld [tilespmem:$0x0]  }
0x1c: {  	v1 =	vld [tilespmem:$0x10];
	_ =	sdelay $0x3  }
0x1d: {  	(xrf1) =	vsort.dscd.msk.f32 $0xffff, v0, v0  }
0x1e: {  	(xrf1) =	vsort.ascd.msk.f32 $0xffff, v1, v1;
	_ =	sdelay $0xc  }
0x1f: {  	v0 =	vld [tilespmem:$0x20];
	v1, _, _ =	vpop (xrf1)  }
0x20: {  	v2 =	vld [tilespmem:$0x30];
	v3, _, _ =	vpop (xrf1)  }
0x21: {  	v4 =	vmax.f32 v1, v3  }
0x22: {  	v1 =	vmin.f32 v1, v3;
	(xrf1) =	vsort.dscd.msk.f32 $0xffff, v4, v4  }
0x23: {  	(xrf1) =	vsort.dscd.msk.f32 $0xffff, v1, v1  }
0x24: {  	(xrf1) =	vsort.ascd.msk.f32 $0xffff, v0, v0  }
0x25: {  	(xrf1) =	vsort.dscd.msk.f32 $0xffff, v2, v2;
	_ =	sdelay $0xa  }
0x26: {  	v0, _, _ =	vpop (xrf1)  }
0x27: {  	v1, _, _ =	vpop (xrf1)  }
0x28: {  	v2, _, _ =	vpop (xrf1)  }
0x29: {  	v3, _, _ =	vpop (xrf1)  }
0x2a: {  	v4 =	vmin.f32 v2, v3  }
0x2b: {  	v2 =	vmax.f32 v2, v3;
	(xrf1) =	vsort.ascd.msk.f32 $0xffff, v4, v4  }
0x2c: {  	(xrf1) =	vsort.ascd.msk.f32 $0xffff, v2, v2;
	_ =	sdelay $0xc  }
0x2d: {  	v2, _, _ =	vpop (xrf1)  }
0x2e: {  	v3, _, _ =	vpop (xrf1)  }
0x2f: {  	v4 =	vmax.f32 v0, v2;
	v5 =	vmax.f32 v1, v3  }
0x30: {  	v6 =	vld [tilespmem:$0x40];
	v0 =	vmin.f32 v0, v2;
	v2 =	vmax.f32 v4, v5  }
0x31: {  	v7 =	vld [tilespmem:$0x50];
	v1 =	vmin.f32 v1, v3;
	v3 =	vmin.f32 v4, v5;
	(xrf1) =	vsort.dscd.msk.f32 $0xffff, v2, v2  }
0x32: {  	v2 =	vmax.f32 v0, v1;
	(xrf1) =	vsort.dscd.msk.f32 $0xffff, v3, v3  }
0x33: {  	v0 =	vmin.f32 v0, v1;
	(xrf1) =	vsort.dscd.msk.f32 $0xffff, v2, v2  }
0x34: {  	(xrf1) =	vsort.dscd.msk.f32 $0xffff, v0, v0  }
0x35: {  	(xrf1) =	vsort.ascd.msk.f32 $0xffff, v6, v6  }
0x36: {  	(xrf1) =	vsort.dscd.msk.f32 $0xffff, v7, v7;
	_ =	sdelay $0x8  }
0x37: {  	v0, _, _ =	vpop (xrf1)  }
0x38: {  	v1, _, _ =	vpop (xrf1)  }
0x39: {  	v2, _, _ =	vpop (xrf1)  }
0x3a: {  	v3, _, _ =	vpop (xrf1)  }
0x3b: {  	v4 =	vld [tilespmem:$0x60];
	v5, _, _ =	vpop (xrf1)  }
0x3c: {  	v6 =	vld [tilespmem:$0x70];
	v7, _, _ =	vpop (xrf1)  }
0x3d: {  	v8 =	vmin.f32 v5, v7  }
0x3e: {  	v5 =	vmax.f32 v5, v7;
	(xrf1) =	vsort.ascd.msk.f32 $0xffff, v8, v8  }
0x3f: {  	(xrf1) =	vsort.ascd.msk.f32 $0xffff, v5, v5  }
0x40: {  	(xrf1) =	vsort.dscd.msk.f32 $0xffff, v4, v4  }
0x41: {  	(xrf1) =	vsort.ascd.msk.f32 $0xffff, v6, v6;
	_ =	sdelay $0xa  }
0x42: {  	v4, _, _ =	vpop (xrf1)  }
0x43: {  	v5, _, _ =	vpop (xrf1)  }
0x44: {  	v6, _, _ =	vpop (xrf1)  }
0x45: {  	v7, _, _ =	vpop (xrf1)  }
0x46: {  	v8 =	vmax.f32 v6, v7  }
0x47: {  	v6 =	vmin.f32 v6, v7;
	(xrf1) =	vsort.dscd.msk.f32 $0xffff, v8, v8  }
0x48: {  	(xrf1) =	vsort.dscd.msk.f32 $0xffff, v6, v6;
	_ =	sdelay $0xc  }
0x49: {  	v6, _, _ =	vpop (xrf1)  }
0x4a: {  	v7, _, _ =	vpop (xrf1)  }
0x4b: {  	v8 =	vmin.f32 v4, v6;
	v9 =	vmin.f32 v5, v7  }
0x4c: {  	v4 =	vmax.f32 v4, v6;
	v6 =	vmin.f32 v8, v9  }
0x4d: {  	v5 =	vmax.f32 v5, v7;
	v7 =	vmax.f32 v8, v9;
	(xrf1) =	vsort.ascd.msk.f32 $0xffff, v6, v6  }
0x4e: {  	v6 =	vmin.f32 v4, v5;
	(xrf1) =	vsort.ascd.msk.f32 $0xffff, v7, v7  }
0x4f: {  	v4 =	vmax.f32 v4, v5;
	(xrf1) =	vsort.ascd.msk.f32 $0xffff, v6, v6  }
0x50: {  	(xrf1) =	vsort.ascd.msk.f32 $0xffff, v4, v4;
	_ =	sdelay $0xa  }
0x51: {  	v4, _, _ =	vpop (xrf1)  }
0x52: {  	v5, _, _ =	vpop (xrf1)  }
0x53: {  	v6, _, _ =	vpop (xrf1)  }
0x54: {  	v8 =	vmax.f32 v0, v4;
	v0 =	vmin.f32 v0, v4;
	v9 =	vmax.f32 v1, v5;
	v7, _, _ =	vpop (xrf1)  }
0x55: {  	v1 =	vmin.f32 v1, v5;
	v10 =	vmax.f32 v2, v6;
	v11 =	vmax.f32 v3, v7  }
0x56: {  	v2 =	vmin.f32 v2, v6;
	v4 =	vmax.f32 v8, v10;
	v5 =	vmax.f32 v9, v11  }
0x57: {  	v3 =	vmin.f32 v3, v7;
	v6 =	vmin.f32 v8, v10;
	v7 =	vmax.f32 v4, v5  }
0x58: {  	v8 =	vmin.f32 v9, v11;
	v4 =	vmin.f32 v4, v5;
	(xrf1) =	vsort.dscd.msk.f32 $0xffff, v7, v7  }
0x59: {  	v5 =	vmax.f32 v6, v8;
	v6 =	vmin.f32 v6, v8;
	(xrf1) =	vsort.dscd.msk.f32 $0xffff, v4, v4  }
0x5a: {  	v4 =	vmax.f32 v0, v2;
	(xrf1) =	vsort.dscd.msk.f32 $0xffff, v5, v5;
	v5 =	vmax.f32 v1, v3  }
0x5b: {  	v0 =	vmin.f32 v0, v2;
	(xrf1) =	vsort.dscd.msk.f32 $0xffff, v6, v6;
	v2 =	vmax.f32 v4, v5;
	v6 =	vld [tilespmem:$0x80]  }
0x5c: {  	v1 =	vmin.f32 v1, v3;
	v3 =	vmin.f32 v4, v5;
	(xrf1) =	vsort.dscd.msk.f32 $0xffff, v2, v2;
	v2 =	vld [tilespmem:$0x90]  }
0x5d: {  	v4 =	vmax.f32 v0, v1;
	(xrf1) =	vsort.dscd.msk.f32 $0xffff, v3, v3  }
0x5e: {  	v0 =	vmin.f32 v0, v1;
	(xrf1) =	vsort.dscd.msk.f32 $0xffff, v4, v4  }
0x5f: {  	(xrf1) =	vsort.dscd.msk.f32 $0xffff, v0, v0  }
0x60: {  	(xrf1) =	vsort.dscd.msk.f32 $0xffff, v6, v6  }
0x61: {  	(xrf1) =	vsort.ascd.msk.f32 $0xffff, v2, v2;
	_ =	sdelay $0x4  }
0x62: {  	v7, _, _ =	vpop (xrf1)  }
0x63: {  	v6, _, _ =	vpop (xrf1)  }
0x64: {  	v5, _, _ =	vpop (xrf1)  }
0x65: {  	v4, _, _ =	vpop (xrf1)  }
0x66: {  	v3, _, _ =	vpop (xrf1)  }
0x67: {  	v2, _, _ =	vpop (xrf1)  }
0x68: {  	v1, _, _ =	vpop (xrf1)  }
0x69: {  	v0, _, _ =	vpop (xrf1)  }
0x6a: {  	v8 =	vld [tilespmem:$0xA0];
	v9, _, _ =	vpop (xrf1)  }
0x6b: {  	v10 =	vld [tilespmem:$0xB0];
	v11, _, _ =	vpop (xrf1)  }
0x6c: {  	v12 =	vmax.f32 v9, v11  }
0x6d: {  	v9 =	vmin.f32 v9, v11;
	(xrf1) =	vsort.dscd.msk.f32 $0xffff, v12, v12  }
0x6e: {  	(xrf1) =	vsort.dscd.msk.f32 $0xffff, v9, v9  }
0x6f: {  	(xrf1) =	vsort.ascd.msk.f32 $0xffff, v8, v8  }
0x70: {  	(xrf1) =	vsort.dscd.msk.f32 $0xffff, v10, v10;
	_ =	sdelay $0xa  }
0x71: {  	v8, _, _ =	vpop (xrf1)  }
0x72: {  	v9, _, _ =	vpop (xrf1)  }
0x73: {  	v10, _, _ =	vpop (xrf1)  }
0x74: {  	v11, _, _ =	vpop (xrf1)  }
0x75: {  	v12 =	vmin.f32 v10, v11  }
0x76: {  	v10 =	vmax.f32 v10, v11;
	(xrf1) =	vsort.ascd.msk.f32 $0xffff, v12, v12  }
0x77: {  	(xrf1) =	vsort.ascd.msk.f32 $0xffff, v10, v10;
	_ =	sdelay $0xc  }
0x78: {  	v10, _, _ =	vpop (xrf1)  }
0x79: {  	v11, _, _ =	vpop (xrf1)  }
0x7a: {  	v12 =	vmax.f32 v8, v10;
	v13 =	vmax.f32 v9, v11  }
0x7b: {  	v14 =	vld [tilespmem:$0xC0];
	v8 =	vmin.f32 v8, v10;
	v10 =	vmax.f32 v12, v13  }
0x7c: {  	v15 =	vld [tilespmem:$0xD0];
	v9 =	vmin.f32 v9, v11;
	v11 =	vmin.f32 v12, v13;
	(xrf1) =	vsort.dscd.msk.f32 $0xffff, v10, v10  }
0x7d: {  	v10 =	vmax.f32 v8, v9;
	(xrf1) =	vsort.dscd.msk.f32 $0xffff, v11, v11  }
0x7e: {  	v8 =	vmin.f32 v8, v9;
	(xrf1) =	vsort.dscd.msk.f32 $0xffff, v10, v10  }
0x7f: {  	(xrf1) =	vsort.dscd.msk.f32 $0xffff, v8, v8  }
0x80: {  	(xrf1) =	vsort.ascd.msk.f32 $0xffff, v14, v14  }
0x81: {  	(xrf1) =	vsort.dscd.msk.f32 $0xffff, v15, v15;
	_ =	sdelay $0x8  }
0x82: {  	v8, _, _ =	vpop (xrf1)  }
0x83: {  	v9, _, _ =	vpop (xrf1)  }
0x84: {  	v10, _, _ =	vpop (xrf1)  }
0x85: {  	v11, _, _ =	vpop (xrf1)  }
0x86: {  	v12 =	vld [tilespmem:$0xE0];
	v13, _, _ =	vpop (xrf1)  }
0x87: {  	v14 =	vld [tilespmem:$0xF0];
	v15, _, _ =	vpop (xrf1)  }
0x88: {  	v16 =	vmin.f32 v13, v15  }
0x89: {  	v13 =	vmax.f32 v13, v15;
	(xrf1) =	vsort.ascd.msk.f32 $0xffff, v16, v16  }
0x8a: {  	(xrf1) =	vsort.ascd.msk.f32 $0xffff, v13, v13  }
0x8b: {  	(xrf1) =	vsort.dscd.msk.f32 $0xffff, v12, v12  }
0x8c: {  	(xrf1) =	vsort.ascd.msk.f32 $0xffff, v14, v14;
	_ =	sdelay $0xa  }
0x8d: {  	v12, _, _ =	vpop (xrf1)  }
0x8e: {  	v13, _, _ =	vpop (xrf1)  }
0x8f: {  	v14, _, _ =	vpop (xrf1)  }
0x90: {  	v15, _, _ =	vpop (xrf1)  }
0x91: {  	v16 =	vmax.f32 v14, v15  }
0x92: {  	v14 =	vmin.f32 v14, v15;
	(xrf1) =	vsort.dscd.msk.f32 $0xffff, v16, v16  }
0x93: {  	(xrf1) =	vsort.dscd.msk.f32 $0xffff, v14, v14;
	_ =	sdelay $0xc  }
0x94: {  	v14, _, _ =	vpop (xrf1)  }
0x95: {  	v15, _, _ =	vpop (xrf1)  }
0x96: {  	v16 =	vmin.f32 v12, v14;
	v17 =	vmin.f32 v13, v15  }
0x97: {  	v12 =	vmax.f32 v12, v14;
	v14 =	vmin.f32 v16, v17  }
0x98: {  	v13 =	vmax.f32 v13, v15;
	v15 =	vmax.f32 v16, v17;
	(xrf1) =	vsort.ascd.msk.f32 $0xffff, v14, v14  }
0x99: {  	v14 =	vmin.f32 v12, v13;
	(xrf1) =	vsort.ascd.msk.f32 $0xffff, v15, v15  }
0x9a: {  	v12 =	vmax.f32 v12, v13;
	(xrf1) =	vsort.ascd.msk.f32 $0xffff, v14, v14  }
0x9b: {  	(xrf1) =	vsort.ascd.msk.f32 $0xffff, v12, v12;
	_ =	sdelay $0xa  }
0x9c: {  	v12, _, _ =	vpop (xrf1)  }
0x9d: {  	v13, _, _ =	vpop (xrf1)  }
0x9e: {  	v14, _, _ =	vpop (xrf1)  }
0x9f: {  	v16 =	vmax.f32 v8, v12;
	v8 =	vmin.f32 v8, v12;
	v17 =	vmax.f32 v9, v13;
	v15, _, _ =	vpop (xrf1)  }
0xa0: {  	v9 =	vmin.f32 v9, v13;
	v18 =	vmax.f32 v10, v14;
	v19 =	vmax.f32 v11, v15  }
0xa1: {  	v10 =	vmin.f32 v10, v14;
	v12 =	vmax.f32 v16, v18;
	v13 =	vmax.f32 v17, v19  }
0xa2: {  	v11 =	vmin.f32 v11, v15;
	v14 =	vmin.f32 v16, v18;
	v15 =	vmax.f32 v12, v13  }
0xa3: {  	v16 =	vmin.f32 v17, v19;
	v12 =	vmin.f32 v12, v13;
	(xrf1) =	vsort.dscd.msk.f32 $0xffff, v15, v15  }
0xa4: {  	v13 =	vmax.f32 v14, v16;
	v14 =	vmin.f32 v14, v16;
	(xrf1) =	vsort.dscd.msk.f32 $0xffff, v12, v12  }
0xa5: {  	s30 =	simm.s32 $0x0;
	v12 =	vmax.f32 v8, v10;
	(xrf1) =	vsort.dscd.msk.f32 $0xffff, v13, v13;
	v13 =	vmax.f32 v9, v11  }
0xa6: {  	v8 =	vmin.f32 v8, v10;
	(xrf1) =	vsort.dscd.msk.f32 $0xffff, v14, v14;
	v10 =	vmax.f32 v12, v13;
	v14 =	vld [tilespmem:s30+$0x100]  }
0xa7: {  	v9 =	vmin.f32 v9, v11;
	v11 =	vmin.f32 v12, v13;
	(xrf1) =	vsort.dscd.msk.f32 $0xffff, v10, v10;
	v10 =	vld [tilespmem:s30+$0x110]  }
0xa8: {  	v12 =	vmax.f32 v8, v9;
	(xrf1) =	vsort.dscd.msk.f32 $0xffff, v11, v11;
	v11 =	vld [tilespmem:s30+$0x120]  }
0xa9: {  	v8 =	vmin.f32 v8, v9;
	v9 =	vld [tilespmem:s30+$0x130];
	(xrf1) =	vsort.dscd.msk.f32 $0xffff, v12, v12  }
0xaa: {  	(xrf1) =	vsort.dscd.msk.f32 $0xffff, v8, v8  }
0xab: {  	v8 =	vld [tilespmem:s30+$0x140];
	(xrf1) =	vsort.ascd.msk.f32 $0xffff, v14, v14  }
0xac: {  	v12 =	vld [tilespmem:s30+$0x150];
	(xrf1) =	vsort.dscd.msk.f32 $0xffff, v10, v10  }
0xad: {  	v10 =	vld [tilespmem:s30+$0x160];
	(xrf1) =	vsort.dscd.msk.f32 $0xffff, v11, v11  }
0xae: {  	v13 =	vld [tilespmem:s30+$0x170];
	(xrf1) =	vsort.ascd.msk.f32 $0xffff, v9, v9  }
0xaf: {  	v11 =	vld [tilespmem:s30+$0x180]  }
0xb0: {  	v14 =	vld [tilespmem:s30+$0x190];
	(xrf1) =	vsort.dscd.msk.f32 $0xffff, v8, v8  }
0xb1: {  	v15 =	vld [tilespmem:s30+$0x1A0];
	(xrf1) =	vsort.ascd.msk.f32 $0xffff, v12, v12;
	v8, _, _ =	vpop (xrf1)  }
0xb2: {  	v12 =	vld [tilespmem:s30+$0x1B0];
	(xrf1) =	vsort.ascd.msk.f32 $0xffff, v10, v10;
	v9, _, _ =	vpop (xrf1)  }
0xb3: {  	v16 =	vld [tilespmem:s30+$0x1C0];
	(xrf1) =	vsort.dscd.msk.f32 $0xffff, v13, v13;
	v10, _, _ =	vpop (xrf1)  }
0xb4: {  	v17 =	vld [tilespmem:s30+$0x1D0];
	(xrf1) =	vsort.ascd.msk.f32 $0xffff, v11, v11;
	v11, _, _ =	vpop (xrf1)  }
0xb5: {  	v18 =	vld [tilespmem:s30+$0x1E0];
	(xrf1) =	vsort.dscd.msk.f32 $0xffff, v14, v14;
	v13, _, _ =	vpop (xrf1)  }
0xb6: {  	v19 =	vld [tilespmem:s30+$0x1F0];
	(xrf1) =	vsort.dscd.msk.f32 $0xffff, v15, v15;
	v15, _, _ =	vpop (xrf1)  }
0xb7: {  	(xrf1) =	vsort.ascd.msk.f32 $0xffff, v12, v12;
	v14, _, _ =	vpop (xrf1)  }
0xb8: {  	(xrf1) =	vsort.dscd.msk.f32 $0xffff, v16, v16;
	v16, _, _ =	vpop (xrf1)  }
0xb9: {  	(xrf1) =	vsort.ascd.msk.f32 $0xffff, v17, v17;
	v12, _, _ =	vpop (xrf1)  }
0xba: {  	(xrf1) =	vsort.ascd.msk.f32 $0xffff, v18, v18;
	v17, _, _ =	vpop (xrf1)  }
0xbb: {  	(xrf1) =	vsort.dscd.msk.f32 $0xffff, v19, v19;
	v18, _, _ =	vpop (xrf1);
	v19 =	vmin.f32 v12, v17  }
0xbc: {  	v12 =	vmax.f32 v12, v17;
	v20, _, _ =	vpop (xrf1);
	(xrf1) =	vsort.ascd.msk.f32 $0xffff, v19, v19  }
0xbd: {  	(xrf1) =	vsort.ascd.msk.f32 $0xffff, v12, v12;
	v12 =	vmax.f32 v18, v20  }
0xbe: {  	v17, _, _ =	vpop (xrf1);
	v18 =	vmin.f32 v18, v20  }
0xbf: {  	v19, _, _ =	vpop (xrf1);
	(xrf1) =	vsort.dscd.msk.f32 $0xffff, v12, v12  }
0xc0: {  	v33 =	vmax.f32 v17, v19;
	v17 =	vmin.f32 v17, v19;
	v12, _, _ =	vpop (xrf1);
	(xrf1) =	vsort.dscd.msk.f32 $0xffff, v18, v18  }
0xc1: {  	v18, _, _ =	vpop (xrf1)  }
0xc2: {  	(xrf1) =	vsort.dscd.msk.f32 $0xffff, v33, v33;
	v19, _, _ =	vpop (xrf1);
	v34 =	vmin.f32 v12, v18;
	v12 =	vmax.f32 v12, v18  }
0xc3: {  	(xrf1) =	vsort.dscd.msk.f32 $0xffff, v17, v17;
	v17, _, _ =	vpop (xrf1)  }
0xc4: {  	(xrf1) =	vsort.ascd.msk.f32 $0xffff, v34, v34;
	v18, _, _ =	vpop (xrf1);
	v35 =	vmin.f32 v19, v17;
	v17 =	vmax.f32 v19, v17  }
0xc5: {  	(xrf1) =	vsort.ascd.msk.f32 $0xffff, v12, v12;
	v12, _, _ =	vpop (xrf1)  }
0xc6: {  	(xrf1) =	vsort.ascd.msk.f32 $0xffff, v35, v35;
	v19, _, _ =	vpop (xrf1);
	v36 =	vmax.f32 v18, v12;
	v12 =	vmin.f32 v18, v12  }
0xc7: {  	(xrf1) =	vsort.ascd.msk.f32 $0xffff, v17, v17;
	v17, _, _ =	vpop (xrf1)  }
0xc8: {  	(xrf1) =	vsort.dscd.msk.f32 $0xffff, v36, v36;
	v18, _, _ =	vpop (xrf1);
	v37 =	vmax.f32 v19, v17;
	v17 =	vmin.f32 v19, v17  }
0xc9: {  	s31 =	simm.s32 $0x100;
	(xrf1) =	vsort.dscd.msk.f32 $0xffff, v12, v12;
	v12, _, _ =	vpop (xrf1)  }
0xca: {  	v19 =	vld [tilespmem:s31+$0x100];
	(xrf1) =	vsort.dscd.msk.f32 $0xffff, v37, v37;
	v38 =	vmin.f32 v18, v12;
	v12 =	vmax.f32 v18, v12  }
0xcb: {  	(xrf1) =	vsort.dscd.msk.f32 $0xffff, v17, v17;
	v17, _, _ =	vpop (xrf1)  }
0xcc: {  	(xrf1) =	vsort.ascd.msk.f32 $0xffff, v38, v38;
	v18, _, _ =	vpop (xrf1)  }
0xcd: {  	v21 =	vld [tilespmem:s31+$0x110];
	(xrf1) =	vsort.ascd.msk.f32 $0xffff, v12, v12;
	v12, _, _ =	vpop (xrf1)  }
0xce: {  	v39, _, _ =	vpop (xrf1)  }
0xcf: {  	(xrf1) =	vsort.ascd.msk.f32 $0xffff, v19, v19;
	v19 =	vmin.f32 v17, v12;
	v22 =	vmin.f32 v18, v39  }
0xd0: {  	v12 =	vmax.f32 v17, v12;
	v17 =	vmin.f32 v19, v22  }
0xd1: {  	v23, _, _ =	vpop (xrf1);
	v19 =	vmax.f32 v19, v22  }
0xd2: {  	(xrf1) =	vsort.dscd.msk.f32 $0xffff, v21, v21;
	v40, _, _ =	vpop (xrf1)  }
0xd3: {  	v18 =	vmax.f32 v18, v39;
	(xrf1) =	vsort.ascd.msk.f32 $0xffff, v17, v17;
	v17, _, _ =	vpop (xrf1)  }
0xd4: {  	v20 =	vmin.f32 v12, v18;
	v12 =	vmax.f32 v12, v18;
	(xrf1) =	vsort.ascd.msk.f32 $0xffff, v19, v19;
	v19, _, _ =	vpop (xrf1)  }
0xd5: {  	v41 =	vmax.f32 v23, v17;
	v18 =	vmax.f32 v40, v19  }
0xd6: {  	(xrf1) =	vsort.ascd.msk.f32 $0xffff, v20, v20;
	v42, _, _ =	vpop (xrf1);
	v43 =	vmax.f32 v41, v18;
	v18 =	vmin.f32 v41, v18  }
0xd7: {  	(xrf1) =	vsort.ascd.msk.f32 $0xffff, v12, v12;
	v12, _, _ =	vpop (xrf1)  }
0xd8: {  	v17 =	vmin.f32 v23, v17;
	v19 =	vmin.f32 v40, v19;
	(xrf1) =	vsort.dscd.msk.f32 $0xffff, v43, v43;
	v44, _, _ =	vpop (xrf1)  }
0xd9: {  	v45 =	vmax.f32 v17, v19;
	v17 =	vmin.f32 v17, v19;
	(xrf1) =	vsort.dscd.msk.f32 $0xffff, v18, v18;
	v18, _, _ =	vpop (xrf1)  }
0xda: {  	v46 =	vmin.f32 v42, v44;
	v19 =	vmin.f32 v12, v18  }
0xdb: {  	(xrf1) =	vsort.dscd.msk.f32 $0xffff, v45, v45;
	v47, _, _ =	vpop (xrf1);
	v12 =	vmax.f32 v12, v18;
	v18 =	vmax.f32 v46, v19  }
0xdc: {  	(xrf1) =	vsort.dscd.msk.f32 $0xffff, v17, v17;
	v48 =	vmin.f32 v46, v19;
	v17, _, _ =	vpop (xrf1)  }
0xdd: {  	v20 =	vmax.f32 v42, v44;
	(xrf1) =	vsort.ascd.msk.f32 $0xffff, v48, v48;
	v19, _, _ =	vpop (xrf1)  }
0xde: {  	v49 =	vmin.f32 v20, v12;
	v12 =	vmax.f32 v20, v12;
	(xrf1) =	vsort.ascd.msk.f32 $0xffff, v18, v18;
	v18, _, _ =	vpop (xrf1)  }
0xdf: {  	v50 =	vmax.f32 v47, v19;
	(xrf1) =	vsort.ascd.msk.f32 $0xffff, v49, v49;
	v51 =	vmax.f32 v17, v18  }
0xe0: {  	v52 =	vld [tilespmem:s31+$0x120];
	v19 =	vmin.f32 v47, v19;
	(xrf1) =	vsort.ascd.msk.f32 $0xffff, v12, v12;
	v53 =	vmax.f32 v50, v51  }
0xe1: {  	v12 =	vld [tilespmem:s31+$0x130];
	v27, _, _ =	vpop (xrf1);
	v17 =	vmin.f32 v17, v18;
	v18 =	vmin.f32 v50, v51;
	(xrf1) =	vsort.dscd.msk.f32 $0xffff, v53, v53  }
0xe2: {  	v54 =	vld [tilespmem:s31+$0x140];
	v28, _, _ =	vpop (xrf1);
	v55 =	vmax.f32 v19, v17;
	(xrf1) =	vsort.dscd.msk.f32 $0xffff, v18, v18  }
0xe3: {  	v17 =	vmin.f32 v19, v17;
	v19, _, _ =	vpop (xrf1);
	v18 =	vld [tilespmem:s31+$0x150];
	(xrf1) =	vsort.dscd.msk.f32 $0xffff, v55, v55  }
0xe4: {  	v56 =	vld [tilespmem:s31+$0x160];
	v57, _, _ =	vpop (xrf1);
	(xrf1) =	vsort.dscd.msk.f32 $0xffff, v17, v17  }
0xe5: {  	v58, _, _ =	vpop (xrf1);
	v17 =	vld [tilespmem:s31+$0x170];
	(xrf1) =	vsort.dscd.msk.f32 $0xffff, v52, v52  }
0xe6: {  	v24 =	vld [tilespmem:s31+$0x180];
	(xrf1) =	vsort.ascd.msk.f32 $0xffff, v12, v12;
	v12, _, _ =	vpop (xrf1)  }
0xe7: {  	v25 =	vld [tilespmem:s31+$0x190];
	(xrf1) =	vsort.dscd.msk.f32 $0xffff, v54, v54;
	v59, _, _ =	vpop (xrf1)  }
0xe8: {  	v26 =	vld [tilespmem:s31+$0x1A0];
	(xrf1) =	vsort.ascd.msk.f32 $0xffff, v18, v18;
	v18, _, _ =	vpop (xrf1)  }
0xe9: {  	v29 =	vld [tilespmem:s31+$0x1B0];
	(xrf1) =	vsort.ascd.msk.f32 $0xffff, v56, v56;
	v60, _, _ =	vpop (xrf1)  }
0xea: {  	v30 =	vld [tilespmem:s31+$0x1C0];
	(xrf1) =	vsort.dscd.msk.f32 $0xffff, v17, v17;
	v17, _, _ =	vpop (xrf1)  }
0xeb: {  	(xrf1) =	vsort.ascd.msk.f32 $0xffff, v24, v24;
	v24, _, _ =	vpop (xrf1)  }
0xec: {  	v31 =	vmin.f32 v57, v18;
	v18 =	vmax.f32 v57, v18;
	(xrf1) =	vsort.dscd.msk.f32 $0xffff, v25, v25;
	v25, _, _ =	vpop (xrf1)  }
0xed: {  	v33 =	vmin.f32 v58, v60;
	v21 =	vmax.f32 v58, v60;
	(xrf1) =	vsort.dscd.msk.f32 $0xffff, v26, v26;
	v26, _, _ =	vpop (xrf1)  }
0xee: {  	v34 =	vmin.f32 v12, v17;
	v12 =	vmax.f32 v12, v17;
	(xrf1) =	vsort.ascd.msk.f32 $0xffff, v29, v29;
	v29, _, _ =	vpop (xrf1)  }
0xef: {  	(xrf1) =	vsort.dscd.msk.f32 $0xffff, v30, v30;
	v30 =	vmin.f32 v19, v59;
	v32, _, _ =	vpop (xrf1);
	v19 =	vmax.f32 v19, v59  }
0xf0: {  	v61, _, _ =	vpop (xrf1);
	v62 =	vmin.f32 v24, v32;
	v32 =	vmax.f32 v24, v32;
	v40 =	vmin.f32 v30, v33  }
0xf1: {  	v24 =	vmin.f32 v31, v34;
	v17, _, _ =	vpop (xrf1);
	v35 =	vmin.f32 v25, v61;
	v38 =	vmax.f32 v25, v61  }
0xf2: {  	v25 =	vmin.f32 v40, v24;
	v20 =	vmax.f32 v40, v24;
	v63 =	vmin.f32 v26, v17  }
0xf3: {  	v36, _, _ =	vpop (xrf1);
	v26 =	vmax.f32 v26, v17;
	v17 =	vmax.f32 v30, v33;
	v30 =	vmax.f32 v31, v34  }
0xf4: {  	(xrf1) =	vsort.ascd.msk.f32 $0xffff, v25, v25;
	v25 =	vmin.f32 v19, v21;
	v37 =	vmin.f32 v29, v36  }
0xf5: {  	v29 =	vmax.f32 v29, v36;
	v24 =	vmin.f32 v17, v30;
	(xrf1) =	vsort.ascd.msk.f32 $0xffff, v20, v20  }
0xf6: {  	v41 =	vmax.f32 v17, v30;
	v30 =	vmin.f32 v18, v12;
	(xrf1) =	vsort.ascd.msk.f32 $0xffff, v24, v24  }
0xf7: {  	v12 =	vmax.f32 v18, v12;
	v42 =	vmin.f32 v25, v30;
	v17, _, _ =	vpop (xrf1);
	(xrf1) =	vsort.ascd.msk.f32 $0xffff, v41, v41  }
0xf8: {  	v24 =	vmax.f32 v19, v21;
	v43 =	vmax.f32 v25, v30;
	v19, _, _ =	vpop (xrf1);
	(xrf1) =	vsort.ascd.msk.f32 $0xffff, v42, v42  }
0xf9: {  	v30 =	vmin.f32 v62, v63;
	v25 =	vmin.f32 v24, v12;
	v18, _, _ =	vpop (xrf1);
	(xrf1) =	vsort.ascd.msk.f32 $0xffff, v43, v43  }
0xfa: {  	v12 =	vmax.f32 v24, v12;
	v24 =	vmin.f32 v35, v37;
	v44, _, _ =	vpop (xrf1);
	(xrf1) =	vsort.ascd.msk.f32 $0xffff, v25, v25  }
0xfb: {  	v31 =	vmax.f32 v62, v63;
	v46 =	vmin.f32 v30, v24;
	v45, _, _ =	vpop (xrf1);
	(xrf1) =	vsort.ascd.msk.f32 $0xffff, v12, v12  }
0xfc: {  	v24 =	vmax.f32 v30, v24;
	v12 =	vmax.f32 v35, v37;
	v47, _, _ =	vpop (xrf1);
	(xrf1) =	vsort.ascd.msk.f32 $0xffff, v46, v46  }
0xfd: {  	v49 =	vmin.f32 v32, v26;
	v30 =	vmin.f32 v31, v12;
	v48, _, _ =	vpop (xrf1);
	(xrf1) =	vsort.ascd.msk.f32 $0xffff, v24, v24  }
0xfe: {  	v12 =	vmax.f32 v31, v12;
	v31 =	vmin.f32 v38, v29;
	v25, _, _ =	vpop (xrf1);
	(xrf1) =	vsort.ascd.msk.f32 $0xffff, v30, v30  }
0xff: {  	v50 =	vmin.f32 v49, v31;
	v30 =	vmax.f32 v32, v26;
	v24, _, _ =	vpop (xrf1);
	(xrf1) =	vsort.ascd.msk.f32 $0xffff, v12, v12  }
0x100: {  	v29 =	vmax.f32 v38, v29;
	v31 =	vmax.f32 v49, v31;
	v26, _, _ =	vpop (xrf1);
	(xrf1) =	vsort.ascd.msk.f32 $0xffff, v50, v50  }
0x101: {  	v51 =	vld [tilespmem:s31+$0x1D0];
	v52 =	vmin.f32 v30, v29;
	v29 =	vmax.f32 v30, v29;
	v12, _, _ =	vpop (xrf1);
	(xrf1) =	vsort.ascd.msk.f32 $0xffff, v31, v31  }
0x102: {  	v31 =	vld [tilespmem:s31+$0x1E0];
	v30, _, _ =	vpop (xrf1);
	(xrf1) =	vsort.ascd.msk.f32 $0xffff, v52, v52  }
0x103: {  	v53 =	vld [tilespmem:s31+$0x1F0];
	v54, _, _ =	vpop (xrf1);
	(xrf1) =	vsort.ascd.msk.f32 $0xffff, v29, v29  }
0x104: {  	v29, _, _ =	vpop (xrf1)  }
0x105: {  	v55, _, _ =	vpop (xrf1)  }
0x106: {  	v57 =	vmin.f32 v27, v28;
	v27 =	vmax.f32 v27, v28;
	(xrf1) =	vsort.ascd.msk.f32 $0xffff, v51, v51;
	v56, _, _ =	vpop (xrf1)  }
0x107: {  	v7 =	vmax.f32 v7, v30;
	v6 =	vmax.f32 v6, v54;
	(xrf1) =	vsort.ascd.msk.f32 $0xffff, v31, v31;
	v31, _, _ =	vpop (xrf1)  }
0x108: {  	v5 =	vmax.f32 v5, v29;
	v4 =	vmax.f32 v4, v55;
	(xrf1) =	vsort.dscd.msk.f32 $0xffff, v53, v53;
	v28, _, _ =	vpop (xrf1)  }
0x109: {  	v3 =	vmax.f32 v3, v56;
	v2 =	vmax.f32 v2, v31;
	(xrf1) =	vsort.ascd.msk.f32 $0xffff, v57, v57;
	v29, _, _ =	vpop (xrf1)  }
0x10a: {  	v1 =	vmax.f32 v1, v28;
	v28 =	vmin.f32 v7, v3;
	v31 =	vmin.f32 v6, v2;
	v30, _, _ =	vpop (xrf1)  }
0x10b: {  	(xrf1) =	vsort.ascd.msk.f32 $0xffff, v27, v27;
	v3 =	vmax.f32 v7, v3;
	v0 =	vmax.f32 v0, v29;
	v29, _, _ =	vpop (xrf1)  }
0x10c: {  	v2 =	vmax.f32 v6, v2;
	v58 =	vmin.f32 v5, v1;
	v59 =	vmin.f32 v4, v0;
	v60, _, _ =	vpop (xrf1)  }
0x10d: {  	v1 =	vmax.f32 v5, v1;
	v61 =	vmin.f32 v28, v58;
	v62 =	vmin.f32 v31, v59;
	v63, _, _ =	vpop (xrf1)  }
0x10e: {  	v6 =	vmax.f32 v8, v30;
	v0 =	vmax.f32 v4, v0;
	v7 =	vmin.f32 v61, v62;
	v27, _, _ =	vpop (xrf1)  }
0x10f: {  	v8 =	vmax.f32 v10, v60;
	(xrf1) =	vsort.dscd.msk.f32 $0xffff, v7, v7;
	v7 =	vmax.f32 v9, v29;
	v5, _, _ =	vpop (xrf1)  }
0x110: {  	v10 =	vmax.f32 v11, v63;
	v11 =	vmax.f32 v13, v27;
	v9, _, _ =	vpop (xrf1);
	v5 =	vmax.f32 v15, v5  }
0x111: {  	v13, _, _ =	vpop (xrf1);
	v9 =	vmax.f32 v14, v9;
	v14 =	vmin.f32 v6, v11;
	v15 =	vmin.f32 v7, v5  }
0x112: {  	v6 =	vmax.f32 v6, v11;
	v5 =	vmax.f32 v7, v5;
	v13 =	vmax.f32 v16, v13  }
0x113: {  	v16 =	vmin.f32 v8, v9;
	v7 =	vmax.f32 v8, v9;
	v27 =	vmin.f32 v10, v13  }
0x114: {  	v11 =	vmin.f32 v14, v16;
	v8 =	vmax.f32 v10, v13;
	v29 =	vmin.f32 v15, v27  }
0x115: {  	v10 =	vmax.f32 v6, v7;
	v13 =	vmax.f32 v5, v8;
	v9 =	vmin.f32 v11, v29  }
0x116: {  	v6 =	vmin.f32 v6, v7;
	v7 =	vmax.f32 v10, v13;
	(xrf1) =	vsort.dscd.msk.f32 $0xffff, v9, v9  }
0x117: {  	v5 =	vmin.f32 v5, v8;
	v8 =	vmin.f32 v10, v13;
	(xrf1) =	vsort.dscd.msk.f32 $0xffff, v7, v7  }
0x118: {  	v9 =	vmax.f32 v6, v5;
	v5 =	vmin.f32 v6, v5;
	(xrf1) =	vsort.dscd.msk.f32 $0xffff, v8, v8  }
0x119: {  	v7 =	vmax.f32 v14, v16;
	v8 =	vmax.f32 v15, v27;
	(xrf1) =	vsort.dscd.msk.f32 $0xffff, v9, v9  }
0x11a: {  	v4 =	vmax.f32 v7, v8;
	v6 =	vmin.f32 v7, v8;
	(xrf1) =	vsort.dscd.msk.f32 $0xffff, v5, v5  }
0x11b: {  	v7 =	vmax.f32 v2, v0;
	v0 =	vmin.f32 v2, v0;
	(xrf1) =	vsort.dscd.msk.f32 $0xffff, v4, v4  }
0x11c: {  	v5 =	vmax.f32 v3, v1;
	v4 =	vmax.f32 v11, v29;
	(xrf1) =	vsort.dscd.msk.f32 $0xffff, v6, v6  }
0x11d: {  	v1 =	vmin.f32 v3, v1;
	v3 =	vmax.f32 v5, v7;
	(xrf1) =	vsort.dscd.msk.f32 $0xffff, v4, v4  }
0x11e: {  	v13, _, _ =	vpop (xrf1);
	v2 =	vmin.f32 v5, v7;
	v4 =	vmax.f32 v1, v0;
	(xrf1) =	vsort.dscd.msk.f32 $0xffff, v3, v3  }
0x11f: {  	v15, _, _ =	vpop (xrf1);
	v3 =	vmax.f32 v28, v58;
	(xrf1) =	vsort.dscd.msk.f32 $0xffff, v2, v2;
	v2 =	vmax.f32 v31, v59  }
0x120: {  	v16, _, _ =	vpop (xrf1);
	v0 =	vmin.f32 v1, v0;
	(xrf1) =	vsort.dscd.msk.f32 $0xffff, v4, v4;
	v1 =	vmax.f32 v3, v2  }
0x121: {  	v27, _, _ =	vpop (xrf1);
	(xrf1) =	vsort.dscd.msk.f32 $0xffff, v0, v0;
	v0 =	vmin.f32 v3, v2  }
0x122: {  	v28, _, _ =	vpop (xrf1);
	v2 =	vmax.f32 v61, v62;
	(xrf1) =	vsort.dscd.msk.f32 $0xffff, v1, v1  }
0x123: {  	v3 =	vmax.f32 v17, v19;
	v1, _, _ =	vpop (xrf1);
	(xrf1) =	vsort.dscd.msk.f32 $0xffff, v0, v0  }
0x124: {  	v4 =	vmin.f32 v17, v19;
	v0, _, _ =	vpop (xrf1);
	(xrf1) =	vsort.dscd.msk.f32 $0xffff, v2, v2  }
0x125: {  	v5 =	vmax.f32 v18, v44;
	(xrf1) =	vsort.dscd.msk.f32 $0xffff, v3, v3;
	v2, _, _ =	vpop (xrf1)  }
0x126: {  	v6 =	vmin.f32 v18, v44;
	(xrf1) =	vsort.dscd.msk.f32 $0xffff, v4, v4;
	v3, _, _ =	vpop (xrf1)  }
0x127: {  	v7 =	vmin.f32 v45, v47;
	(xrf1) =	vsort.dscd.msk.f32 $0xffff, v5, v5;
	v4, _, _ =	vpop (xrf1)  }
0x128: {  	v8 =	vmax.f32 v45, v47;
	(xrf1) =	vsort.dscd.msk.f32 $0xffff, v6, v6;
	v5, _, _ =	vpop (xrf1)  }
0x129: {  	v9 =	vmin.f32 v48, v25;
	(xrf1) =	vsort.ascd.msk.f32 $0xffff, v7, v7;
	v6, _, _ =	vpop (xrf1)  }
0x12a: {  	v10 =	vmax.f32 v48, v25;
	(xrf1) =	vsort.ascd.msk.f32 $0xffff, v8, v8;
	v7, _, _ =	vpop (xrf1)  }
0x12b: {  	v11 =	vmax.f32 v24, v26;
	(xrf1) =	vsort.ascd.msk.f32 $0xffff, v9, v9;
	v8, _, _ =	vpop (xrf1)  }
0x12c: {  	(xrf1) =	vsort.ascd.msk.f32 $0xffff, v10, v10;
	v9, _, _ =	vpop (xrf1)  }
0x12d: {  	v14 =	vmin.f32 v24, v26;
	(xrf1) =	vsort.dscd.msk.f32 $0xffff, v11, v11;
	v10, _, _ =	vpop (xrf1)  }
0x12e: {  	s23 =	simm.s32 $0x800;
	v17 =	vmax.f32 v12, v13;
	(xrf1) =	vsort.dscd.msk.f32 $0xffff, v14, v14;
	v11, _, _ =	vpop (xrf1)  }
.LBB2_3:
0x12f: {  	s24 =	sshra.s32 s23, $0x2;
	p1 =	sne.s32 s23, $0x3800;
	v12 =	vmin.f32 v12, v13;
	(xrf1) =	vsort.dscd.msk.f32 $0xffff, v17, v17;
	v13, _, _ =	vpop (xrf1)  }
0x130: {  	v18 =	vmin.f32 v15, v16;
	v17 =	vld [tilespmem:s24+$0x100];
	(xrf1) =	vsort.dscd.msk.f32 $0xffff, v12, v12;
	v14, _, _ =	vpop (xrf1)  }
0x131: {  	v19 =	vmax.f32 v15, v16;
	v12 =	vld [tilespmem:s24+$0x110];
	(xrf1) =	vsort.ascd.msk.f32 $0xffff, v18, v18;
	v16, _, _ =	vpop (xrf1)  }
0x132: {  	(xrf1) =	vsort.ascd.msk.f32 $0xffff, v19, v19;
	v15, _, _ =	vpop (xrf1)  }
0x133: {  	v18, _, _ =	vpop (xrf1)  }
0x134: {  	v19, _, _ =	vpop (xrf1)  }
0x135: {  	(xrf1) =	vsort.ascd.msk.f32 $0xffff, v17, v17;
	v17 =	vmin.f32 v27, v18;
	v20 =	vmin.f32 v28, v19;
	v21, _, _ =	vpop (xrf1)  }
0x136: {  	(xrf1) =	vsort.dscd.msk.f32 $0xffff, v12, v12;
	v12 =	vmax.f32 v27, v18;
	v23 =	vmin.f32 v17, v20;
	v22, _, _ =	vpop (xrf1)  }
0x137: {  	v19 =	vmax.f32 v28, v19;
	v24 =	vmax.f32 v17, v20;
	(xrf1) =	vsort.ascd.msk.f32 $0xffff, v23, v23;
	v18, _, _ =	vpop (xrf1)  }
0x138: {  	v25 =	vmin.f32 v12, v19;
	v23 =	vmax.f32 v21, v18;
	(xrf1) =	vsort.ascd.msk.f32 $0xffff, v24, v24;
	v17, _, _ =	vpop (xrf1)  }
0x139: {  	v24 =	vmax.f32 v12, v19;
	v19 =	vmax.f32 v22, v17;
	(xrf1) =	vsort.ascd.msk.f32 $0xffff, v25, v25;
	v20, _, _ =	vpop (xrf1)  }
0x13a: {  	v18 =	vmin.f32 v21, v18;
	v25 =	vmax.f32 v23, v19;
	(xrf1) =	vsort.ascd.msk.f32 $0xffff, v24, v24;
	v12, _, _ =	vpop (xrf1)  }
0x13b: {  	v17 =	vmin.f32 v22, v17;
	v24 =	vmin.f32 v23, v19;
	(xrf1) =	vsort.dscd.msk.f32 $0xffff, v25, v25;
	v21, _, _ =	vpop (xrf1)  }
0x13c: {  	v25 =	vmax.f32 v18, v17;
	v23 =	vmin.f32 v20, v21;
	(xrf1) =	vsort.dscd.msk.f32 $0xffff, v24, v24;
	v19, _, _ =	vpop (xrf1)  }
0x13d: {  	v24 =	vmin.f32 v18, v17;
	v18 =	vmin.f32 v12, v19;
	(xrf1) =	vsort.dscd.msk.f32 $0xffff, v25, v25;
	v22, _, _ =	vpop (xrf1)  }
0x13e: {  	v20 =	vmax.f32 v20, v21;
	v21 =	vmin.f32 v23, v18;
	(xrf1) =	vsort.dscd.msk.f32 $0xffff, v24, v24;
	v17, _, _ =	vpop (xrf1)  }
0x13f: {  	v12 =	vmax.f32 v12, v19;
	v24 =	vmax.f32 v23, v18;
	(xrf1) =	vsort.ascd.msk.f32 $0xffff, v21, v21;
	v19, _, _ =	vpop (xrf1)  }
0x140: {  	v21 =	vmin.f32 v20, v12;
	v23 =	vmax.f32 v22, v19;
	(xrf1) =	vsort.ascd.msk.f32 $0xffff, v24, v24;
	v18, _, _ =	vpop (xrf1)  }
0x141: {  	v12 =	vmax.f32 v20, v12;
	v20 =	vmax.f32 v17, v18;
	(xrf1) =	vsort.ascd.msk.f32 $0xffff, v21, v21  }
0x142: {  	v19 =	vmin.f32 v22, v19;
	v21 =	vld [tilespmem:s24+$0x120];
	v22 =	vmax.f32 v23, v20;
	(xrf1) =	vsort.ascd.msk.f32 $0xffff, v12, v12  }
0x143: {  	v17 =	vmin.f32 v17, v18;
	v18 =	vmin.f32 v23, v20;
	v12 =	vld [tilespmem:s24+$0x130];
	v27, _, _ =	vpop (xrf1);
	(xrf1) =	vsort.dscd.msk.f32 $0xffff, v22, v22  }
0x144: {  	v22 =	vmax.f32 v19, v17;
	v20 =	vld [tilespmem:s24+$0x140];
	v28, _, _ =	vpop (xrf1);
	(xrf1) =	vsort.dscd.msk.f32 $0xffff, v18, v18  }
0x145: {  	v17 =	vmin.f32 v19, v17;
	v18 =	vld [tilespmem:s24+$0x150];
	v19, _, _ =	vpop (xrf1);
	(xrf1) =	vsort.dscd.msk.f32 $0xffff, v22, v22  }
0x146: {  	v22 =	vld [tilespmem:s24+$0x160];
	v23, _, _ =	vpop (xrf1);
	(xrf1) =	vsort.dscd.msk.f32 $0xffff, v17, v17  }
0x147: {  	v17 =	vld [tilespmem:s24+$0x170];
	(xrf1) =	vsort.dscd.msk.f32 $0xffff, v21, v21;
	v21, _, _ =	vpop (xrf1)  }
0x148: {  	v24 =	vld [tilespmem:s24+$0x180];
	(xrf1) =	vsort.ascd.msk.f32 $0xffff, v12, v12;
	v12, _, _ =	vpop (xrf1)  }
0x149: {  	v25 =	vld [tilespmem:s24+$0x190];
	(xrf1) =	vsort.dscd.msk.f32 $0xffff, v20, v20;
	v20, _, _ =	vpop (xrf1)  }
0x14a: {  	v26 =	vld [tilespmem:s24+$0x1A0];
	(xrf1) =	vsort.ascd.msk.f32 $0xffff, v18, v18;
	v18, _, _ =	vpop (xrf1)  }
0x14b: {  	v29 =	vld [tilespmem:s24+$0x1B0];
	(xrf1) =	vsort.ascd.msk.f32 $0xffff, v22, v22;
	v22, _, _ =	vpop (xrf1)  }
0x14c: {  	v30 =	vld [tilespmem:s24+$0x1C0];
	(xrf1) =	vsort.dscd.msk.f32 $0xffff, v17, v17;
	v17, _, _ =	vpop (xrf1)  }
0x14d: {  	(xrf1) =	vsort.ascd.msk.f32 $0xffff, v24, v24;
	v24, _, _ =	vpop (xrf1)  }
0x14e: {  	(xrf1) =	vsort.dscd.msk.f32 $0xffff, v25, v25;
	v25, _, _ =	vpop (xrf1)  }
0x14f: {  	(xrf1) =	vsort.dscd.msk.f32 $0xffff, v26, v26;
	v26, _, _ =	vpop (xrf1)  }
0x150: {  	(xrf1) =	vsort.ascd.msk.f32 $0xffff, v29, v29;
	v29, _, _ =	vpop (xrf1)  }
0x151: {  	v31 =	vmin.f32 v23, v18;
	(xrf1) =	vsort.dscd.msk.f32 $0xffff, v30, v30;
	v30 =	vmin.f32 v19, v20;
	v32, _, _ =	vpop (xrf1)  }
0x152: {  	v35 =	vmax.f32 v19, v20;
	v33 =	vmin.f32 v21, v22;
	v34 =	vmin.f32 v12, v17;
	v19, _, _ =	vpop (xrf1)  }
0x153: {  	v23 =	vmax.f32 v23, v18;
	v36 =	vmax.f32 v21, v22;
	v12 =	vmax.f32 v12, v17;
	v18, _, _ =	vpop (xrf1)  }
0x154: {  	v37 =	vmin.f32 v24, v32;
	v38 =	vmin.f32 v25, v19;
	v39 =	vmin.f32 v26, v18;
	v21, _, _ =	vpop (xrf1)  }
0x155: {  	v32 =	vmax.f32 v24, v32;
	v41 =	vmax.f32 v25, v19;
	v17, _, _ =	vpop (xrf1);
	v40 =	vmin.f32 v29, v21  }
0x156: {  	v24 =	vmin.f32 v31, v34;
	v19 =	vmin.f32 v30, v33;
	v42 =	vmax.f32 v26, v18;
	v20, _, _ =	vpop (xrf1)  }
0x157: {  	v25 =	vmax.f32 v30, v33;
	v26 =	vmin.f32 v19, v24;
	v29 =	vmax.f32 v29, v21;
	v18, _, _ =	vpop (xrf1)  }
0x158: {  	v21 =	vmax.f32 v31, v34;
	v31 =	vmax.f32 v19, v24;
	v22, _, _ =	vpop (xrf1);
	(xrf1) =	vsort.ascd.msk.f32 $0xffff, v26, v26  }
0x159: {  	v30 =	vmin.f32 v35, v36;
	v26 =	vmin.f32 v25, v21;
	v19, _, _ =	vpop (xrf1);
	(xrf1) =	vsort.ascd.msk.f32 $0xffff, v31, v31  }
0x15a: {  	v34 =	vmax.f32 v25, v21;
	v31 =	vmin.f32 v23, v12;
	v24, _, _ =	vpop (xrf1);
	(xrf1) =	vsort.ascd.msk.f32 $0xffff, v26, v26  }
0x15b: {  	v33 =	vmax.f32 v35, v36;
	v26 =	vmin.f32 v30, v31;
	v21, _, _ =	vpop (xrf1);
	(xrf1) =	vsort.ascd.msk.f32 $0xffff, v34, v34  }
0x15c: {  	v12 =	vmax.f32 v23, v12;
	v30 =	vmax.f32 v30, v31;
	v25, _, _ =	vpop (xrf1);
	(xrf1) =	vsort.ascd.msk.f32 $0xffff, v26, v26  }
0x15d: {  	v31 =	vmin.f32 v33, v12;
	v34 =	vmin.f32 v37, v39;
	v23, _, _ =	vpop (xrf1);
	(xrf1) =	vsort.ascd.msk.f32 $0xffff, v30, v30  }
0x15e: {  	v30 =	vmax.f32 v33, v12;
	v33 =	vmin.f32 v38, v40;
	v26, _, _ =	vpop (xrf1);
	(xrf1) =	vsort.ascd.msk.f32 $0xffff, v31, v31  }
0x15f: {  	v31 =	vmax.f32 v37, v39;
	v35 =	vmin.f32 v34, v33;
	v12, _, _ =	vpop (xrf1);
	(xrf1) =	vsort.ascd.msk.f32 $0xffff, v30, v30  }
0x160: {  	v33 =	vmax.f32 v34, v33;
	v30 =	vmax.f32 v38, v40;
	(xrf1) =	vsort.ascd.msk.f32 $0xffff, v35, v35  }
0x161: {  	v34 =	vmin.f32 v31, v30;
	v35 =	vmin.f32 v32, v42;
	(xrf1) =	vsort.ascd.msk.f32 $0xffff, v33, v33  }
0x162: {  	v30 =	vmax.f32 v31, v30;
	v31 =	vmin.f32 v41, v29;
	(xrf1) =	vsort.ascd.msk.f32 $0xffff, v34, v34  }
0x163: {  	v32 =	vmax.f32 v32, v42;
	v34 =	vmin.f32 v35, v31;
	v33 =	vld [tilespmem:s24+$0x1D0];
	(xrf1) =	vsort.ascd.msk.f32 $0xffff, v30, v30  }
0x164: {  	v29 =	vmax.f32 v41, v29;
	v36 =	vmax.f32 v35, v31;
	v30 =	vld [tilespmem:s24+$0x1E0];
	(xrf1) =	vsort.ascd.msk.f32 $0xffff, v34, v34  }
0x165: {  	v35 =	vmin.f32 v32, v29;
	v34 =	vld [tilespmem:s24+$0x1F0];
	(xrf1) =	vsort.ascd.msk.f32 $0xffff, v36, v36  }
0x166: {  	v36 =	vmax.f32 v32, v29;
	v31, _, _ =	vpop (xrf1);
	(xrf1) =	vsort.ascd.msk.f32 $0xffff, v35, v35  }
0x167: {  	v32, _, _ =	vpop (xrf1);
	(xrf1) =	vsort.ascd.msk.f32 $0xffff, v36, v36  }
0x168: {  	(xrf1) =	vsort.ascd.msk.f32 $0xffff, v33, v33;
	v29, _, _ =	vpop (xrf1)  }
0x169: {  	(xrf1) =	vsort.ascd.msk.f32 $0xffff, v30, v30;
	v30, _, _ =	vpop (xrf1)  }
0x16a: {  	v33 =	vmin.f32 v27, v28;
	(xrf1) =	vsort.dscd.msk.f32 $0xffff, v34, v34;
	v34, _, _ =	vpop (xrf1)  }
0x16b: {  	v35 =	vmax.f32 v27, v28;
	(xrf1) =	vsort.ascd.msk.f32 $0xffff, v33, v33;
	v28, _, _ =	vpop (xrf1)  }
0x16c: {  	(xrf1) =	vsort.ascd.msk.f32 $0xffff, v35, v35;
	v27, _, _ =	vpop (xrf1)  }
0x16d: {  	v9 =	vmax.f32 v9, v31;
	v10 =	vmax.f32 v10, v32;
	v11 =	vmax.f32 v11, v29;
	v29, _, _ =	vpop (xrf1)  }
0x16e: {  	v13 =	vmax.f32 v13, v30;
	v14 =	vmax.f32 v14, v34;
	v16 =	vmax.f32 v16, v28;
	v28, _, _ =	vpop (xrf1)  }
0x16f: {  	v15 =	vmax.f32 v15, v27;
	v1 =	vmax.f32 v1, v29;
	v29 =	vmin.f32 v9, v14;
	v27, _, _ =	vpop (xrf1)  }
0x170: {  	v30 =	vmin.f32 v10, v16;
	v31 =	vmin.f32 v11, v15;
	v32 =	vmin.f32 v13, v1;
	v33, _, _ =	vpop (xrf1)  }
0x171: {  	v9 =	vmax.f32 v9, v14;
	v14 =	vmin.f32 v29, v31;
	v34 =	vmin.f32 v30, v32;
	v35, _, _ =	vpop (xrf1)  }
0x172: {  	v10 =	vmax.f32 v10, v16;
	v11 =	vmax.f32 v11, v15;
	v37 =	vmin.f32 v14, v34;
	v16, _, _ =	vpop (xrf1)  }
0x173: {  	v1 =	vmax.f32 v13, v1;
	v36 =	vmax.f32 v9, v11;
	(xrf1) =	vsort.dscd.msk.f32 $0xffff, v37, v37;
	v13, _, _ =	vpop (xrf1)  }
0x174: {  	v2 =	vmax.f32 v2, v28;
	v3 =	vmax.f32 v3, v27;
	v4 =	vmax.f32 v4, v33;
	v15, _, _ =	vpop (xrf1)  }
0x175: {  	v5 =	vmax.f32 v5, v35;
	v6 =	vmax.f32 v6, v16;
	v7 =	vmax.f32 v7, v13;
	v16, _, _ =	vpop (xrf1)  }
0x176: {  	v33 =	vmin.f32 v2, v6;
	v8 =	vmax.f32 v8, v15;
	v13, _, _ =	vpop (xrf1);
	v0 =	vmax.f32 v0, v16  }
0x177: {  	v35 =	vmin.f32 v3, v7;
	v37 =	vmin.f32 v4, v8;
	v15, _, _ =	vpop (xrf1);
	v38 =	vmin.f32 v5, v0  }
0x178: {  	v2 =	vmax.f32 v2, v6;
	v6 =	vmin.f32 v33, v37;
	v16, _, _ =	vpop (xrf1);
	v39 =	vmin.f32 v35, v38  }
0x179: {  	v3 =	vmax.f32 v3, v7;
	v4 =	vmax.f32 v4, v8;
	v27, _, _ =	vpop (xrf1);
	v7 =	vmin.f32 v6, v39  }
0x17a: {  	v0 =	vmax.f32 v5, v0;
	v5 =	vmax.f32 v2, v4;
	v28, _, _ =	vpop (xrf1);
	(xrf1) =	vsort.dscd.msk.f32 $0xffff, v7, v7  }
0x17b: {  	v2 =	vmin.f32 v2, v4;
	v4 =	vmax.f32 v3, v0;
	v0 =	vmin.f32 v3, v0  }
0x17c: {  	v3 =	vmax.f32 v33, v37;
	v8 =	vmax.f32 v5, v4;
	v7 =	vmax.f32 v35, v38  }
0x17d: {  	v4 =	vmin.f32 v5, v4;
	v5 =	vmax.f32 v2, v0;
	v0 =	vmin.f32 v2, v0  }
0x17e: {  	v6 =	vmax.f32 v6, v39;
	v2 =	vmax.f32 v3, v7;
	v3 =	vmin.f32 v3, v7  }
0x17f: {  	v7 =	vmin.f32 v9, v11;
	v9 =	vmax.f32 v10, v1;
	(xrf1) =	vsort.dscd.msk.f32 $0xffff, v8, v8  }
0x180: {  	v8 =	vmin.f32 v10, v1;
	v10 =	vmax.f32 v29, v31;
	(xrf1) =	vsort.dscd.msk.f32 $0xffff, v4, v4  }
0x181: {  	v11 =	vmax.f32 v36, v9;
	v4 =	vmax.f32 v30, v32;
	v1, _, _ =	vpop (xrf1);
	(xrf1) =	vsort.dscd.msk.f32 $0xffff, v5, v5  }
0x182: {  	v5 =	vmin.f32 v36, v9;
	v9 =	vmax.f32 v7, v8;
	(xrf1) =	vsort.dscd.msk.f32 $0xffff, v0, v0  }
0x183: {  	v7 =	vmin.f32 v7, v8;
	v8 =	vmax.f32 v10, v4;
	(xrf1) =	vsort.dscd.msk.f32 $0xffff, v2, v2  }
0x184: {  	v2 =	vmin.f32 v10, v4;
	v4 =	vmax.f32 v14, v34;
	(xrf1) =	vsort.dscd.msk.f32 $0xffff, v3, v3  }
0x185: {  	(xrf1) =	vsort.dscd.msk.f32 $0xffff, v6, v6  }
0x186: {  	(xrf1) =	vsort.dscd.msk.f32 $0xffff, v11, v11  }
0x187: {  	(xrf1) =	vsort.dscd.msk.f32 $0xffff, v5, v5  }
0x188: {  	(xrf1) =	vsort.dscd.msk.f32 $0xffff, v9, v9;
	v0, _, _ =	vpop (xrf1)  }
0x189: {  	(xrf1) =	vsort.dscd.msk.f32 $0xffff, v7, v7  }
0x18a: {  	(xrf1) =	vsort.dscd.msk.f32 $0xffff, v8, v8  }
0x18b: {  	(xrf1) =	vsort.dscd.msk.f32 $0xffff, v2, v2  }
0x18c: {  	v5 =	vmax.f32 v17, v20;
	(xrf1) =	vsort.dscd.msk.f32 $0xffff, v4, v4  }
0x18d: {  	v6 =	vmin.f32 v17, v20;
	(xrf1) =	vsort.dscd.msk.f32 $0xffff, v5, v5;
	v2, _, _ =	vpop (xrf1)  }
0x18e: {  	v7 =	vmax.f32 v18, v22;
	(xrf1) =	vsort.dscd.msk.f32 $0xffff, v6, v6;
	v3, _, _ =	vpop (xrf1)  }
0x18f: {  	v8 =	vmin.f32 v18, v22;
	(xrf1) =	vsort.dscd.msk.f32 $0xffff, v7, v7;
	v4, _, _ =	vpop (xrf1)  }
0x190: {  	v9 =	vmin.f32 v19, v24;
	(xrf1) =	vsort.dscd.msk.f32 $0xffff, v8, v8;
	v5, _, _ =	vpop (xrf1)  }
0x191: {  	v10 =	vmax.f32 v19, v24;
	(xrf1) =	vsort.ascd.msk.f32 $0xffff, v9, v9;
	v6, _, _ =	vpop (xrf1)  }
.Ltmp0:
0x192: {  	v11 =	vmin.f32 v21, v25;
	(xrf1) =	vsort.ascd.msk.f32 $0xffff, v10, v10;
	v7, _, _ =	vpop (xrf1);
	(pc) =	sbr.rel @p1 .LBB2_3-.Ltmp0, $4  }
0x193: {  	v14 =	vmax.f32 v21, v25;
	(xrf1) =	vsort.ascd.msk.f32 $0xffff, v11, v11;
	v8, _, _ =	vpop (xrf1)  }
0x194: {  	v17 =	vmax.f32 v23, v26;
	(xrf1) =	vsort.ascd.msk.f32 $0xffff, v14, v14;
	v9, _, _ =	vpop (xrf1)  }
0x195: {  	v14 =	vmin.f32 v23, v26;
	(xrf1) =	vsort.dscd.msk.f32 $0xffff, v17, v17;
	v10, _, _ =	vpop (xrf1)  }
0x196: {  	s23 =	sadd.s32 $0x400, s23;
	v17 =	vmax.f32 v12, v13;
	(xrf1) =	vsort.dscd.msk.f32 $0xffff, v14, v14;
	v11, _, _ =	vpop (xrf1)  }
0x197: {  	v13 =	vmin.f32 v12, v13  }
0x198: {  	v14, _, _ =	vpop (xrf1)  }
0x199: {  	(xrf1) =	vsort.dscd.msk.f32 $0xffff, v17, v17;
	v17 =	vmin.f32 v15, v16;
	v16 =	vmax.f32 v15, v16;
	v12, _, _ =	vpop (xrf1)  }
0x19a: {  	(xrf1) =	vsort.dscd.msk.f32 $0xffff, v13, v13;
	v13, _, _ =	vpop (xrf1)  }
0x19b: {  	(xrf1) =	vsort.ascd.msk.f32 $0xffff, v17, v17;
	v15, _, _ =	vpop (xrf1)  }
0x19c: {  	(xrf1) =	vsort.ascd.msk.f32 $0xffff, v16, v16;
	v16, _, _ =	vpop (xrf1)  }
0x19d: {  	v17, _, _ =	vpop (xrf1)  }
0x19e: {  	v18 =	vmin.f32 v27, v16;
	v19 =	vmin.f32 v28, v17  }
0x19f: {  	v20, _, _ =	vpop (xrf1);
	v21 =	vmin.f32 v18, v19;
	v18 =	vmax.f32 v18, v19  }
0x1a0: {  	v17 =	vmax.f32 v28, v17;
	v22, _, _ =	vpop (xrf1)  }
0x1a1: {  	v16 =	vmax.f32 v27, v16;
	(xrf1) =	vsort.ascd.msk.f32 $0xffff, v21, v21;
	v19, _, _ =	vpop (xrf1)  }
0x1a2: {  	v32 =	vmin.f32 v16, v17;
	v16 =	vmax.f32 v16, v17;
	(xrf1) =	vsort.ascd.msk.f32 $0xffff, v18, v18;
	v18, _, _ =	vpop (xrf1)  }
0x1a3: {  	(xrf1) =	vsort.ascd.msk.f32 $0xffff, v32, v32;
	v33 =	vmax.f32 v20, v19;
	v17, _, _ =	vpop (xrf1);
	v23 =	vmax.f32 v22, v18  }
0x1a4: {  	(xrf1) =	vsort.ascd.msk.f32 $0xffff, v16, v16;
	v16 =	vmin.f32 v20, v19;
	v19 =	vmax.f32 v33, v23;
	_ =	sdelay $0x1  }
0x1a5: {  	v34, _, _ =	vpop (xrf1)  }
0x1a6: {  	v18 =	vmin.f32 v22, v18;
	(xrf1) =	vsort.dscd.msk.f32 $0xffff, v19, v19;
	v19, _, _ =	vpop (xrf1)  }
0x1a7: {  	v21 =	vmin.f32 v33, v23;
	v22 =	vmax.f32 v16, v18;
	v16 =	vmin.f32 v16, v18;
	v36, _, _ =	vpop (xrf1)  }
0x1a8: {  	(xrf1) =	vsort.dscd.msk.f32 $0xffff, v21, v21;
	v35 =	vmin.f32 v17, v19;
	v18 =	vmin.f32 v34, v36  }
0x1a9: {  	(xrf1) =	vsort.dscd.msk.f32 $0xffff, v22, v22;
	v17 =	vmax.f32 v17, v19;
	v19 =	vmin.f32 v35, v18  }
0x1aa: {  	(xrf1) =	vsort.dscd.msk.f32 $0xffff, v16, v16;
	v37, _, _ =	vpop (xrf1);
	v18 =	vmax.f32 v35, v18  }
0x1ab: {  	v20 =	vmax.f32 v34, v36;
	v16, _, _ =	vpop (xrf1);
	(xrf1) =	vsort.ascd.msk.f32 $0xffff, v19, v19  }
0x1ac: {  	v21 =	vmin.f32 v17, v20;
	(xrf1) =	vsort.ascd.msk.f32 $0xffff, v18, v18;
	v19, _, _ =	vpop (xrf1)  }
0x1ad: {  	v17 =	vmax.f32 v17, v20;
	(xrf1) =	vsort.ascd.msk.f32 $0xffff, v21, v21;
	v38 =	vmax.f32 v37, v19;
	v18, _, _ =	vpop (xrf1)  }
0x1ae: {  	v19 =	vmin.f32 v37, v19;
	(xrf1) =	vsort.ascd.msk.f32 $0xffff, v17, v17;
	v39 =	vmax.f32 v16, v18  }
0x1af: {  	v16 =	vmin.f32 v16, v18;
	v40 =	vmax.f32 v38, v39;
	v17 =	vmin.f32 v38, v39  }
0x1b0: {  	v18 =	vmax.f32 v19, v16;
	(xrf1) =	vsort.dscd.msk.f32 $0xffff, v40, v40  }
0x1b1: {  	v16 =	vmin.f32 v19, v16;
	(xrf1) =	vsort.dscd.msk.f32 $0xffff, v17, v17  }
0x1b2: {  	v17, _, _ =	vpop (xrf1);
	(xrf1) =	vsort.dscd.msk.f32 $0xffff, v18, v18  }
0x1b3: {  	v18, _, _ =	vpop (xrf1)  }
0x1b4: {  	(xrf1) =	vsort.dscd.msk.f32 $0xffff, v16, v16;
	v16, _, _ =	vpop (xrf1)  }
0x1b5: {  	v19, _, _ =	vpop (xrf1)  }
0x1b6: {  	v41, _, _ =	vpop (xrf1)  }
0x1b7: {  	v42, _, _ =	vpop (xrf1)  }
0x1b8: {  	v43, _, _ =	vpop (xrf1)  }
0x1b9: {  	v44, _, _ =	vpop (xrf1)  }
0x1ba: {  	v24, _, _ =	vpop (xrf1)  }
0x1bb: {  	v25, _, _ =	vpop (xrf1)  }
0x1bc: {  	v28 =	vmin.f32 v17, v41;
	v26, _, _ =	vpop (xrf1)  }
0x1bd: {  	v17 =	vmax.f32 v17, v41;
	v29 =	vmin.f32 v18, v42;
	v18 =	vmax.f32 v18, v42;
	v27, _, _ =	vpop (xrf1)  }
0x1be: {  	v31 =	vmin.f32 v16, v43;
	v16 =	vmax.f32 v16, v43;
	v32 =	vmin.f32 v19, v44;
	v30, _, _ =	vpop (xrf1)  }
0x1bf: {  	v19 =	vmax.f32 v19, v44;
	v45, _, _ =	vpop (xrf1);
	v47 =	vmin.f32 v24, v30;
	v24 =	vmax.f32 v24, v30  }
0x1c0: {  	v30 =	vmin.f32 v29, v32;
	v29 =	vmax.f32 v29, v32;
	v46, _, _ =	vpop (xrf1);
	v48 =	vmin.f32 v25, v45  }
0x1c1: {  	v20 =	vmax.f32 v25, v45;
	v25 =	vmin.f32 v28, v31;
	v33 =	vmin.f32 v26, v46  }
0x1c2: {  	v21 =	vmax.f32 v26, v46;
	v26 =	vmax.f32 v28, v31;
	v28 =	vmin.f32 v25, v30  }
0x1c3: {  	v25 =	vmax.f32 v25, v30;
	v30 =	vmin.f32 v17, v16;
	(xrf1) =	vsort.ascd.msk.f32 $0xffff, v28, v28  }
0x1c4: {  	v16 =	vmax.f32 v17, v16;
	v28 =	vmin.f32 v26, v29;
	(xrf1) =	vsort.ascd.msk.f32 $0xffff, v25, v25  }
0x1c5: {  	v34, _, _ =	vpop (xrf1);
	v25 =	vmax.f32 v26, v29;
	v26 =	vmin.f32 v18, v19;
	(xrf1) =	vsort.ascd.msk.f32 $0xffff, v28, v28  }
0x1c6: {  	v35 =	vmin.f32 v27, v34;
	v17 =	vmin.f32 v30, v26;
	(xrf1) =	vsort.ascd.msk.f32 $0xffff, v25, v25  }
0x1c7: {  	v18 =	vmax.f32 v18, v19;
	v19 =	vmax.f32 v30, v26;
	(xrf1) =	vsort.ascd.msk.f32 $0xffff, v17, v17  }
0x1c8: {  	v27 =	vmax.f32 v27, v34;
	v17 =	vmin.f32 v16, v18;
	(xrf1) =	vsort.ascd.msk.f32 $0xffff, v19, v19  }
0x1c9: {  	v49 =	vmin.f32 v24, v21;
	v16 =	vmax.f32 v16, v18;
	(xrf1) =	vsort.ascd.msk.f32 $0xffff, v17, v17  }
0x1ca: {  	v25 =	vmin.f32 v47, v33;
	v18 =	vmin.f32 v48, v35;
	(xrf1) =	vsort.ascd.msk.f32 $0xffff, v16, v16  }
0x1cb: {  	v19 =	vmin.f32 v25, v18;
	v17 =	vmax.f32 v47, v33;
	v16 =	vmax.f32 v48, v35  }
0x1cc: {  	v18 =	vmax.f32 v25, v18;
	(xrf1) =	vsort.ascd.msk.f32 $0xffff, v19, v19;
	v19 =	vmin.f32 v17, v16  }
0x1cd: {  	v16 =	vmax.f32 v17, v16;
	v17 =	vmin.f32 v20, v27;
	(xrf1) =	vsort.ascd.msk.f32 $0xffff, v18, v18  }
0x1ce: {  	(xrf1) =	vsort.ascd.msk.f32 $0xffff, v19, v19;
	v19 =	vmin.f32 v49, v17;
	v17 =	vmax.f32 v49, v17  }
0x1cf: {  	v18 =	vmax.f32 v24, v21;
	(xrf1) =	vsort.ascd.msk.f32 $0xffff, v16, v16;
	v16 =	vmax.f32 v20, v27  }
0x1d0: {  	(xrf1) =	vsort.ascd.msk.f32 $0xffff, v19, v19;
	v19 =	vmin.f32 v18, v16;
	v16 =	vmax.f32 v18, v16  }
0x1d1: {  	(xrf1) =	vsort.ascd.msk.f32 $0xffff, v17, v17;
	v17, _, _ =	vpop (xrf1)  }
0x1d2: {  	(xrf1) =	vsort.ascd.msk.f32 $0xffff, v19, v19;
	v18, _, _ =	vpop (xrf1)  }
0x1d3: {  	(xrf1) =	vsort.ascd.msk.f32 $0xffff, v16, v16;
	v16, _, _ =	vpop (xrf1)  }
0x1d4: {  	v19, _, _ =	vpop (xrf1)  }
0x1d5: {  	v50, _, _ =	vpop (xrf1)  }
0x1d6: {  	v51, _, _ =	vpop (xrf1)  }
0x1d7: {  	v9 =	vmax.f32 v9, v17;
	v10 =	vmax.f32 v10, v18;
	v11 =	vmax.f32 v11, v16;
	v52, _, _ =	vpop (xrf1)  }
0x1d8: {  	v14 =	vmax.f32 v14, v19;
	v12 =	vmax.f32 v12, v50;
	v13 =	vmax.f32 v13, v51;
	v16, _, _ =	vpop (xrf1)  }
0x1d9: {  	v15 =	vmax.f32 v15, v52;
	v19 =	vmin.f32 v10, v13;
	v1 =	vmax.f32 v1, v16  }
0x1da: {  	v17, _, _ =	vpop (xrf1);
	v16 =	vmin.f32 v9, v12;
	v53 =	vmin.f32 v11, v15;
	v54 =	vmin.f32 v14, v1  }
0x1db: {  	v18, _, _ =	vpop (xrf1);
	v56 =	vmin.f32 v16, v53;
	v24 =	vmin.f32 v19, v54  }
0x1dc: {  	v9 =	vmax.f32 v9, v12;
	v55, _, _ =	vpop (xrf1);
	v12 =	vmin.f32 v56, v24  }
0x1dd: {  	v25, _, _ =	vpop (xrf1)  }
0x1de: {  	v10 =	vmax.f32 v10, v13;
	v11 =	vmax.f32 v11, v15;
	v2 =	vmax.f32 v2, v17;
	v26, _, _ =	vpop (xrf1)  }
0x1df: {  	v3 =	vmax.f32 v3, v18;
	v4 =	vmax.f32 v4, v55;
	(xrf1) =	vsort.dscd.msk.f32 $0xffff, v12, v12;
	v12, _, _ =	vpop (xrf1)  }
0x1e0: {  	v5 =	vmax.f32 v5, v25;
	v6 =	vmax.f32 v6, v26;
	v13, _, _ =	vpop (xrf1);
	v7 =	vmax.f32 v7, v12  }
0x1e1: {  	v12, _, _ =	vpop (xrf1);
	v8 =	vmax.f32 v8, v13;
	v13 =	vmin.f32 v3, v7;
	v3 =	vmax.f32 v3, v7  }
0x1e2: {  	v0 =	vmax.f32 v0, v12;
	v12 =	vmin.f32 v2, v6;
	v15 =	vmin.f32 v4, v8  }
0x1e3: {  	v2 =	vmax.f32 v2, v6;
	v4 =	vmax.f32 v4, v8;
	v17 =	vmin.f32 v5, v0  }
0x1e4: {  	v6 =	vmin.f32 v12, v15;
	v0 =	vmax.f32 v5, v0;
	v18 =	vmin.f32 v13, v17  }
0x1e5: {  	v7 =	vmax.f32 v2, v4;
	v8 =	vmax.f32 v3, v0;
	v5 =	vmin.f32 v6, v18  }
0x1e6: {  	v2 =	vmin.f32 v2, v4;
	v4 =	vmax.f32 v7, v8;
	(xrf1) =	vsort.dscd.msk.f32 $0xffff, v5, v5  }
0x1e7: {  	v0 =	vmin.f32 v3, v0;
	v3 =	vmin.f32 v7, v8;
	(xrf1) =	vsort.dscd.msk.f32 $0xffff, v4, v4  }
0x1e8: {  	v5 =	vmax.f32 v2, v0;
	v0 =	vmin.f32 v2, v0;
	(xrf1) =	vsort.dscd.msk.f32 $0xffff, v3, v3  }
0x1e9: {  	v4 =	vmax.f32 v12, v15;
	v3 =	vmax.f32 v13, v17;
	(xrf1) =	vsort.dscd.msk.f32 $0xffff, v5, v5  }
0x1ea: {  	v1 =	vmax.f32 v14, v1;
	v2 =	vmax.f32 v4, v3;
	(xrf1) =	vsort.dscd.msk.f32 $0xffff, v0, v0  }
0x1eb: {  	v3 =	vmin.f32 v4, v3;
	v4 =	vmax.f32 v10, v1;
	(xrf1) =	vsort.dscd.msk.f32 $0xffff, v2, v2  }
0x1ec: {  	v0 =	vmax.f32 v9, v11;
	v2 =	vmax.f32 v6, v18;
	(xrf1) =	vsort.dscd.msk.f32 $0xffff, v3, v3  }
0x1ed: {  	v1 =	vmin.f32 v10, v1;
	v5 =	vmax.f32 v0, v4;
	(xrf1) =	vsort.dscd.msk.f32 $0xffff, v2, v2  }
0x1ee: {  	v0 =	vmin.f32 v0, v4;
	v3 =	vmin.f32 v9, v11;
	(xrf1) =	vsort.dscd.msk.f32 $0xffff, v5, v5  }
0x1ef: {  	v2 =	vmax.f32 v16, v53;
	v4 =	vmax.f32 v3, v1;
	(xrf1) =	vsort.dscd.msk.f32 $0xffff, v0, v0  }
0x1f0: {  	v1 =	vmin.f32 v3, v1;
	v0 =	vmax.f32 v19, v54;
	(xrf1) =	vsort.dscd.msk.f32 $0xffff, v4, v4  }
0x1f1: {  	v3 =	vmax.f32 v2, v0;
	v0 =	vmin.f32 v2, v0;
	(xrf1) =	vsort.dscd.msk.f32 $0xffff, v1, v1  }
0x1f2: {  	v2 =	vmax.f32 v56, v24;
	(xrf1) =	vsort.dscd.msk.f32 $0xffff, v3, v3  }
0x1f3: {  	v1, _, _ =	vpop (xrf1);
	(xrf1) =	vsort.dscd.msk.f32 $0xffff, v0, v0  }
0x1f4: {  	[tilespmem:$0x2070] =	vst v1;
	v0, _, _ =	vpop (xrf1);
	(xrf1) =	vsort.dscd.msk.f32 $0xffff, v2, v2  }
0x1f5: {  	v2, _, _ =	vpop (xrf1);
	[tilespmem:$0x20F0] =	vst v0  }
0x1f6: {  	v3, _, _ =	vpop (xrf1);
	[tilespmem:$0x2080] =	vst v2  }
0x1f7: {  	v4, _, _ =	vpop (xrf1);
	[tilespmem:$0x2090] =	vst v3  }
0x1f8: {  	v5, _, _ =	vpop (xrf1);
	[tilespmem:$0x20A0] =	vst v4  }
0x1f9: {  	v6, _, _ =	vpop (xrf1);
	[tilespmem:$0x20B0] =	vst v5  }
0x1fa: {  	v7, _, _ =	vpop (xrf1);
	[tilespmem:$0x20C0] =	vst v6  }
0x1fb: {  	v8, _, _ =	vpop (xrf1);
	[tilespmem:$0x20D0] =	vst v7  }
0x1fc: {  	v9, _, _ =	vpop (xrf1);
	[tilespmem:$0x20E0] =	vst v8  }
0x1fd: {  	v10, _, _ =	vpop (xrf1);
	[tilespmem:$0x2000] =	vst v9  }
0x1fe: {  	v9, _, _ =	vpop (xrf1);
	[tilespmem:$0x2010] =	vst v10  }
0x1ff: {  	v10, _, _ =	vpop (xrf1);
	[tilespmem:$0x2020] =	vst v9  }
0x200: {  	s23 =	sshll.u32 s19, $0x6;
	v9, _, _ =	vpop (xrf1);
	[tilespmem:$0x2030] =	vst v10  }
0x201: {  	s24 =	sshll.u32 s22, $0x4;
	s28 =	smin.u32 s22, $0x2FFA;
	s23 =	sand.u32 $0x40, s23;
	v10, _, _ =	vpop (xrf1);
	[tilespmem:$0x2040] =	vst v9  }
0x202: {  	s24 =	sand.u32 $0xFFFFF80, s24;
	s22 =	sadd.s32 $0x4, s28;
	s23 =	sadd.s32 s3, s23;
	v9, _, _ =	vpop (xrf1);
	[tilespmem:$0x2050] =	vst v10  }
0x203: {  	s29 =	sshll.u32 s22, $0x4;
	s23 =	sadd.s32 s24, s23;
	[tilespmem:$0x2060] =	vst v9  }
0x204: {  	[hbm4b:s23+s4] =	stream.linear.scatter [tilespmem:s12], [sflag:$0x3], $0x100, $0x38;
	[tilespmem:$0x2200] =	vst v63  }
0x205: {  	s22 =	sshll.u32 s22, $0x8;
	s23 =	sand.u32 $0x60, s29;
	_ =	swait.ge [sflag:s13], $0x1000  }
0x206: {  	s22 =	sand.u32 $0x7FF800, s22;
	s23 =	sadd.s32 s2, s23;
	[sflag:s13] =	ssyncset.done $0x0  }
0x207: {  	s22 =	sadd.s32 s22, s23;
	[sflag:s13] =	ssyncadd.s32 $0xFFFFF000  }
0x208: {  	[tilespmem:s4], [sflag:$0x1] =	stream.strided.gather [hbm4b:s22+s8], $0x1000, s9, s8, $0x38;
	[tilespmem:$0x2200] =	vst v63  }
0x209: {  	s22 =	simm.s32 @!p0 $0x4  }
0x20a: {  	_ =	swait.ge @!p0 [sflag:s22], $0x100  }
0x20b: {  	[sflag:s22] =	ssyncset.done @!p0 $0x0  }
0x20c: {  	[sflag:s22] =	ssyncadd.s32 @!p0 $0xFFFFFF00  }
0x20d: {  	v0 =	vld [tilespmem:$0x1000]  }
0x20e: {  	v1 =	vld [tilespmem:$0x1010];
	_ =	sdelay $0x3  }
0x20f: {  	(xrf1) =	vsort.dscd.msk.f32 $0xffff, v0, v0  }
0x210: {  	(xrf1) =	vsort.ascd.msk.f32 $0xffff, v1, v1;
	_ =	sdelay $0xc  }
0x211: {  	v0 =	vld [tilespmem:$0x1020];
	v1, _, _ =	vpop (xrf1)  }
0x212: {  	v2 =	vld [tilespmem:$0x1030];
	v3, _, _ =	vpop (xrf1)  }
0x213: {  	v4 =	vmax.f32 v1, v3  }
0x214: {  	v1 =	vmin.f32 v1, v3;
	(xrf1) =	vsort.dscd.msk.f32 $0xffff, v4, v4  }
0x215: {  	(xrf1) =	vsort.dscd.msk.f32 $0xffff, v1, v1  }
0x216: {  	(xrf1) =	vsort.ascd.msk.f32 $0xffff, v0, v0  }
0x217: {  	(xrf1) =	vsort.dscd.msk.f32 $0xffff, v2, v2;
	_ =	sdelay $0xa  }
0x218: {  	v0, _, _ =	vpop (xrf1)  }
0x219: {  	v1, _, _ =	vpop (xrf1)  }
0x21a: {  	v2, _, _ =	vpop (xrf1)  }
0x21b: {  	v3, _, _ =	vpop (xrf1)  }
0x21c: {  	v4 =	vmin.f32 v2, v3  }
0x21d: {  	v2 =	vmax.f32 v2, v3;
	(xrf1) =	vsort.ascd.msk.f32 $0xffff, v4, v4  }
0x21e: {  	(xrf1) =	vsort.ascd.msk.f32 $0xffff, v2, v2;
	_ =	sdelay $0xc  }
0x21f: {  	v2, _, _ =	vpop (xrf1)  }
0x220: {  	v3, _, _ =	vpop (xrf1)  }
0x221: {  	v4 =	vmax.f32 v0, v2;
	v5 =	vmax.f32 v1, v3  }
0x222: {  	v6 =	vld [tilespmem:$0x1040];
	v0 =	vmin.f32 v0, v2;
	v2 =	vmax.f32 v4, v5  }
0x223: {  	v7 =	vld [tilespmem:$0x1050];
	v1 =	vmin.f32 v1, v3;
	v3 =	vmin.f32 v4, v5;
	(xrf1) =	vsort.dscd.msk.f32 $0xffff, v2, v2  }
0x224: {  	v2 =	vmax.f32 v0, v1;
	(xrf1) =	vsort.dscd.msk.f32 $0xffff, v3, v3  }
0x225: {  	v0 =	vmin.f32 v0, v1;
	(xrf1) =	vsort.dscd.msk.f32 $0xffff, v2, v2  }
0x226: {  	(xrf1) =	vsort.dscd.msk.f32 $0xffff, v0, v0  }
0x227: {  	(xrf1) =	vsort.ascd.msk.f32 $0xffff, v6, v6  }
0x228: {  	(xrf1) =	vsort.dscd.msk.f32 $0xffff, v7, v7;
	_ =	sdelay $0x8  }
0x229: {  	v0, _, _ =	vpop (xrf1)  }
0x22a: {  	v1, _, _ =	vpop (xrf1)  }
0x22b: {  	v2, _, _ =	vpop (xrf1)  }
0x22c: {  	v3, _, _ =	vpop (xrf1)  }
0x22d: {  	v4 =	vld [tilespmem:$0x1060];
	v5, _, _ =	vpop (xrf1)  }
0x22e: {  	v6 =	vld [tilespmem:$0x1070];
	v7, _, _ =	vpop (xrf1)  }
0x22f: {  	v8 =	vmin.f32 v5, v7  }
0x230: {  	v5 =	vmax.f32 v5, v7;
	(xrf1) =	vsort.ascd.msk.f32 $0xffff, v8, v8  }
0x231: {  	(xrf1) =	vsort.ascd.msk.f32 $0xffff, v5, v5  }
0x232: {  	(xrf1) =	vsort.dscd.msk.f32 $0xffff, v4, v4  }
0x233: {  	(xrf1) =	vsort.ascd.msk.f32 $0xffff, v6, v6;
	_ =	sdelay $0xa  }
0x234: {  	v4, _, _ =	vpop (xrf1)  }
0x235: {  	v5, _, _ =	vpop (xrf1)  }
0x236: {  	v6, _, _ =	vpop (xrf1)  }
0x237: {  	v7, _, _ =	vpop (xrf1)  }
0x238: {  	v8 =	vmax.f32 v6, v7  }
0x239: {  	v6 =	vmin.f32 v6, v7;
	(xrf1) =	vsort.dscd.msk.f32 $0xffff, v8, v8  }
0x23a: {  	(xrf1) =	vsort.dscd.msk.f32 $0xffff, v6, v6;
	_ =	sdelay $0xc  }
0x23b: {  	v6, _, _ =	vpop (xrf1)  }
0x23c: {  	v7, _, _ =	vpop (xrf1)  }
0x23d: {  	v8 =	vmin.f32 v4, v6;
	v9 =	vmin.f32 v5, v7  }
0x23e: {  	v4 =	vmax.f32 v4, v6;
	v6 =	vmin.f32 v8, v9  }
0x23f: {  	v5 =	vmax.f32 v5, v7;
	v7 =	vmax.f32 v8, v9;
	(xrf1) =	vsort.ascd.msk.f32 $0xffff, v6, v6  }
0x240: {  	v6 =	vmin.f32 v4, v5;
	(xrf1) =	vsort.ascd.msk.f32 $0xffff, v7, v7  }
0x241: {  	v4 =	vmax.f32 v4, v5;
	(xrf1) =	vsort.ascd.msk.f32 $0xffff, v6, v6  }
0x242: {  	(xrf1) =	vsort.ascd.msk.f32 $0xffff, v4, v4;
	_ =	sdelay $0xa  }
0x243: {  	v4, _, _ =	vpop (xrf1)  }
0x244: {  	v5, _, _ =	vpop (xrf1)  }
0x245: {  	v6, _, _ =	vpop (xrf1)  }
0x246: {  	v8 =	vmax.f32 v0, v4;
	v0 =	vmin.f32 v0, v4;
	v9 =	vmax.f32 v1, v5;
	v7, _, _ =	vpop (xrf1)  }
0x247: {  	v1 =	vmin.f32 v1, v5;
	v10 =	vmax.f32 v2, v6;
	v11 =	vmax.f32 v3, v7  }
0x248: {  	v2 =	vmin.f32 v2, v6;
	v4 =	vmax.f32 v8, v10;
	v5 =	vmax.f32 v9, v11  }
0x249: {  	v3 =	vmin.f32 v3, v7;
	v6 =	vmin.f32 v8, v10;
	v7 =	vmax.f32 v4, v5  }
0x24a: {  	v8 =	vmin.f32 v9, v11;
	v4 =	vmin.f32 v4, v5;
	(xrf1) =	vsort.dscd.msk.f32 $0xffff, v7, v7  }
0x24b: {  	v5 =	vmax.f32 v6, v8;
	v6 =	vmin.f32 v6, v8;
	(xrf1) =	vsort.dscd.msk.f32 $0xffff, v4, v4  }
0x24c: {  	v4 =	vmax.f32 v0, v2;
	(xrf1) =	vsort.dscd.msk.f32 $0xffff, v5, v5;
	v5 =	vmax.f32 v1, v3  }
0x24d: {  	v0 =	vmin.f32 v0, v2;
	(xrf1) =	vsort.dscd.msk.f32 $0xffff, v6, v6;
	v2 =	vmax.f32 v4, v5;
	v6 =	vld [tilespmem:$0x1080]  }
0x24e: {  	v1 =	vmin.f32 v1, v3;
	v3 =	vmin.f32 v4, v5;
	(xrf1) =	vsort.dscd.msk.f32 $0xffff, v2, v2;
	v2 =	vld [tilespmem:$0x1090]  }
0x24f: {  	v4 =	vmax.f32 v0, v1;
	(xrf1) =	vsort.dscd.msk.f32 $0xffff, v3, v3  }
0x250: {  	v0 =	vmin.f32 v0, v1;
	(xrf1) =	vsort.dscd.msk.f32 $0xffff, v4, v4  }
0x251: {  	(xrf1) =	vsort.dscd.msk.f32 $0xffff, v0, v0  }
0x252: {  	(xrf1) =	vsort.dscd.msk.f32 $0xffff, v6, v6  }
0x253: {  	(xrf1) =	vsort.ascd.msk.f32 $0xffff, v2, v2;
	_ =	sdelay $0x4  }
0x254: {  	v7, _, _ =	vpop (xrf1)  }
0x255: {  	v6, _, _ =	vpop (xrf1)  }
0x256: {  	v5, _, _ =	vpop (xrf1)  }
0x257: {  	v4, _, _ =	vpop (xrf1)  }
0x258: {  	v3, _, _ =	vpop (xrf1)  }
0x259: {  	v2, _, _ =	vpop (xrf1)  }
0x25a: {  	v1, _, _ =	vpop (xrf1)  }
0x25b: {  	v0, _, _ =	vpop (xrf1)  }
0x25c: {  	v8 =	vld [tilespmem:$0x10A0];
	v9, _, _ =	vpop (xrf1)  }
0x25d: {  	v10 =	vld [tilespmem:$0x10B0];
	v11, _, _ =	vpop (xrf1)  }
0x25e: {  	v12 =	vmax.f32 v9, v11  }
0x25f: {  	v9 =	vmin.f32 v9, v11;
	(xrf1) =	vsort.dscd.msk.f32 $0xffff, v12, v12  }
0x260: {  	(xrf1) =	vsort.dscd.msk.f32 $0xffff, v9, v9  }
0x261: {  	(xrf1) =	vsort.ascd.msk.f32 $0xffff, v8, v8  }
0x262: {  	(xrf1) =	vsort.dscd.msk.f32 $0xffff, v10, v10;
	_ =	sdelay $0xa  }
0x263: {  	v8, _, _ =	vpop (xrf1)  }
0x264: {  	v9, _, _ =	vpop (xrf1)  }
0x265: {  	v10, _, _ =	vpop (xrf1)  }
0x266: {  	v11, _, _ =	vpop (xrf1)  }
0x267: {  	v12 =	vmin.f32 v10, v11  }
0x268: {  	v10 =	vmax.f32 v10, v11;
	(xrf1) =	vsort.ascd.msk.f32 $0xffff, v12, v12  }
0x269: {  	(xrf1) =	vsort.ascd.msk.f32 $0xffff, v10, v10;
	_ =	sdelay $0xc  }
0x26a: {  	v10, _, _ =	vpop (xrf1)  }
0x26b: {  	v11, _, _ =	vpop (xrf1)  }
0x26c: {  	v12 =	vmax.f32 v8, v10;
	v13 =	vmax.f32 v9, v11  }
0x26d: {  	v14 =	vld [tilespmem:$0x10C0];
	v8 =	vmin.f32 v8, v10;
	v10 =	vmax.f32 v12, v13  }
0x26e: {  	v15 =	vld [tilespmem:$0x10D0];
	v9 =	vmin.f32 v9, v11;
	v11 =	vmin.f32 v12, v13;
	(xrf1) =	vsort.dscd.msk.f32 $0xffff, v10, v10  }
0x26f: {  	v10 =	vmax.f32 v8, v9;
	(xrf1) =	vsort.dscd.msk.f32 $0xffff, v11, v11  }
0x270: {  	v8 =	vmin.f32 v8, v9;
	(xrf1) =	vsort.dscd.msk.f32 $0xffff, v10, v10  }
0x271: {  	(xrf1) =	vsort.dscd.msk.f32 $0xffff, v8, v8  }
0x272: {  	(xrf1) =	vsort.ascd.msk.f32 $0xffff, v14, v14  }
0x273: {  	(xrf1) =	vsort.dscd.msk.f32 $0xffff, v15, v15;
	_ =	sdelay $0x8  }
0x274: {  	v8, _, _ =	vpop (xrf1)  }
0x275: {  	v9, _, _ =	vpop (xrf1)  }
0x276: {  	v10, _, _ =	vpop (xrf1)  }
0x277: {  	v11, _, _ =	vpop (xrf1)  }
0x278: {  	v12 =	vld [tilespmem:$0x10E0];
	v13, _, _ =	vpop (xrf1)  }
0x279: {  	v14 =	vld [tilespmem:$0x10F0];
	v15, _, _ =	vpop (xrf1)  }
0x27a: {  	v16 =	vmin.f32 v13, v15  }
0x27b: {  	v13 =	vmax.f32 v13, v15;
	(xrf1) =	vsort.ascd.msk.f32 $0xffff, v16, v16  }
0x27c: {  	(xrf1) =	vsort.ascd.msk.f32 $0xffff, v13, v13  }
0x27d: {  	(xrf1) =	vsort.dscd.msk.f32 $0xffff, v12, v12  }
0x27e: {  	(xrf1) =	vsort.ascd.msk.f32 $0xffff, v14, v14;
	_ =	sdelay $0xa  }
0x27f: {  	v12, _, _ =	vpop (xrf1)  }
0x280: {  	v13, _, _ =	vpop (xrf1)  }
0x281: {  	v14, _, _ =	vpop (xrf1)  }
0x282: {  	v15, _, _ =	vpop (xrf1)  }
0x283: {  	v16 =	vmax.f32 v14, v15  }
0x284: {  	v14 =	vmin.f32 v14, v15;
	(xrf1) =	vsort.dscd.msk.f32 $0xffff, v16, v16  }
0x285: {  	(xrf1) =	vsort.dscd.msk.f32 $0xffff, v14, v14;
	_ =	sdelay $0xc  }
0x286: {  	v14, _, _ =	vpop (xrf1)  }
0x287: {  	v15, _, _ =	vpop (xrf1)  }
0x288: {  	v16 =	vmin.f32 v12, v14;
	v17 =	vmin.f32 v13, v15  }
0x289: {  	v12 =	vmax.f32 v12, v14;
	v14 =	vmin.f32 v16, v17  }
0x28a: {  	v13 =	vmax.f32 v13, v15;
	v15 =	vmax.f32 v16, v17;
	(xrf1) =	vsort.ascd.msk.f32 $0xffff, v14, v14  }
0x28b: {  	v14 =	vmin.f32 v12, v13;
	(xrf1) =	vsort.ascd.msk.f32 $0xffff, v15, v15  }
0x28c: {  	v12 =	vmax.f32 v12, v13;
	(xrf1) =	vsort.ascd.msk.f32 $0xffff, v14, v14  }
0x28d: {  	(xrf1) =	vsort.ascd.msk.f32 $0xffff, v12, v12;
	_ =	sdelay $0xa  }
0x28e: {  	v12, _, _ =	vpop (xrf1)  }
0x28f: {  	v13, _, _ =	vpop (xrf1)  }
0x290: {  	v14, _, _ =	vpop (xrf1)  }
0x291: {  	v16 =	vmax.f32 v8, v12;
	v8 =	vmin.f32 v8, v12;
	v17 =	vmax.f32 v9, v13;
	v15, _, _ =	vpop (xrf1)  }
0x292: {  	v9 =	vmin.f32 v9, v13;
	v18 =	vmax.f32 v10, v14;
	v19 =	vmax.f32 v11, v15  }
0x293: {  	v10 =	vmin.f32 v10, v14;
	v12 =	vmax.f32 v16, v18;
	v13 =	vmax.f32 v17, v19  }
0x294: {  	v11 =	vmin.f32 v11, v15;
	v14 =	vmin.f32 v16, v18;
	v15 =	vmax.f32 v12, v13  }
0x295: {  	v16 =	vmin.f32 v17, v19;
	v12 =	vmin.f32 v12, v13;
	(xrf1) =	vsort.dscd.msk.f32 $0xffff, v15, v15  }
0x296: {  	v13 =	vmax.f32 v14, v16;
	v14 =	vmin.f32 v14, v16;
	(xrf1) =	vsort.dscd.msk.f32 $0xffff, v12, v12  }
0x297: {  	s30 =	simm.s32 $0x0;
	v12 =	vmax.f32 v8, v10;
	(xrf1) =	vsort.dscd.msk.f32 $0xffff, v13, v13;
	v13 =	vmax.f32 v9, v11  }
0x298: {  	v8 =	vmin.f32 v8, v10;
	(xrf1) =	vsort.dscd.msk.f32 $0xffff, v14, v14;
	v10 =	vmax.f32 v12, v13;
	v14 =	vld [tilespmem:s30+$0x1100]  }
0x299: {  	v9 =	vmin.f32 v9, v11;
	v11 =	vmin.f32 v12, v13;
	(xrf1) =	vsort.dscd.msk.f32 $0xffff, v10, v10;
	v10 =	vld [tilespmem:s30+$0x1110]  }
0x29a: {  	v12 =	vmax.f32 v8, v9;
	(xrf1) =	vsort.dscd.msk.f32 $0xffff, v11, v11;
	v11 =	vld [tilespmem:s30+$0x1120]  }
0x29b: {  	v8 =	vmin.f32 v8, v9;
	v9 =	vld [tilespmem:s30+$0x1130];
	(xrf1) =	vsort.dscd.msk.f32 $0xffff, v12, v12  }
0x29c: {  	(xrf1) =	vsort.dscd.msk.f32 $0xffff, v8, v8;
	v8 =	vld [tilespmem:s30+$0x1140]  }
0x29d: {  	(xrf1) =	vsort.ascd.msk.f32 $0xffff, v14, v14  }
0x29e: {  	v12 =	vld [tilespmem:s30+$0x1150];
	(xrf1) =	vsort.dscd.msk.f32 $0xffff, v10, v10  }
0x29f: {  	v10 =	vld [tilespmem:s30+$0x1160];
	(xrf1) =	vsort.dscd.msk.f32 $0xffff, v11, v11  }
0x2a0: {  	v13 =	vld [tilespmem:s30+$0x1170];
	(xrf1) =	vsort.ascd.msk.f32 $0xffff, v9, v9  }
0x2a1: {  	v11 =	vld [tilespmem:s30+$0x1180];
	(xrf1) =	vsort.dscd.msk.f32 $0xffff, v8, v8  }
0x2a2: {  	v14 =	vld [tilespmem:s30+$0x1190]  }
0x2a3: {  	v15 =	vld [tilespmem:s30+$0x11A0];
	(xrf1) =	vsort.ascd.msk.f32 $0xffff, v12, v12;
	v8, _, _ =	vpop (xrf1)  }
0x2a4: {  	v12 =	vld [tilespmem:s30+$0x11B0];
	(xrf1) =	vsort.ascd.msk.f32 $0xffff, v10, v10;
	v9, _, _ =	vpop (xrf1)  }
0x2a5: {  	v16 =	vld [tilespmem:s30+$0x11C0];
	(xrf1) =	vsort.dscd.msk.f32 $0xffff, v13, v13;
	v10, _, _ =	vpop (xrf1)  }
0x2a6: {  	v17 =	vld [tilespmem:s30+$0x11D0];
	(xrf1) =	vsort.ascd.msk.f32 $0xffff, v11, v11;
	v11, _, _ =	vpop (xrf1)  }
0x2a7: {  	v18 =	vld [tilespmem:s30+$0x11E0];
	(xrf1) =	vsort.dscd.msk.f32 $0xffff, v14, v14;
	v13, _, _ =	vpop (xrf1)  }
0x2a8: {  	v19 =	vld [tilespmem:s30+$0x11F0];
	(xrf1) =	vsort.dscd.msk.f32 $0xffff, v15, v15;
	v15, _, _ =	vpop (xrf1)  }
0x2a9: {  	(xrf1) =	vsort.ascd.msk.f32 $0xffff, v12, v12;
	v14, _, _ =	vpop (xrf1)  }
0x2aa: {  	(xrf1) =	vsort.dscd.msk.f32 $0xffff, v16, v16;
	v16, _, _ =	vpop (xrf1)  }
0x2ab: {  	(xrf1) =	vsort.ascd.msk.f32 $0xffff, v17, v17;
	v12, _, _ =	vpop (xrf1)  }
0x2ac: {  	(xrf1) =	vsort.ascd.msk.f32 $0xffff, v18, v18;
	v17, _, _ =	vpop (xrf1)  }
0x2ad: {  	(xrf1) =	vsort.dscd.msk.f32 $0xffff, v19, v19;
	v18, _, _ =	vpop (xrf1);
	v19 =	vmin.f32 v12, v17  }
0x2ae: {  	v12 =	vmax.f32 v12, v17;
	v57, _, _ =	vpop (xrf1);
	(xrf1) =	vsort.ascd.msk.f32 $0xffff, v19, v19  }
0x2af: {  	v17, _, _ =	vpop (xrf1);
	(xrf1) =	vsort.ascd.msk.f32 $0xffff, v12, v12;
	v12 =	vmax.f32 v18, v57  }
0x2b0: {  	v18 =	vmin.f32 v18, v57  }
0x2b1: {  	v19, _, _ =	vpop (xrf1);
	(xrf1) =	vsort.dscd.msk.f32 $0xffff, v12, v12  }
0x2b2: {  	v58 =	vmax.f32 v17, v19;
	v17 =	vmin.f32 v17, v19;
	v12, _, _ =	vpop (xrf1);
	(xrf1) =	vsort.dscd.msk.f32 $0xffff, v18, v18  }
0x2b3: {  	v18, _, _ =	vpop (xrf1)  }
0x2b4: {  	(xrf1) =	vsort.dscd.msk.f32 $0xffff, v58, v58;
	v19, _, _ =	vpop (xrf1);
	v59 =	vmin.f32 v12, v18;
	v12 =	vmax.f32 v12, v18  }
0x2b5: {  	(xrf1) =	vsort.dscd.msk.f32 $0xffff, v17, v17;
	v17, _, _ =	vpop (xrf1)  }
0x2b6: {  	(xrf1) =	vsort.ascd.msk.f32 $0xffff, v59, v59;
	v18, _, _ =	vpop (xrf1);
	v60 =	vmin.f32 v19, v17;
	v17 =	vmax.f32 v19, v17  }
0x2b7: {  	(xrf1) =	vsort.ascd.msk.f32 $0xffff, v12, v12;
	v12, _, _ =	vpop (xrf1)  }
0x2b8: {  	(xrf1) =	vsort.ascd.msk.f32 $0xffff, v60, v60;
	v19, _, _ =	vpop (xrf1);
	v61 =	vmax.f32 v18, v12;
	v12 =	vmin.f32 v18, v12  }
0x2b9: {  	(xrf1) =	vsort.ascd.msk.f32 $0xffff, v17, v17;
	v17, _, _ =	vpop (xrf1)  }
0x2ba: {  	(xrf1) =	vsort.dscd.msk.f32 $0xffff, v61, v61;
	v18, _, _ =	vpop (xrf1);
	v62 =	vmax.f32 v19, v17;
	v17 =	vmin.f32 v19, v17  }
0x2bb: {  	s31 =	simm.s32 $0x100;
	(xrf1) =	vsort.dscd.msk.f32 $0xffff, v12, v12;
	v12, _, _ =	vpop (xrf1)  }
0x2bc: {  	v19 =	vld [tilespmem:s31+$0x1100];
	(xrf1) =	vsort.dscd.msk.f32 $0xffff, v62, v62;
	v63 =	vmin.f32 v18, v12;
	v12 =	vmax.f32 v18, v12  }
0x2bd: {  	(xrf1) =	vsort.dscd.msk.f32 $0xffff, v17, v17;
	v17, _, _ =	vpop (xrf1)  }
0x2be: {  	(xrf1) =	vsort.ascd.msk.f32 $0xffff, v63, v63;
	v18, _, _ =	vpop (xrf1)  }
0x2bf: {  	v32 =	vld [tilespmem:s31+$0x1110];
	(xrf1) =	vsort.ascd.msk.f32 $0xffff, v12, v12;
	v12, _, _ =	vpop (xrf1)  }
0x2c0: {  	v33, _, _ =	vpop (xrf1)  }
0x2c1: {  	(xrf1) =	vsort.ascd.msk.f32 $0xffff, v19, v19;
	v19 =	vmin.f32 v17, v12;
	v34 =	vmin.f32 v18, v33  }
0x2c2: {  	v12 =	vmax.f32 v17, v12;
	v17 =	vmin.f32 v19, v34  }
0x2c3: {  	v35, _, _ =	vpop (xrf1);
	v19 =	vmax.f32 v19, v34  }
0x2c4: {  	(xrf1) =	vsort.dscd.msk.f32 $0xffff, v32, v32;
	v36, _, _ =	vpop (xrf1)  }
0x2c5: {  	v18 =	vmax.f32 v18, v33;
	(xrf1) =	vsort.ascd.msk.f32 $0xffff, v17, v17;
	v17, _, _ =	vpop (xrf1)  }
0x2c6: {  	v20 =	vmin.f32 v12, v18;
	v12 =	vmax.f32 v12, v18;
	(xrf1) =	vsort.ascd.msk.f32 $0xffff, v19, v19;
	v19, _, _ =	vpop (xrf1)  }
0x2c7: {  	v37 =	vmax.f32 v35, v17;
	v18 =	vmax.f32 v36, v19  }
0x2c8: {  	(xrf1) =	vsort.ascd.msk.f32 $0xffff, v20, v20;
	v38, _, _ =	vpop (xrf1);
	v39 =	vmax.f32 v37, v18;
	v18 =	vmin.f32 v37, v18  }
0x2c9: {  	(xrf1) =	vsort.ascd.msk.f32 $0xffff, v12, v12;
	v12, _, _ =	vpop (xrf1)  }
0x2ca: {  	v17 =	vmin.f32 v35, v17;
	v19 =	vmin.f32 v36, v19;
	(xrf1) =	vsort.dscd.msk.f32 $0xffff, v39, v39;
	v40, _, _ =	vpop (xrf1)  }
0x2cb: {  	v41 =	vmax.f32 v17, v19;
	v17 =	vmin.f32 v17, v19;
	(xrf1) =	vsort.dscd.msk.f32 $0xffff, v18, v18;
	v18, _, _ =	vpop (xrf1)  }
0x2cc: {  	v42 =	vmin.f32 v38, v40;
	v19 =	vmin.f32 v12, v18  }
0x2cd: {  	(xrf1) =	vsort.dscd.msk.f32 $0xffff, v41, v41;
	v43, _, _ =	vpop (xrf1);
	v12 =	vmax.f32 v12, v18;
	v18 =	vmax.f32 v42, v19  }
0x2ce: {  	(xrf1) =	vsort.dscd.msk.f32 $0xffff, v17, v17;
	v44 =	vmin.f32 v42, v19;
	v17, _, _ =	vpop (xrf1)  }
0x2cf: {  	v20 =	vmax.f32 v38, v40;
	(xrf1) =	vsort.ascd.msk.f32 $0xffff, v44, v44;
	v19, _, _ =	vpop (xrf1)  }
0x2d0: {  	v45 =	vmin.f32 v20, v12;
	v12 =	vmax.f32 v20, v12;
	(xrf1) =	vsort.ascd.msk.f32 $0xffff, v18, v18;
	v18, _, _ =	vpop (xrf1)  }
0x2d1: {  	v46 =	vmax.f32 v43, v19;
	(xrf1) =	vsort.ascd.msk.f32 $0xffff, v45, v45;
	v47 =	vmax.f32 v17, v18  }
0x2d2: {  	v48 =	vld [tilespmem:s31+$0x1120];
	v19 =	vmin.f32 v43, v19;
	(xrf1) =	vsort.ascd.msk.f32 $0xffff, v12, v12;
	v49 =	vmax.f32 v46, v47  }
0x2d3: {  	v12 =	vld [tilespmem:s31+$0x1130];
	v27, _, _ =	vpop (xrf1);
	v17 =	vmin.f32 v17, v18;
	v18 =	vmin.f32 v46, v47;
	(xrf1) =	vsort.dscd.msk.f32 $0xffff, v49, v49  }
0x2d4: {  	v50 =	vld [tilespmem:s31+$0x1140];
	v28, _, _ =	vpop (xrf1);
	v51 =	vmax.f32 v19, v17;
	(xrf1) =	vsort.dscd.msk.f32 $0xffff, v18, v18  }
0x2d5: {  	v17 =	vmin.f32 v19, v17;
	v19, _, _ =	vpop (xrf1);
	v18 =	vld [tilespmem:s31+$0x1150];
	(xrf1) =	vsort.dscd.msk.f32 $0xffff, v51, v51  }
0x2d6: {  	v52 =	vld [tilespmem:s31+$0x1160];
	v53, _, _ =	vpop (xrf1);
	(xrf1) =	vsort.dscd.msk.f32 $0xffff, v17, v17  }
0x2d7: {  	v54, _, _ =	vpop (xrf1);
	v17 =	vld [tilespmem:s31+$0x1170];
	(xrf1) =	vsort.dscd.msk.f32 $0xffff, v48, v48  }
0x2d8: {  	v24 =	vld [tilespmem:s31+$0x1180];
	(xrf1) =	vsort.ascd.msk.f32 $0xffff, v12, v12;
	v12, _, _ =	vpop (xrf1)  }
0x2d9: {  	v25 =	vld [tilespmem:s31+$0x1190];
	(xrf1) =	vsort.dscd.msk.f32 $0xffff, v50, v50;
	v55, _, _ =	vpop (xrf1)  }
0x2da: {  	v26 =	vld [tilespmem:s31+$0x11A0];
	(xrf1) =	vsort.ascd.msk.f32 $0xffff, v18, v18;
	v18, _, _ =	vpop (xrf1)  }
0x2db: {  	v29 =	vld [tilespmem:s31+$0x11B0];
	(xrf1) =	vsort.ascd.msk.f32 $0xffff, v52, v52;
	v56, _, _ =	vpop (xrf1)  }
0x2dc: {  	v30 =	vld [tilespmem:s31+$0x11C0];
	(xrf1) =	vsort.dscd.msk.f32 $0xffff, v17, v17;
	v17, _, _ =	vpop (xrf1)  }
0x2dd: {  	(xrf1) =	vsort.ascd.msk.f32 $0xffff, v24, v24;
	v24, _, _ =	vpop (xrf1)  }
0x2de: {  	v31 =	vmin.f32 v53, v18;
	v18 =	vmax.f32 v53, v18;
	(xrf1) =	vsort.dscd.msk.f32 $0xffff, v25, v25;
	v25, _, _ =	vpop (xrf1)  }
0x2df: {  	v58 =	vmin.f32 v54, v56;
	v21 =	vmax.f32 v54, v56;
	(xrf1) =	vsort.dscd.msk.f32 $0xffff, v26, v26;
	v26, _, _ =	vpop (xrf1)  }
0x2e0: {  	v59 =	vmin.f32 v12, v17;
	v12 =	vmax.f32 v12, v17;
	(xrf1) =	vsort.ascd.msk.f32 $0xffff, v29, v29;
	v29, _, _ =	vpop (xrf1)  }
0x2e1: {  	(xrf1) =	vsort.dscd.msk.f32 $0xffff, v30, v30;
	v30 =	vmin.f32 v19, v55;
	v57, _, _ =	vpop (xrf1);
	v19 =	vmax.f32 v19, v55  }
0x2e2: {  	v60, _, _ =	vpop (xrf1);
	v61 =	vmin.f32 v24, v57;
	v32 =	vmax.f32 v24, v57;
	v40 =	vmin.f32 v30, v58  }
0x2e3: {  	v24 =	vmin.f32 v31, v59;
	v17, _, _ =	vpop (xrf1);
	v62 =	vmin.f32 v25, v60;
	v38 =	vmax.f32 v25, v60  }
0x2e4: {  	v25 =	vmin.f32 v40, v24;
	v20 =	vmax.f32 v40, v24;
	v63 =	vmin.f32 v26, v17  }
0x2e5: {  	v36, _, _ =	vpop (xrf1);
	v26 =	vmax.f32 v26, v17;
	v17 =	vmax.f32 v30, v58;
	v30 =	vmax.f32 v31, v59  }
0x2e6: {  	(xrf1) =	vsort.ascd.msk.f32 $0xffff, v25, v25;
	v25 =	vmin.f32 v19, v21;
	v37 =	vmin.f32 v29, v36  }
0x2e7: {  	v29 =	vmax.f32 v29, v36;
	v24 =	vmin.f32 v17, v30;
	(xrf1) =	vsort.ascd.msk.f32 $0xffff, v20, v20  }
0x2e8: {  	v41 =	vmax.f32 v17, v30;
	v30 =	vmin.f32 v18, v12;
	(xrf1) =	vsort.ascd.msk.f32 $0xffff, v24, v24  }
0x2e9: {  	v12 =	vmax.f32 v18, v12;
	v42 =	vmin.f32 v25, v30;
	v17, _, _ =	vpop (xrf1);
	(xrf1) =	vsort.ascd.msk.f32 $0xffff, v41, v41  }
0x2ea: {  	v24 =	vmax.f32 v19, v21;
	v43 =	vmax.f32 v25, v30;
	v19, _, _ =	vpop (xrf1);
	(xrf1) =	vsort.ascd.msk.f32 $0xffff, v42, v42  }
0x2eb: {  	v30 =	vmin.f32 v61, v63;
	v25 =	vmin.f32 v24, v12;
	v18, _, _ =	vpop (xrf1);
	(xrf1) =	vsort.ascd.msk.f32 $0xffff, v43, v43  }
0x2ec: {  	v12 =	vmax.f32 v24, v12;
	v24 =	vmin.f32 v62, v37;
	v44, _, _ =	vpop (xrf1);
	(xrf1) =	vsort.ascd.msk.f32 $0xffff, v25, v25  }
0x2ed: {  	v31 =	vmax.f32 v61, v63;
	v46 =	vmin.f32 v30, v24;
	v45, _, _ =	vpop (xrf1);
	(xrf1) =	vsort.ascd.msk.f32 $0xffff, v12, v12  }
0x2ee: {  	v24 =	vmax.f32 v30, v24;
	v12 =	vmax.f32 v62, v37;
	v47, _, _ =	vpop (xrf1);
	(xrf1) =	vsort.ascd.msk.f32 $0xffff, v46, v46  }
0x2ef: {  	v49 =	vmin.f32 v32, v26;
	v30 =	vmin.f32 v31, v12;
	v48, _, _ =	vpop (xrf1);
	(xrf1) =	vsort.ascd.msk.f32 $0xffff, v24, v24  }
0x2f0: {  	v12 =	vmax.f32 v31, v12;
	v31 =	vmin.f32 v38, v29;
	v25, _, _ =	vpop (xrf1);
	(xrf1) =	vsort.ascd.msk.f32 $0xffff, v30, v30  }
0x2f1: {  	v50 =	vmin.f32 v49, v31;
	v30 =	vmax.f32 v32, v26;
	v24, _, _ =	vpop (xrf1);
	(xrf1) =	vsort.ascd.msk.f32 $0xffff, v12, v12  }
0x2f2: {  	v29 =	vmax.f32 v38, v29;
	v31 =	vmax.f32 v49, v31;
	v26, _, _ =	vpop (xrf1);
	(xrf1) =	vsort.ascd.msk.f32 $0xffff, v50, v50  }
0x2f3: {  	v51 =	vld [tilespmem:s31+$0x11D0];
	v52 =	vmin.f32 v30, v29;
	v29 =	vmax.f32 v30, v29;
	v12, _, _ =	vpop (xrf1);
	(xrf1) =	vsort.ascd.msk.f32 $0xffff, v31, v31  }
0x2f4: {  	v31 =	vld [tilespmem:s31+$0x11E0];
	v30, _, _ =	vpop (xrf1);
	(xrf1) =	vsort.ascd.msk.f32 $0xffff, v52, v52  }
0x2f5: {  	v53 =	vld [tilespmem:s31+$0x11F0];
	v54, _, _ =	vpop (xrf1);
	(xrf1) =	vsort.ascd.msk.f32 $0xffff, v29, v29  }
0x2f6: {  	v29, _, _ =	vpop (xrf1)  }
0x2f7: {  	v55, _, _ =	vpop (xrf1)  }
0x2f8: {  	v57 =	vmin.f32 v27, v28;
	v27 =	vmax.f32 v27, v28;
	(xrf1) =	vsort.ascd.msk.f32 $0xffff, v51, v51;
	v56, _, _ =	vpop (xrf1)  }
0x2f9: {  	v7 =	vmax.f32 v7, v30;
	v6 =	vmax.f32 v6, v54;
	(xrf1) =	vsort.ascd.msk.f32 $0xffff, v31, v31;
	v31, _, _ =	vpop (xrf1)  }
0x2fa: {  	v5 =	vmax.f32 v5, v29;
	v4 =	vmax.f32 v4, v55;
	(xrf1) =	vsort.dscd.msk.f32 $0xffff, v53, v53;
	v28, _, _ =	vpop (xrf1)  }
0x2fb: {  	v3 =	vmax.f32 v3, v56;
	v2 =	vmax.f32 v2, v31;
	(xrf1) =	vsort.ascd.msk.f32 $0xffff, v57, v57;
	v29, _, _ =	vpop (xrf1)  }
0x2fc: {  	v1 =	vmax.f32 v1, v28;
	v28 =	vmin.f32 v7, v3;
	v31 =	vmin.f32 v6, v2;
	v30, _, _ =	vpop (xrf1)  }
0x2fd: {  	(xrf1) =	vsort.ascd.msk.f32 $0xffff, v27, v27;
	v3 =	vmax.f32 v7, v3;
	v0 =	vmax.f32 v0, v29;
	v29, _, _ =	vpop (xrf1)  }
0x2fe: {  	v2 =	vmax.f32 v6, v2;
	v58 =	vmin.f32 v5, v1;
	v59 =	vmin.f32 v4, v0;
	v60, _, _ =	vpop (xrf1)  }
0x2ff: {  	v1 =	vmax.f32 v5, v1;
	v61 =	vmin.f32 v28, v58;
	v62 =	vmin.f32 v31, v59;
	v63, _, _ =	vpop (xrf1)  }
0x300: {  	v6 =	vmax.f32 v8, v30;
	v0 =	vmax.f32 v4, v0;
	v7 =	vmin.f32 v61, v62;
	v27, _, _ =	vpop (xrf1)  }
0x301: {  	v8 =	vmax.f32 v10, v60;
	(xrf1) =	vsort.dscd.msk.f32 $0xffff, v7, v7;
	v7 =	vmax.f32 v9, v29;
	v5, _, _ =	vpop (xrf1)  }
0x302: {  	v10 =	vmax.f32 v11, v63;
	v11 =	vmax.f32 v13, v27;
	v9, _, _ =	vpop (xrf1);
	v5 =	vmax.f32 v15, v5  }
0x303: {  	v13, _, _ =	vpop (xrf1);
	v9 =	vmax.f32 v14, v9;
	v14 =	vmin.f32 v6, v11;
	v15 =	vmin.f32 v7, v5  }
0x304: {  	v6 =	vmax.f32 v6, v11;
	v5 =	vmax.f32 v7, v5;
	v13 =	vmax.f32 v16, v13  }
0x305: {  	v16 =	vmin.f32 v8, v9;
	v7 =	vmax.f32 v8, v9;
	v27 =	vmin.f32 v10, v13  }
0x306: {  	v11 =	vmin.f32 v14, v16;
	v8 =	vmax.f32 v10, v13;
	v29 =	vmin.f32 v15, v27  }
0x307: {  	v10 =	vmax.f32 v6, v7;
	v13 =	vmax.f32 v5, v8;
	v9 =	vmin.f32 v11, v29  }
0x308: {  	v6 =	vmin.f32 v6, v7;
	v7 =	vmax.f32 v10, v13;
	(xrf1) =	vsort.dscd.msk.f32 $0xffff, v9, v9  }
0x309: {  	v5 =	vmin.f32 v5, v8;
	v8 =	vmin.f32 v10, v13;
	(xrf1) =	vsort.dscd.msk.f32 $0xffff, v7, v7  }
0x30a: {  	v9 =	vmax.f32 v6, v5;
	v5 =	vmin.f32 v6, v5;
	(xrf1) =	vsort.dscd.msk.f32 $0xffff, v8, v8  }
0x30b: {  	v7 =	vmax.f32 v14, v16;
	v8 =	vmax.f32 v15, v27;
	(xrf1) =	vsort.dscd.msk.f32 $0xffff, v9, v9  }
0x30c: {  	v4 =	vmax.f32 v7, v8;
	v6 =	vmin.f32 v7, v8;
	(xrf1) =	vsort.dscd.msk.f32 $0xffff, v5, v5  }
0x30d: {  	v7 =	vmax.f32 v2, v0;
	v0 =	vmin.f32 v2, v0;
	(xrf1) =	vsort.dscd.msk.f32 $0xffff, v4, v4  }
0x30e: {  	v5 =	vmax.f32 v3, v1;
	v4 =	vmax.f32 v11, v29;
	(xrf1) =	vsort.dscd.msk.f32 $0xffff, v6, v6  }
0x30f: {  	v1 =	vmin.f32 v3, v1;
	v3 =	vmax.f32 v5, v7;
	(xrf1) =	vsort.dscd.msk.f32 $0xffff, v4, v4  }
0x310: {  	v13, _, _ =	vpop (xrf1);
	v2 =	vmin.f32 v5, v7;
	v4 =	vmax.f32 v1, v0;
	(xrf1) =	vsort.dscd.msk.f32 $0xffff, v3, v3  }
0x311: {  	v15, _, _ =	vpop (xrf1);
	v3 =	vmax.f32 v28, v58;
	(xrf1) =	vsort.dscd.msk.f32 $0xffff, v2, v2;
	v2 =	vmax.f32 v31, v59  }
0x312: {  	v16, _, _ =	vpop (xrf1);
	v0 =	vmin.f32 v1, v0;
	(xrf1) =	vsort.dscd.msk.f32 $0xffff, v4, v4;
	v1 =	vmax.f32 v3, v2  }
0x313: {  	v27, _, _ =	vpop (xrf1);
	(xrf1) =	vsort.dscd.msk.f32 $0xffff, v0, v0;
	v0 =	vmin.f32 v3, v2  }
0x314: {  	v28, _, _ =	vpop (xrf1);
	v2 =	vmax.f32 v61, v62;
	(xrf1) =	vsort.dscd.msk.f32 $0xffff, v1, v1  }
0x315: {  	v3 =	vmax.f32 v17, v19;
	v1, _, _ =	vpop (xrf1);
	(xrf1) =	vsort.dscd.msk.f32 $0xffff, v0, v0  }
0x316: {  	v4 =	vmin.f32 v17, v19;
	v0, _, _ =	vpop (xrf1);
	(xrf1) =	vsort.dscd.msk.f32 $0xffff, v2, v2  }
0x317: {  	v5 =	vmax.f32 v18, v44;
	(xrf1) =	vsort.dscd.msk.f32 $0xffff, v3, v3;
	v2, _, _ =	vpop (xrf1)  }
0x318: {  	v6 =	vmin.f32 v18, v44;
	(xrf1) =	vsort.dscd.msk.f32 $0xffff, v4, v4;
	v3, _, _ =	vpop (xrf1)  }
0x319: {  	v7 =	vmin.f32 v45, v47;
	(xrf1) =	vsort.dscd.msk.f32 $0xffff, v5, v5;
	v4, _, _ =	vpop (xrf1)  }
0x31a: {  	v8 =	vmax.f32 v45, v47;
	(xrf1) =	vsort.dscd.msk.f32 $0xffff, v6, v6;
	v5, _, _ =	vpop (xrf1)  }
0x31b: {  	v9 =	vmin.f32 v48, v25;
	(xrf1) =	vsort.ascd.msk.f32 $0xffff, v7, v7;
	v6, _, _ =	vpop (xrf1)  }
0x31c: {  	v10 =	vmax.f32 v48, v25;
	(xrf1) =	vsort.ascd.msk.f32 $0xffff, v8, v8;
	v7, _, _ =	vpop (xrf1)  }
0x31d: {  	v11 =	vmax.f32 v24, v26;
	(xrf1) =	vsort.ascd.msk.f32 $0xffff, v9, v9;
	v8, _, _ =	vpop (xrf1)  }
0x31e: {  	(xrf1) =	vsort.ascd.msk.f32 $0xffff, v10, v10;
	v9, _, _ =	vpop (xrf1)  }
0x31f: {  	v17 =	vmin.f32 v24, v26;
	(xrf1) =	vsort.dscd.msk.f32 $0xffff, v11, v11;
	v10, _, _ =	vpop (xrf1)  }
0x320: {  	s22 =	simm.s32 $0x800;
	v14 =	vmax.f32 v12, v13;
	(xrf1) =	vsort.dscd.msk.f32 $0xffff, v17, v17;
	v11, _, _ =	vpop (xrf1)  }
.LBB2_5:
0x321: {  	s23 =	sshra.s32 s22, $0x2;
	p0 =	sne.s32 s22, $0x3800;
	v12 =	vmin.f32 v12, v13;
	(xrf1) =	vsort.dscd.msk.f32 $0xffff, v14, v14;
	v13, _, _ =	vpop (xrf1)  }
0x322: {  	v18 =	vmin.f32 v15, v16;
	v17 =	vld [tilespmem:s23+$0x1100];
	(xrf1) =	vsort.dscd.msk.f32 $0xffff, v12, v12;
	v14, _, _ =	vpop (xrf1)  }
0x323: {  	v19 =	vmax.f32 v15, v16;
	v12 =	vld [tilespmem:s23+$0x1110];
	(xrf1) =	vsort.ascd.msk.f32 $0xffff, v18, v18;
	v16, _, _ =	vpop (xrf1)  }
0x324: {  	(xrf1) =	vsort.ascd.msk.f32 $0xffff, v19, v19;
	v15, _, _ =	vpop (xrf1)  }
0x325: {  	v18, _, _ =	vpop (xrf1)  }
0x326: {  	v19, _, _ =	vpop (xrf1)  }
0x327: {  	(xrf1) =	vsort.ascd.msk.f32 $0xffff, v17, v17;
	v17 =	vmin.f32 v27, v18;
	v20 =	vmin.f32 v28, v19;
	v21, _, _ =	vpop (xrf1)  }
0x328: {  	(xrf1) =	vsort.dscd.msk.f32 $0xffff, v12, v12;
	v12 =	vmax.f32 v27, v18;
	v23 =	vmin.f32 v17, v20;
	v22, _, _ =	vpop (xrf1)  }
0x329: {  	v19 =	vmax.f32 v28, v19;
	v24 =	vmax.f32 v17, v20;
	(xrf1) =	vsort.ascd.msk.f32 $0xffff, v23, v23;
	v18, _, _ =	vpop (xrf1)  }
0x32a: {  	v25 =	vmin.f32 v12, v19;
	v23 =	vmax.f32 v21, v18;
	(xrf1) =	vsort.ascd.msk.f32 $0xffff, v24, v24;
	v17, _, _ =	vpop (xrf1)  }
0x32b: {  	v24 =	vmax.f32 v12, v19;
	v19 =	vmax.f32 v22, v17;
	(xrf1) =	vsort.ascd.msk.f32 $0xffff, v25, v25;
	v20, _, _ =	vpop (xrf1)  }
0x32c: {  	v18 =	vmin.f32 v21, v18;
	v25 =	vmax.f32 v23, v19;
	(xrf1) =	vsort.ascd.msk.f32 $0xffff, v24, v24;
	v12, _, _ =	vpop (xrf1)  }
0x32d: {  	v17 =	vmin.f32 v22, v17;
	v24 =	vmin.f32 v23, v19;
	(xrf1) =	vsort.dscd.msk.f32 $0xffff, v25, v25;
	v21, _, _ =	vpop (xrf1)  }
0x32e: {  	v25 =	vmax.f32 v18, v17;
	v23 =	vmin.f32 v20, v21;
	(xrf1) =	vsort.dscd.msk.f32 $0xffff, v24, v24;
	v19, _, _ =	vpop (xrf1)  }
0x32f: {  	v24 =	vmin.f32 v18, v17;
	v18 =	vmin.f32 v12, v19;
	(xrf1) =	vsort.dscd.msk.f32 $0xffff, v25, v25;
	v22, _, _ =	vpop (xrf1)  }
0x330: {  	v20 =	vmax.f32 v20, v21;
	v21 =	vmin.f32 v23, v18;
	(xrf1) =	vsort.dscd.msk.f32 $0xffff, v24, v24;
	v17, _, _ =	vpop (xrf1)  }
0x331: {  	v12 =	vmax.f32 v12, v19;
	v24 =	vmax.f32 v23, v18;
	(xrf1) =	vsort.ascd.msk.f32 $0xffff, v21, v21;
	v19, _, _ =	vpop (xrf1)  }
0x332: {  	v21 =	vmin.f32 v20, v12;
	v23 =	vmax.f32 v22, v19;
	(xrf1) =	vsort.ascd.msk.f32 $0xffff, v24, v24;
	v18, _, _ =	vpop (xrf1)  }
0x333: {  	v12 =	vmax.f32 v20, v12;
	v20 =	vmax.f32 v17, v18;
	(xrf1) =	vsort.ascd.msk.f32 $0xffff, v21, v21  }
0x334: {  	v19 =	vmin.f32 v22, v19;
	v21 =	vld [tilespmem:s23+$0x1120];
	v22 =	vmax.f32 v23, v20;
	(xrf1) =	vsort.ascd.msk.f32 $0xffff, v12, v12  }
0x335: {  	v17 =	vmin.f32 v17, v18;
	v18 =	vmin.f32 v23, v20;
	v12 =	vld [tilespmem:s23+$0x1130];
	v27, _, _ =	vpop (xrf1);
	(xrf1) =	vsort.dscd.msk.f32 $0xffff, v22, v22  }
0x336: {  	v22 =	vmax.f32 v19, v17;
	v20 =	vld [tilespmem:s23+$0x1140];
	v28, _, _ =	vpop (xrf1);
	(xrf1) =	vsort.dscd.msk.f32 $0xffff, v18, v18  }
0x337: {  	v17 =	vmin.f32 v19, v17;
	v18 =	vld [tilespmem:s23+$0x1150];
	v19, _, _ =	vpop (xrf1);
	(xrf1) =	vsort.dscd.msk.f32 $0xffff, v22, v22  }
0x338: {  	v22 =	vld [tilespmem:s23+$0x1160];
	v23, _, _ =	vpop (xrf1);
	(xrf1) =	vsort.dscd.msk.f32 $0xffff, v17, v17  }
0x339: {  	v17 =	vld [tilespmem:s23+$0x1170];
	(xrf1) =	vsort.dscd.msk.f32 $0xffff, v21, v21;
	v21, _, _ =	vpop (xrf1)  }
0x33a: {  	v24 =	vld [tilespmem:s23+$0x1180];
	(xrf1) =	vsort.ascd.msk.f32 $0xffff, v12, v12;
	v12, _, _ =	vpop (xrf1)  }
0x33b: {  	v25 =	vld [tilespmem:s23+$0x1190];
	(xrf1) =	vsort.dscd.msk.f32 $0xffff, v20, v20;
	v20, _, _ =	vpop (xrf1)  }
0x33c: {  	v26 =	vld [tilespmem:s23+$0x11A0];
	(xrf1) =	vsort.ascd.msk.f32 $0xffff, v18, v18;
	v18, _, _ =	vpop (xrf1)  }
0x33d: {  	v29 =	vld [tilespmem:s23+$0x11B0];
	(xrf1) =	vsort.ascd.msk.f32 $0xffff, v22, v22;
	v22, _, _ =	vpop (xrf1)  }
0x33e: {  	v30 =	vld [tilespmem:s23+$0x11C0];
	(xrf1) =	vsort.dscd.msk.f32 $0xffff, v17, v17;
	v17, _, _ =	vpop (xrf1)  }
0x33f: {  	(xrf1) =	vsort.ascd.msk.f32 $0xffff, v24, v24;
	v24, _, _ =	vpop (xrf1)  }
0x340: {  	(xrf1) =	vsort.dscd.msk.f32 $0xffff, v25, v25;
	v25, _, _ =	vpop (xrf1)  }
0x341: {  	(xrf1) =	vsort.dscd.msk.f32 $0xffff, v26, v26;
	v26, _, _ =	vpop (xrf1)  }
0x342: {  	(xrf1) =	vsort.ascd.msk.f32 $0xffff, v29, v29;
	v29, _, _ =	vpop (xrf1)  }
0x343: {  	v31 =	vmin.f32 v23, v18;
	(xrf1) =	vsort.dscd.msk.f32 $0xffff, v30, v30;
	v30 =	vmin.f32 v19, v20;
	v32, _, _ =	vpop (xrf1)  }
0x344: {  	v35 =	vmax.f32 v19, v20;
	v33 =	vmin.f32 v21, v22;
	v34 =	vmin.f32 v12, v17;
	v19, _, _ =	vpop (xrf1)  }
0x345: {  	v23 =	vmax.f32 v23, v18;
	v36 =	vmax.f32 v21, v22;
	v12 =	vmax.f32 v12, v17;
	v18, _, _ =	vpop (xrf1)  }
0x346: {  	v37 =	vmin.f32 v24, v32;
	v38 =	vmin.f32 v25, v19;
	v39 =	vmin.f32 v26, v18;
	v21, _, _ =	vpop (xrf1)  }
0x347: {  	v32 =	vmax.f32 v24, v32;
	v41 =	vmax.f32 v25, v19;
	v17, _, _ =	vpop (xrf1);
	v40 =	vmin.f32 v29, v21  }
0x348: {  	v24 =	vmin.f32 v31, v34;
	v19 =	vmin.f32 v30, v33;
	v42 =	vmax.f32 v26, v18;
	v20, _, _ =	vpop (xrf1)  }
0x349: {  	v25 =	vmax.f32 v30, v33;
	v26 =	vmin.f32 v19, v24;
	v29 =	vmax.f32 v29, v21;
	v18, _, _ =	vpop (xrf1)  }
0x34a: {  	v21 =	vmax.f32 v31, v34;
	v31 =	vmax.f32 v19, v24;
	v22, _, _ =	vpop (xrf1);
	(xrf1) =	vsort.ascd.msk.f32 $0xffff, v26, v26  }
0x34b: {  	v30 =	vmin.f32 v35, v36;
	v26 =	vmin.f32 v25, v21;
	v19, _, _ =	vpop (xrf1);
	(xrf1) =	vsort.ascd.msk.f32 $0xffff, v31, v31  }
0x34c: {  	v34 =	vmax.f32 v25, v21;
	v31 =	vmin.f32 v23, v12;
	v24, _, _ =	vpop (xrf1);
	(xrf1) =	vsort.ascd.msk.f32 $0xffff, v26, v26  }
0x34d: {  	v33 =	vmax.f32 v35, v36;
	v26 =	vmin.f32 v30, v31;
	v21, _, _ =	vpop (xrf1);
	(xrf1) =	vsort.ascd.msk.f32 $0xffff, v34, v34  }
0x34e: {  	v12 =	vmax.f32 v23, v12;
	v30 =	vmax.f32 v30, v31;
	v25, _, _ =	vpop (xrf1);
	(xrf1) =	vsort.ascd.msk.f32 $0xffff, v26, v26  }
0x34f: {  	v31 =	vmin.f32 v33, v12;
	v34 =	vmin.f32 v37, v39;
	v23, _, _ =	vpop (xrf1);
	(xrf1) =	vsort.ascd.msk.f32 $0xffff, v30, v30  }
0x350: {  	v30 =	vmax.f32 v33, v12;
	v33 =	vmin.f32 v38, v40;
	v26, _, _ =	vpop (xrf1);
	(xrf1) =	vsort.ascd.msk.f32 $0xffff, v31, v31  }
0x351: {  	v31 =	vmax.f32 v37, v39;
	v35 =	vmin.f32 v34, v33;
	v12, _, _ =	vpop (xrf1);
	(xrf1) =	vsort.ascd.msk.f32 $0xffff, v30, v30  }
0x352: {  	v33 =	vmax.f32 v34, v33;
	v30 =	vmax.f32 v38, v40;
	(xrf1) =	vsort.ascd.msk.f32 $0xffff, v35, v35  }
0x353: {  	v34 =	vmin.f32 v31, v30;
	v35 =	vmin.f32 v32, v42;
	(xrf1) =	vsort.ascd.msk.f32 $0xffff, v33, v33  }
0x354: {  	v30 =	vmax.f32 v31, v30;
	v31 =	vmin.f32 v41, v29;
	(xrf1) =	vsort.ascd.msk.f32 $0xffff, v34, v34  }
0x355: {  	v32 =	vmax.f32 v32, v42;
	v34 =	vmin.f32 v35, v31;
	v33 =	vld [tilespmem:s23+$0x11D0];
	(xrf1) =	vsort.ascd.msk.f32 $0xffff, v30, v30  }
0x356: {  	v29 =	vmax.f32 v41, v29;
	v36 =	vmax.f32 v35, v31;
	v30 =	vld [tilespmem:s23+$0x11E0];
	(xrf1) =	vsort.ascd.msk.f32 $0xffff, v34, v34  }
0x357: {  	v35 =	vmin.f32 v32, v29;
	v34 =	vld [tilespmem:s23+$0x11F0];
	(xrf1) =	vsort.ascd.msk.f32 $0xffff, v36, v36  }
0x358: {  	v36 =	vmax.f32 v32, v29;
	v31, _, _ =	vpop (xrf1);
	(xrf1) =	vsort.ascd.msk.f32 $0xffff, v35, v35  }
0x359: {  	v32, _, _ =	vpop (xrf1);
	(xrf1) =	vsort.ascd.msk.f32 $0xffff, v36, v36  }
0x35a: {  	(xrf1) =	vsort.ascd.msk.f32 $0xffff, v33, v33;
	v29, _, _ =	vpop (xrf1)  }
0x35b: {  	(xrf1) =	vsort.ascd.msk.f32 $0xffff, v30, v30;
	v30, _, _ =	vpop (xrf1)  }
0x35c: {  	v33 =	vmin.f32 v27, v28;
	(xrf1) =	vsort.dscd.msk.f32 $0xffff, v34, v34;
	v34, _, _ =	vpop (xrf1)  }
0x35d: {  	v35 =	vmax.f32 v27, v28;
	(xrf1) =	vsort.ascd.msk.f32 $0xffff, v33, v33;
	v28, _, _ =	vpop (xrf1)  }
0x35e: {  	(xrf1) =	vsort.ascd.msk.f32 $0xffff, v35, v35;
	v27, _, _ =	vpop (xrf1)  }
0x35f: {  	v9 =	vmax.f32 v9, v31;
	v10 =	vmax.f32 v10, v32;
	v11 =	vmax.f32 v11, v29;
	v29, _, _ =	vpop (xrf1)  }
0x360: {  	v13 =	vmax.f32 v13, v30;
	v14 =	vmax.f32 v14, v34;
	v16 =	vmax.f32 v16, v28;
	v28, _, _ =	vpop (xrf1)  }
0x361: {  	v15 =	vmax.f32 v15, v27;
	v1 =	vmax.f32 v1, v29;
	v29 =	vmin.f32 v9, v14;
	v27, _, _ =	vpop (xrf1)  }
0x362: {  	v30 =	vmin.f32 v10, v16;
	v31 =	vmin.f32 v11, v15;
	v32 =	vmin.f32 v13, v1;
	v33, _, _ =	vpop (xrf1)  }
0x363: {  	v9 =	vmax.f32 v9, v14;
	v14 =	vmin.f32 v29, v31;
	v34 =	vmin.f32 v30, v32;
	v35, _, _ =	vpop (xrf1)  }
0x364: {  	v10 =	vmax.f32 v10, v16;
	v11 =	vmax.f32 v11, v15;
	v37 =	vmin.f32 v14, v34;
	v16, _, _ =	vpop (xrf1)  }
0x365: {  	v1 =	vmax.f32 v13, v1;
	v36 =	vmax.f32 v9, v11;
	(xrf1) =	vsort.dscd.msk.f32 $0xffff, v37, v37;
	v13, _, _ =	vpop (xrf1)  }
0x366: {  	v2 =	vmax.f32 v2, v28;
	v3 =	vmax.f32 v3, v27;
	v4 =	vmax.f32 v4, v33;
	v15, _, _ =	vpop (xrf1)  }
0x367: {  	v5 =	vmax.f32 v5, v35;
	v6 =	vmax.f32 v6, v16;
	v7 =	vmax.f32 v7, v13;
	v16, _, _ =	vpop (xrf1)  }
0x368: {  	v33 =	vmin.f32 v2, v6;
	v8 =	vmax.f32 v8, v15;
	v13, _, _ =	vpop (xrf1);
	v0 =	vmax.f32 v0, v16  }
0x369: {  	v35 =	vmin.f32 v3, v7;
	v37 =	vmin.f32 v4, v8;
	v15, _, _ =	vpop (xrf1);
	v38 =	vmin.f32 v5, v0  }
0x36a: {  	v2 =	vmax.f32 v2, v6;
	v6 =	vmin.f32 v33, v37;
	v16, _, _ =	vpop (xrf1);
	v39 =	vmin.f32 v35, v38  }
0x36b: {  	v3 =	vmax.f32 v3, v7;
	v4 =	vmax.f32 v4, v8;
	v27, _, _ =	vpop (xrf1);
	v7 =	vmin.f32 v6, v39  }
0x36c: {  	v0 =	vmax.f32 v5, v0;
	v5 =	vmax.f32 v2, v4;
	v28, _, _ =	vpop (xrf1);
	(xrf1) =	vsort.dscd.msk.f32 $0xffff, v7, v7  }
0x36d: {  	v2 =	vmin.f32 v2, v4;
	v4 =	vmax.f32 v3, v0;
	v0 =	vmin.f32 v3, v0  }
0x36e: {  	v3 =	vmax.f32 v33, v37;
	v8 =	vmax.f32 v5, v4;
	v7 =	vmax.f32 v35, v38  }
0x36f: {  	v4 =	vmin.f32 v5, v4;
	v5 =	vmax.f32 v2, v0;
	v0 =	vmin.f32 v2, v0  }
0x370: {  	v6 =	vmax.f32 v6, v39;
	v2 =	vmax.f32 v3, v7;
	v3 =	vmin.f32 v3, v7  }
0x371: {  	v7 =	vmin.f32 v9, v11;
	v9 =	vmax.f32 v10, v1;
	(xrf1) =	vsort.dscd.msk.f32 $0xffff, v8, v8  }
0x372: {  	v8 =	vmin.f32 v10, v1;
	v10 =	vmax.f32 v29, v31;
	(xrf1) =	vsort.dscd.msk.f32 $0xffff, v4, v4  }
0x373: {  	v11 =	vmax.f32 v36, v9;
	v4 =	vmax.f32 v30, v32;
	v1, _, _ =	vpop (xrf1);
	(xrf1) =	vsort.dscd.msk.f32 $0xffff, v5, v5  }
0x374: {  	v5 =	vmin.f32 v36, v9;
	v9 =	vmax.f32 v7, v8;
	(xrf1) =	vsort.dscd.msk.f32 $0xffff, v0, v0  }
0x375: {  	v7 =	vmin.f32 v7, v8;
	v8 =	vmax.f32 v10, v4;
	(xrf1) =	vsort.dscd.msk.f32 $0xffff, v2, v2  }
0x376: {  	v2 =	vmin.f32 v10, v4;
	v4 =	vmax.f32 v14, v34;
	(xrf1) =	vsort.dscd.msk.f32 $0xffff, v3, v3  }
0x377: {  	(xrf1) =	vsort.dscd.msk.f32 $0xffff, v6, v6  }
0x378: {  	(xrf1) =	vsort.dscd.msk.f32 $0xffff, v11, v11  }
0x379: {  	(xrf1) =	vsort.dscd.msk.f32 $0xffff, v5, v5  }
0x37a: {  	(xrf1) =	vsort.dscd.msk.f32 $0xffff, v9, v9;
	v0, _, _ =	vpop (xrf1)  }
0x37b: {  	(xrf1) =	vsort.dscd.msk.f32 $0xffff, v7, v7  }
0x37c: {  	(xrf1) =	vsort.dscd.msk.f32 $0xffff, v8, v8  }
0x37d: {  	(xrf1) =	vsort.dscd.msk.f32 $0xffff, v2, v2  }
0x37e: {  	v5 =	vmax.f32 v17, v20;
	(xrf1) =	vsort.dscd.msk.f32 $0xffff, v4, v4  }
0x37f: {  	v6 =	vmin.f32 v17, v20;
	(xrf1) =	vsort.dscd.msk.f32 $0xffff, v5, v5;
	v2, _, _ =	vpop (xrf1)  }
0x380: {  	v7 =	vmax.f32 v18, v22;
	(xrf1) =	vsort.dscd.msk.f32 $0xffff, v6, v6;
	v3, _, _ =	vpop (xrf1)  }
0x381: {  	v8 =	vmin.f32 v18, v22;
	(xrf1) =	vsort.dscd.msk.f32 $0xffff, v7, v7;
	v4, _, _ =	vpop (xrf1)  }
0x382: {  	v9 =	vmin.f32 v19, v24;
	(xrf1) =	vsort.dscd.msk.f32 $0xffff, v8, v8;
	v5, _, _ =	vpop (xrf1)  }
0x383: {  	v10 =	vmax.f32 v19, v24;
	(xrf1) =	vsort.ascd.msk.f32 $0xffff, v9, v9;
	v6, _, _ =	vpop (xrf1)  }
.Ltmp1:
0x384: {  	v11 =	vmin.f32 v21, v25;
	(xrf1) =	vsort.ascd.msk.f32 $0xffff, v10, v10;
	v7, _, _ =	vpop (xrf1);
	(pc) =	sbr.rel @p0 .LBB2_5-.Ltmp1, $4  }
0x385: {  	v14 =	vmax.f32 v21, v25;
	(xrf1) =	vsort.ascd.msk.f32 $0xffff, v11, v11;
	v8, _, _ =	vpop (xrf1)  }
0x386: {  	v17 =	vmax.f32 v23, v26;
	(xrf1) =	vsort.ascd.msk.f32 $0xffff, v14, v14;
	v9, _, _ =	vpop (xrf1)  }
0x387: {  	v18 =	vmin.f32 v23, v26;
	(xrf1) =	vsort.dscd.msk.f32 $0xffff, v17, v17;
	v10, _, _ =	vpop (xrf1)  }
0x388: {  	s22 =	sadd.s32 $0x400, s22;
	v14 =	vmax.f32 v12, v13;
	(xrf1) =	vsort.dscd.msk.f32 $0xffff, v18, v18;
	v11, _, _ =	vpop (xrf1)  }
0x389: {  	v13 =	vmin.f32 v12, v13;
	_ =	sdelay $0x1  }
0x38a: {  	(xrf1) =	vsort.dscd.msk.f32 $0xffff, v14, v14;
	v12, _, _ =	vpop (xrf1)  }
0x38b: {  	v53 =	vmin.f32 v15, v16;
	(xrf1) =	vsort.dscd.msk.f32 $0xffff, v13, v13;
	v13, _, _ =	vpop (xrf1)  }
0x38c: {  	v54 =	vmax.f32 v15, v16;
	(xrf1) =	vsort.ascd.msk.f32 $0xffff, v53, v53;
	v14, _, _ =	vpop (xrf1)  }
0x38d: {  	(xrf1) =	vsort.ascd.msk.f32 $0xffff, v54, v54;
	v15, _, _ =	vpop (xrf1)  }
0x38e: {  	v55, _, _ =	vpop (xrf1)  }
0x38f: {  	v17, _, _ =	vpop (xrf1)  }
0x390: {  	v18 =	vmin.f32 v27, v55;
	v19 =	vmin.f32 v28, v17;
	v20, _, _ =	vpop (xrf1)  }
0x391: {  	v16 =	vmax.f32 v27, v55;
	v21 =	vmin.f32 v18, v19;
	v22, _, _ =	vpop (xrf1)  }
0x392: {  	v17 =	vmax.f32 v28, v17;
	v18 =	vmax.f32 v18, v19;
	(xrf1) =	vsort.ascd.msk.f32 $0xffff, v21, v21;
	v56, _, _ =	vpop (xrf1)  }
0x393: {  	v57 =	vmin.f32 v16, v17;
	v16 =	vmax.f32 v16, v17;
	(xrf1) =	vsort.ascd.msk.f32 $0xffff, v18, v18;
	v58, _, _ =	vpop (xrf1)  }
0x394: {  	v23 =	vmax.f32 v20, v56;
	v59 =	vmax.f32 v22, v58;
	(xrf1) =	vsort.ascd.msk.f32 $0xffff, v57, v57;
	v60, _, _ =	vpop (xrf1)  }
0x395: {  	v19 =	vmin.f32 v20, v56;
	v61 =	vmax.f32 v23, v59;
	(xrf1) =	vsort.ascd.msk.f32 $0xffff, v16, v16;
	v62, _, _ =	vpop (xrf1)  }
0x396: {  	v18 =	vmin.f32 v22, v58;
	v17 =	vmin.f32 v23, v59;
	(xrf1) =	vsort.dscd.msk.f32 $0xffff, v61, v61;
	v63, _, _ =	vpop (xrf1)  }
0x397: {  	v22 =	vmax.f32 v19, v18;
	v18 =	vmin.f32 v19, v18;
	(xrf1) =	vsort.dscd.msk.f32 $0xffff, v17, v17;
	v25, _, _ =	vpop (xrf1)  }
0x398: {  	v24 =	vmin.f32 v60, v63;
	v26 =	vmin.f32 v62, v25;
	(xrf1) =	vsort.dscd.msk.f32 $0xffff, v22, v22;
	v27, _, _ =	vpop (xrf1)  }
0x399: {  	v20 =	vmax.f32 v60, v63;
	v28 =	vmin.f32 v24, v26;
	(xrf1) =	vsort.dscd.msk.f32 $0xffff, v18, v18;
	v29, _, _ =	vpop (xrf1)  }
0x39a: {  	v16 =	vmax.f32 v62, v25;
	v30 =	vmax.f32 v24, v26;
	(xrf1) =	vsort.ascd.msk.f32 $0xffff, v28, v28;
	v31, _, _ =	vpop (xrf1)  }
0x39b: {  	v32 =	vmin.f32 v20, v16;
	v16 =	vmax.f32 v20, v16;
	(xrf1) =	vsort.ascd.msk.f32 $0xffff, v30, v30;
	v34, _, _ =	vpop (xrf1)  }
0x39c: {  	v33 =	vmax.f32 v27, v31;
	v35 =	vmax.f32 v29, v34;
	(xrf1) =	vsort.ascd.msk.f32 $0xffff, v32, v32  }
0x39d: {  	v36 =	vmax.f32 v33, v35;
	(xrf1) =	vsort.ascd.msk.f32 $0xffff, v16, v16  }
0x39e: {  	v38 =	vmin.f32 v33, v35;
	(xrf1) =	vsort.dscd.msk.f32 $0xffff, v36, v36  }
0x39f: {  	(xrf1) =	vsort.dscd.msk.f32 $0xffff, v38, v38  }
0x3a0: {  	v39, _, _ =	vpop (xrf1)  }
0x3a1: {  	v19 =	vmin.f32 v27, v31;
	v37 =	vmin.f32 v29, v34;
	v40, _, _ =	vpop (xrf1)  }
0x3a2: {  	v18 =	vmax.f32 v19, v37;
	v41, _, _ =	vpop (xrf1)  }
0x3a3: {  	v16 =	vmin.f32 v19, v37;
	(xrf1) =	vsort.dscd.msk.f32 $0xffff, v18, v18;
	v42, _, _ =	vpop (xrf1)  }
0x3a4: {  	(xrf1) =	vsort.dscd.msk.f32 $0xffff, v16, v16;
	v43, _, _ =	vpop (xrf1)  }
0x3a5: {  	v44, _, _ =	vpop (xrf1)  }
0x3a6: {  	v45, _, _ =	vpop (xrf1)  }
0x3a7: {  	v48 =	vmin.f32 v39, v43;
	v17 =	vmax.f32 v39, v43;
	v46, _, _ =	vpop (xrf1)  }
0x3a8: {  	v29 =	vmin.f32 v40, v44;
	v18 =	vmax.f32 v40, v44;
	v31 =	vmin.f32 v41, v45;
	v24, _, _ =	vpop (xrf1)  }
0x3a9: {  	v16 =	vmax.f32 v41, v45;
	v32 =	vmin.f32 v42, v46;
	v19 =	vmax.f32 v42, v46;
	v25, _, _ =	vpop (xrf1)  }
0x3aa: {  	v53 =	vmin.f32 v48, v31;
	v55 =	vmax.f32 v48, v31;
	v58 =	vmin.f32 v17, v16;
	v26, _, _ =	vpop (xrf1)  }
0x3ab: {  	v16 =	vmax.f32 v17, v16;
	v54 =	vmin.f32 v29, v32;
	v29 =	vmax.f32 v29, v32;
	v47, _, _ =	vpop (xrf1)  }
0x3ac: {  	v60 =	vmin.f32 v18, v19;
	v18 =	vmax.f32 v18, v19;
	v56 =	vmin.f32 v53, v54;
	v30, _, _ =	vpop (xrf1)  }
0x3ad: {  	v57 =	vmin.f32 v55, v29;
	v59 =	vmax.f32 v55, v29;
	(xrf1) =	vsort.ascd.msk.f32 $0xffff, v56, v56;
	v49, _, _ =	vpop (xrf1)  }
0x3ae: {  	v52 =	vmin.f32 v25, v49;
	v20 =	vmax.f32 v25, v49;
	v25 =	vmax.f32 v53, v54  }
0x3af: {  	v61 =	vmin.f32 v58, v60;
	v62 =	vmax.f32 v58, v60;
	(xrf1) =	vsort.ascd.msk.f32 $0xffff, v25, v25  }
0x3b0: {  	v63 =	vmin.f32 v16, v18;
	v16 =	vmax.f32 v16, v18;
	(xrf1) =	vsort.ascd.msk.f32 $0xffff, v57, v57  }
0x3b1: {  	v51 =	vmin.f32 v24, v30;
	v24 =	vmax.f32 v24, v30;
	v50, _, _ =	vpop (xrf1);
	(xrf1) =	vsort.ascd.msk.f32 $0xffff, v59, v59  }
0x3b2: {  	v33 =	vmin.f32 v26, v50;
	v34, _, _ =	vpop (xrf1);
	v21 =	vmax.f32 v26, v50;
	(xrf1) =	vsort.ascd.msk.f32 $0xffff, v61, v61  }
0x3b3: {  	v35 =	vmin.f32 v47, v34;
	v27 =	vmax.f32 v47, v34;
	(xrf1) =	vsort.ascd.msk.f32 $0xffff, v62, v62  }
0x3b4: {  	v28 =	vmin.f32 v51, v33;
	v29 =	vmin.f32 v52, v35;
	(xrf1) =	vsort.ascd.msk.f32 $0xffff, v63, v63  }
0x3b5: {  	v30 =	vmax.f32 v51, v33;
	v31 =	vmin.f32 v28, v29;
	(xrf1) =	vsort.ascd.msk.f32 $0xffff, v16, v16  }
0x3b6: {  	v32 =	vmax.f32 v52, v35;
	v18 =	vmax.f32 v28, v29;
	(xrf1) =	vsort.ascd.msk.f32 $0xffff, v31, v31  }
0x3b7: {  	v34 =	vmin.f32 v24, v21;
	v33 =	vmin.f32 v30, v32;
	(xrf1) =	vsort.ascd.msk.f32 $0xffff, v18, v18  }
0x3b8: {  	v35 =	vmin.f32 v20, v27;
	v16 =	vmax.f32 v30, v32;
	(xrf1) =	vsort.ascd.msk.f32 $0xffff, v33, v33  }
0x3b9: {  	v36 =	vmax.f32 v24, v21;
	v37 =	vmin.f32 v34, v35;
	(xrf1) =	vsort.ascd.msk.f32 $0xffff, v16, v16  }
0x3ba: {  	v38 =	vmax.f32 v20, v27;
	v17 =	vmax.f32 v34, v35;
	(xrf1) =	vsort.ascd.msk.f32 $0xffff, v37, v37  }
0x3bb: {  	v39 =	vmin.f32 v36, v38;
	(xrf1) =	vsort.ascd.msk.f32 $0xffff, v17, v17  }
0x3bc: {  	v16 =	vmax.f32 v36, v38;
	v40, _, _ =	vpop (xrf1);
	(xrf1) =	vsort.ascd.msk.f32 $0xffff, v39, v39  }
0x3bd: {  	v41, _, _ =	vpop (xrf1);
	(xrf1) =	vsort.ascd.msk.f32 $0xffff, v16, v16  }
0x3be: {  	v42, _, _ =	vpop (xrf1)  }
0x3bf: {  	v43, _, _ =	vpop (xrf1)  }
0x3c0: {  	v44, _, _ =	vpop (xrf1)  }
0x3c1: {  	v45, _, _ =	vpop (xrf1)  }
0x3c2: {  	v9 =	vmax.f32 v9, v40;
	v46, _, _ =	vpop (xrf1)  }
0x3c3: {  	v10 =	vmax.f32 v10, v41;
	v11 =	vmax.f32 v11, v42;
	v13 =	vmax.f32 v13, v44;
	v47, _, _ =	vpop (xrf1)  }
0x3c4: {  	v12 =	vmax.f32 v12, v43;
	v14 =	vmax.f32 v14, v45;
	v49 =	vmin.f32 v9, v13;
	v48, _, _ =	vpop (xrf1)  }
0x3c5: {  	v9 =	vmax.f32 v9, v13;
	v15 =	vmax.f32 v15, v46;
	v1 =	vmax.f32 v1, v47;
	v50, _, _ =	vpop (xrf1)  }
0x3c6: {  	v51 =	vmin.f32 v10, v14;
	v52 =	vmin.f32 v11, v15;
	v53 =	vmin.f32 v12, v1;
	v54, _, _ =	vpop (xrf1)  }
0x3c7: {  	v10 =	vmax.f32 v10, v14;
	v55 =	vmin.f32 v49, v52;
	v56 =	vmin.f32 v51, v53;
	v57, _, _ =	vpop (xrf1)  }
0x3c8: {  	v11 =	vmax.f32 v11, v15;
	v2 =	vmax.f32 v2, v48;
	v58 =	vmin.f32 v55, v56;
	v59, _, _ =	vpop (xrf1)  }
0x3c9: {  	v3 =	vmax.f32 v3, v50;
	v4 =	vmax.f32 v4, v54;
	(xrf1) =	vsort.dscd.msk.f32 $0xffff, v58, v58;
	v60, _, _ =	vpop (xrf1)  }
0x3ca: {  	v5 =	vmax.f32 v5, v57;
	v6 =	vmax.f32 v6, v59;
	v61, _, _ =	vpop (xrf1);
	v7 =	vmax.f32 v7, v60  }
0x3cb: {  	v63 =	vmin.f32 v2, v6;
	v2 =	vmax.f32 v2, v6;
	v62, _, _ =	vpop (xrf1);
	v8 =	vmax.f32 v8, v61  }
0x3cc: {  	v22 =	vmin.f32 v3, v7;
	v3 =	vmax.f32 v3, v7;
	v0 =	vmax.f32 v0, v62  }
0x3cd: {  	v25 =	vmin.f32 v4, v8;
	v4 =	vmax.f32 v4, v8;
	v26 =	vmin.f32 v5, v0  }
0x3ce: {  	v27 =	vmin.f32 v63, v25;
	v0 =	vmax.f32 v5, v0;
	v28 =	vmin.f32 v22, v26  }
0x3cf: {  	v30 =	vmax.f32 v2, v4;
	v31 =	vmax.f32 v3, v0;
	v29 =	vmin.f32 v27, v28  }
0x3d0: {  	v2 =	vmin.f32 v2, v4;
	v32 =	vmax.f32 v30, v31;
	(xrf1) =	vsort.dscd.msk.f32 $0xffff, v29, v29  }
0x3d1: {  	v0 =	vmin.f32 v3, v0;
	v33 =	vmin.f32 v30, v31;
	(xrf1) =	vsort.dscd.msk.f32 $0xffff, v32, v32  }
0x3d2: {  	v34 =	vmax.f32 v63, v25;
	v35 =	vmax.f32 v2, v0;
	(xrf1) =	vsort.dscd.msk.f32 $0xffff, v33, v33  }
0x3d3: {  	v36 =	vmax.f32 v22, v26;
	v0 =	vmin.f32 v2, v0;
	(xrf1) =	vsort.dscd.msk.f32 $0xffff, v35, v35  }
0x3d4: {  	v1 =	vmax.f32 v12, v1;
	v37 =	vmax.f32 v34, v36;
	(xrf1) =	vsort.dscd.msk.f32 $0xffff, v0, v0  }
0x3d5: {  	v38 =	vmax.f32 v9, v11;
	v3 =	vmin.f32 v34, v36;
	(xrf1) =	vsort.dscd.msk.f32 $0xffff, v37, v37  }
0x3d6: {  	v40 =	vmax.f32 v10, v1;
	v39 =	vmax.f32 v27, v28;
	(xrf1) =	vsort.dscd.msk.f32 $0xffff, v3, v3  }
0x3d7: {  	v41 =	vmin.f32 v9, v11;
	v42 =	vmax.f32 v38, v40;
	(xrf1) =	vsort.dscd.msk.f32 $0xffff, v39, v39  }
0x3d8: {  	v1 =	vmin.f32 v10, v1;
	v0 =	vmin.f32 v38, v40;
	(xrf1) =	vsort.dscd.msk.f32 $0xffff, v42, v42  }
0x3d9: {  	v43 =	vmax.f32 v49, v52;
	v44 =	vmax.f32 v41, v1;
	(xrf1) =	vsort.dscd.msk.f32 $0xffff, v0, v0  }
0x3da: {  	v45 =	vmax.f32 v51, v53;
	v1 =	vmin.f32 v41, v1;
	(xrf1) =	vsort.dscd.msk.f32 $0xffff, v44, v44  }
0x3db: {  	v46 =	vmax.f32 v43, v45;
	(xrf1) =	vsort.dscd.msk.f32 $0xffff, v1, v1  }
0x3dc: {  	v0 =	vmin.f32 v43, v45;
	(xrf1) =	vsort.dscd.msk.f32 $0xffff, v46, v46  }
0x3dd: {  	v48 =	vmax.f32 v55, v56;
	v47, _, _ =	vpop (xrf1);
	(xrf1) =	vsort.dscd.msk.f32 $0xffff, v0, v0  }
0x3de: {  	[tilespmem:$0x2170] =	vst v47;
	v49, _, _ =	vpop (xrf1);
	(xrf1) =	vsort.dscd.msk.f32 $0xffff, v48, v48  }
0x3df: {  	v50, _, _ =	vpop (xrf1);
	[tilespmem:$0x21F0] =	vst v49  }
0x3e0: {  	v51, _, _ =	vpop (xrf1);
	[tilespmem:$0x2180] =	vst v50  }
0x3e1: {  	v52, _, _ =	vpop (xrf1);
	[tilespmem:$0x2190] =	vst v51  }
0x3e2: {  	v53, _, _ =	vpop (xrf1);
	[tilespmem:$0x21A0] =	vst v52  }
0x3e3: {  	v54, _, _ =	vpop (xrf1);
	[tilespmem:$0x21B0] =	vst v53  }
0x3e4: {  	v55, _, _ =	vpop (xrf1);
	[tilespmem:$0x21C0] =	vst v54  }
0x3e5: {  	v56, _, _ =	vpop (xrf1);
	[tilespmem:$0x21D0] =	vst v55  }
0x3e6: {  	v57, _, _ =	vpop (xrf1);
	[tilespmem:$0x21E0] =	vst v56  }
0x3e7: {  	v58, _, _ =	vpop (xrf1);
	[tilespmem:$0x2100] =	vst v57  }
0x3e8: {  	v59, _, _ =	vpop (xrf1);
	[tilespmem:$0x2110] =	vst v58  }
0x3e9: {  	v60, _, _ =	vpop (xrf1);
	[tilespmem:$0x2120] =	vst v59  }
0x3ea: {  	s20 =	sshll.u32 s20, $0xA;
	v61, _, _ =	vpop (xrf1);
	[tilespmem:$0x2130] =	vst v60  }
0x3eb: {  	s19 =	sadd.s32 $0x1, s19;
	s20 =	sor.u32 s21, s20;
	v62, _, _ =	vpop (xrf1);
	[tilespmem:$0x2140] =	vst v61  }
0x3ec: {  	p0 =	sne.s32 s19, $0x60;
	s20 =	sshrl.u32 s20, $0x3;
	v63, _, _ =	vpop (xrf1);
	[tilespmem:$0x2150] =	vst v62  }
.Ltmp2:
0x3ed: {  	s20 =	sadd.s32 s3, s20;
	[tilespmem:$0x2160] =	vst v63;
	(pc) =	sbr.rel @p0 .LBB2_2-.Ltmp2, $4  }
0x3ee: {  	[hbm4b:s20+s4] =	stream.linear.scatter [tilespmem:s14], [sflag:$0x4], $0x100, $0x38;
	[tilespmem:$0x2200] =	vst v63  }
0x3ef: {  	_ =	swait.ge [sflag:s15], $0x1000  }
0x3f0: {  	[sflag:s15] =	ssyncset.done $0x0  }
0x3f1: {  	[sflag:s15] =	ssyncadd.s32 $0xFFFFF000  }
0x3f2: {  	s18 =	sadd.s32 $0x1, s18  }
0x3f3: {  	_ =	swait.ge [sflag:s16], $0x100;
	p0 =	sne.s32 s18, s7  }
.Ltmp3:
0x3f4: {  	[sflag:s16] =	ssyncset.done $0x0;
	(pc) =	sbr.rel @p0 .LBB2_1-.Ltmp3, $4  }
0x3f5: {  	[sflag:s16] =	ssyncadd.s32 $0xFFFFFF00  }
0x3f6: {  	_ =	swait.ge [sflag:s17], $0x100  }
0x3f7: {  	[sflag:s17] =	ssyncset.done $0x0  }
0x3f8: {  	[sflag:s17] =	ssyncadd.s32 $0xFFFFFF00  }
0x3f9: {  	_ =	sfence.sel $0x180000  }
0x3fa: {  	[bflag:$0x0] =	sbarrier.arrive $0xFFFF  }
0x3fb: {  	p0 =	sne.s32 s0, $0x0;
	_ =	strace $0x90000047  }
0x3fc: {  	s0 =	sadd.s32 @!p0 $0x100000, s1;
	[bflag:$0x2] =	sbarrier.arrive $0xFFFF  }
0x3fd: {  	[sflag:s0] =	ssyncadd.tile.s32 @!p0 $0x1;
	_ =	shalt  }
.Lfunc_end2:
_tile_overlayer_lowered:
.L_overlay_start_2:
0x3fe: {  	(tag) =	ssettag $0x2  }
0x3ff: {  	s0 =	rddreg [dreg:$0x0];
	s2 =	stileid.u32  }
0x400: {  	s1 =	rddreg [dreg:$0x1];
	p0 =	sne.s32 s2, $0x0  }
0x401: {  	s3 =	rddreg [dreg:$0x2];
	[bflag:$0x3] =	sbarrier.arrive $0xFFFF;
	s2 =	simm.s32 @!p0 $0x1C05  }
0x402: {  	[timem:s3], [sflag:s2] =	dma.local @!p0 [hbm:s0], s1  }
0x403: {  	s0 =	simm.s32 @!p0 $0x5  }
0x404: {  	_ =	swait.ge @!p0 [sflag:s0], s1  }
0x405: {  	s1 =	ssub.s32 @!p0 $0x0, s1;
	[sflag:s0] =	ssyncset.done @!p0 $0x0  }
0x406: {  	[sflag:s0] =	ssyncadd.s32 @!p0 s1  }
0x407: {  	[bflag:$0x3] =	sbarrier.arrive $0xFFFF  }
0x408: {  	_ =	shalt  }

</sc_bundles>
